<compile_context>
chip_gen: v7x
topology: tpu7x:2x2x1
jax: 0.10.2.dev20260603
libtpu: 0.0.44.dev20260713+nightly
codegen_flags: <defaults>
</compile_context>

<pallas_src>
import functools
import jax
import jax.numpy as jnp
from jax import lax
from jax.experimental import pallas as pl
from jax.experimental.pallas import tpu as pltpu
from jax.experimental.pallas import tpu_sc as plsc

D = 1024
B = 4
S = 4096
N = B * S
NW = 32
RPW = N // NW
SPW = S // NW
PC = 4
C = PC * B
G = RPW // C
NIN = 2
NOUT = 4
LANES = 16
DCH = D // LANES
SCALE = 32.0


def _sc_body(x_hbm, tok_hbm, pos_hbm, out_hbm,
             idxall, t0, t1, p0, p1, o0, o1, o2, o3,
             gs0, gs1, ps0, ps1, os0, os1, os2, os3):
    cid = lax.axis_index("c")
    sid = lax.axis_index("s")
    wid = sid * 2 + cid
    ibase = wid * RPW
    s0 = wid * SPW

    pltpu.sync_copy(x_hbm.at[pl.ds(ibase, RPW)], idxall)

    toks = (t0, t1)
    poss = (p0, p1)
    outs = (o0, o1, o2, o3)
    gss = (gs0, gs1)
    pss = (ps0, ps1)
    oss = (os0, os1, os2, os3)

    def issue_in(g, tb):
        pltpu.async_copy(tok_hbm.at[idxall.at[pl.ds(g * C, C)]], toks[tb], gss[tb])
        pltpu.async_copy(pos_hbm.at[pl.ds(s0 + g * PC, PC)], poss[tb], pss[tb])

    def wait_in(g, tb):
        pltpu.make_async_copy(
            tok_hbm.at[idxall.at[pl.ds(g * C, C)]], toks[tb], gss[tb]).wait()
        pltpu.make_async_copy(
            pos_hbm.at[pl.ds(s0 + g * PC, PC)], poss[tb], pss[tb]).wait()

    def issue_wb(g, ob):
        for b in range(B):
            pltpu.async_copy(
                outs[ob].at[pl.ds(b * PC, PC)],
                out_hbm.at[pl.ds(b * S + s0 + g * PC, PC)], oss[ob])

    def wait_wb(g, ob):
        for b in range(B):
            pltpu.make_async_copy(
                outs[ob].at[pl.ds(b * PC, PC)],
                out_hbm.at[pl.ds(b * S + s0 + g * PC, PC)], oss[ob]).wait()

    issue_in(0, 0)
    issue_in(1, 1)

    def quad_body(i, carry):
        for bb in range(NOUT):
            g = i * NOUT + bb
            tb = bb % NIN
            ob = bb
            ob2 = (bb + 2) % NOUT
            if bb < 2:
                @pl.when(i >= 1)
                def _():
                    wait_wb(g - 2, ob2)
            else:
                wait_wb(g - 2, ob2)
            wait_in(g, tb)
            tokb, posb, outb = toks[tb], poss[tb], outs[ob]

            def dcol(d, rc):
                dsl = pl.ds(d * LANES, LANES)
                for sl in range(PC):
                    pv = posb[sl, dsl]
                    for b in range(B):
                        r = b * PC + sl
                        outb[r, dsl] = tokb[r, dsl] * SCALE + pv
                return rc

            lax.fori_loop(0, DCH, dcol, 0)
            issue_wb(g, ob)
            if bb < 2:
                issue_in(g + 2, tb)
            else:
                @pl.when(i < (G // NOUT - 1))
                def _():
                    issue_in(g + 2, tb)
        return carry

    lax.fori_loop(0, G // NOUT, quad_body, 0)
    wait_wb(G - 2, 2)
    wait_wb(G - 1, 3)


@jax.jit
def _run(x_perm, token_table, pos_table):
    mesh = plsc.VectorSubcoreMesh(core_axis_name="c", subcore_axis_name="s")
    k = pl.kernel(
        _sc_body,
        out_type=jax.ShapeDtypeStruct((N, D), jnp.float32),
        mesh=mesh,
        scratch_types=(
            [pltpu.VMEM((RPW,), jnp.int32)]
            + [pltpu.VMEM((C, D), jnp.float32) for _ in range(NIN)]
            + [pltpu.VMEM((PC, D), jnp.float32) for _ in range(NIN)]
            + [pltpu.VMEM((C, D), jnp.float32) for _ in range(NOUT)]
            + [pltpu.SemaphoreType.DMA for _ in range(2 * NIN + NOUT)]
        ),
    )
    return k(x_perm, token_table, pos_table)


def kernel(x, token_table, pos_table):
    x_perm = x.reshape(B, NW, G, PC).transpose(1, 2, 0, 3).reshape(-1)
    out = _run(x_perm, token_table, pos_table)
    return out.reshape(B, S, D)

# --- scband reference (transcript-rebuilt; emitter-appended) ---
"""Pipeline reference for scband-embeddings-45183055954509 (READ-ONLY COPY).

The authoritative reference and input builder live on the scoring server;
editing this copy changes nothing except your own understanding.
"""

import jax, jax.numpy as jnp
import numpy as np

VOCAB = 100000
D_MODEL = 1024
MAX_SEQ = 4096
PAD = 0
B = 4
S = 4096


def setup_inputs(seed: int = 0) -> dict:
    key = jax.random.key(seed)
    k1, k2, k3 = jax.random.split(key, 3)
    x = jax.random.randint(k1, (B, S), 0, VOCAB, dtype=jnp.int32)
    token_table = jax.random.normal(k2, (VOCAB, D_MODEL), dtype=jnp.float32) * 0.02
    # padding_idx row is zero-initialized like nn.Embedding(padding_idx=0)
    token_table = token_table.at[PAD].set(0.0)
    pos_table = jax.random.normal(k3, (MAX_SEQ, D_MODEL), dtype=jnp.float32) * 0.02
    return {"x": x, "token_table": token_table, "pos_table": pos_table}


def reference(x, token_table, pos_table):
    # TokenEmbedding: gather rows of token_table
    tok = jnp.take(token_table, x, axis=0)  # [B, S, D]
    # AbsolutePositionalEmbedding: positions = arange(seq_len)[None]
    seq_len = x.shape[1]
    pos = jnp.take(pos_table, jnp.arange(seq_len), axis=0)[None, :, :]  # [1, S, D]
    scale = jnp.sqrt(jnp.asarray(D_MODEL, dtype=jnp.float32))
    # Embeddings.forward: token_embeddings * scale + positional_embeddings; dropout p=0 -> identity
    return tok * scale + pos

if __name__ == "__main__":
    import jax
    _d = setup_inputs()
    print(jax.jit(kernel)(*tuple(_d.values())))

</pallas_src>

<mosaic_0001>
#map = affine_map<(d0, d1) -> (0)>
#map1 = affine_map<(d0, d1) -> (0, 0)>
module attributes {stable_mosaic.version = 14 : i64} {
  func.func @_sc_body(%arg0: i32, %arg1: i32, %arg2: memref<16384xi32, #tpu.memory_space<hbm>>, %arg3: memref<100000x1024xf32, #tpu.memory_space<hbm>>, %arg4: memref<4096x1024xf32, #tpu.memory_space<hbm>>, %arg5: memref<16384x1024xf32, #tpu.memory_space<hbm>>, %arg6: memref<512xi32, #tpu.memory_space<vmem>>, %arg7: memref<16x1024xf32, #tpu.memory_space<vmem>>, %arg8: memref<16x1024xf32, #tpu.memory_space<vmem>>, %arg9: memref<4x1024xf32, #tpu.memory_space<vmem>>, %arg10: memref<4x1024xf32, #tpu.memory_space<vmem>>, %arg11: memref<16x1024xf32, #tpu.memory_space<vmem>>, %arg12: memref<16x1024xf32, #tpu.memory_space<vmem>>, %arg13: memref<16x1024xf32, #tpu.memory_space<vmem>>, %arg14: memref<16x1024xf32, #tpu.memory_space<vmem>>, %arg15: memref<!tpu.dma_semaphore, #tpu.memory_space<semaphore_mem>>, %arg16: memref<!tpu.dma_semaphore, #tpu.memory_space<semaphore_mem>>, %arg17: memref<!tpu.dma_semaphore, #tpu.memory_space<semaphore_mem>>, %arg18: memref<!tpu.dma_semaphore, #tpu.memory_space<semaphore_mem>>, %arg19: memref<!tpu.dma_semaphore, #tpu.memory_space<semaphore_mem>>, %arg20: memref<!tpu.dma_semaphore, #tpu.memory_space<semaphore_mem>>, %arg21: memref<!tpu.dma_semaphore, #tpu.memory_space<semaphore_mem>>, %arg22: memref<!tpu.dma_semaphore, #tpu.memory_space<semaphore_mem>>) attributes {dimension_semantics = [#tpu.dimension_semantics<core_parallel>, #tpu.dimension_semantics<subcore_parallel>], iteration_bounds = array<i64: 2, 16>, scalar_prefetch = 0 : i64, scratch_operands = 17 : i64, tpu.core_type = #tpu.core_type<sc_vector_subcore>, window_params = [{transform_indices = #map}, {transform_indices = #map1}, {transform_indices = #map1}, {transform_indices = #map1}]} {
    %mul3A = arith.constant 2 : i32
    %mul3A_0 = arith.muli %arg1, %mul3A : i32
    %add3A = arith.addi %mul3A_0, %arg0 : i32
    %mul3A_1 = arith.constant 512 : i32
    %mul3A_2 = arith.muli %add3A, %mul3A_1 : i32
    %mul3A_3 = arith.constant 128 : i32
    %mul3A_4 = arith.muli %add3A, %mul3A_3 : i32
    "tpu.region"() ({
      %run_scoped3A = tpu.sem_alloc : memref<!tpu.dma_semaphore, #tpu.memory_space<semaphore_mem>>
      %dma_start3A_142 = tpu.memref_slice %arg2[%mul3A_2] : memref<16384xi32, #tpu.memory_space<hbm>> -> memref<512xi32, #tpu.memory_space<hbm>>
      %dma_start3A_143 = tpu.memref_slice %arg2[%mul3A_2] : memref<16384xi32, #tpu.memory_space<hbm>> -> memref<512xi32, #tpu.memory_space<hbm>>
      tpu.enqueue_dma source(%dma_start3A_143 : memref<512xi32, #tpu.memory_space<hbm>>) target(%arg6 : memref<512xi32, #tpu.memory_space<vmem>>) target_semaphore(%run_scoped3A : memref<!tpu.dma_semaphore, #tpu.memory_space<semaphore_mem>>)
      %dma_wait3A_144 = tpu.memref_slice %arg2[%mul3A_2] : memref<16384xi32, #tpu.memory_space<hbm>> -> memref<512xi32, #tpu.memory_space<hbm>>
      %dma_wait3A_145 = tpu.memref_slice %arg2[%mul3A_2] : memref<16384xi32, #tpu.memory_space<hbm>> -> memref<512xi32, #tpu.memory_space<hbm>>
      tpu.wait_dma2 semaphore(%run_scoped3A : memref<!tpu.dma_semaphore, #tpu.memory_space<semaphore_mem>>) src(%dma_wait3A_145 : memref<512xi32, #tpu.memory_space<hbm>>) dst(%arg6 : memref<512xi32, #tpu.memory_space<vmem>>)
      tpu.yield
    }) : () -> ()
    %dma_start3A = arith.constant 0 : i32
    %dma_start3A_5 = tpu.memref_slice %arg6[%dma_start3A] : memref<512xi32, #tpu.memory_space<vmem>> -> memref<16xi32, #tpu.memory_space<vmem>>
    %dma_start3A_6 = arith.constant 0 : i32
    %dma_start3A_7 = arith.constant 0 : i32
    %dma_start3A_8 = tpu.memref_slice %arg3[%dma_start3A_6, %dma_start3A_7] : memref<100000x1024xf32, #tpu.memory_space<hbm>> -> memref<100000x1024xf32, #tpu.memory_space<hbm>>
    tpu.enqueue_indirect_dma source(%dma_start3A_8 : memref<100000x1024xf32, #tpu.memory_space<hbm>>) target(%arg7 : memref<16x1024xf32, #tpu.memory_space<vmem>>) offsets(%dma_start3A_5 : memref<16xi32, #tpu.memory_space<vmem>>) semaphore(%arg15 : memref<!tpu.dma_semaphore, #tpu.memory_space<semaphore_mem>>)
    %add3A_9 = arith.constant 0 : i32
    %add3A_10 = arith.addi %mul3A_4, %add3A_9 : i32
    %dma_start3A_11 = arith.constant 0 : i32
    %dma_start3A_12 = tpu.memref_slice %arg4[%add3A_10, %dma_start3A_11] : memref<4096x1024xf32, #tpu.memory_space<hbm>> -> memref<4x1024xf32, #tpu.memory_space<hbm>>
    %dma_start3A_13 = arith.constant 0 : i32
    %dma_start3A_14 = tpu.memref_slice %arg4[%add3A_10, %dma_start3A_13] : memref<4096x1024xf32, #tpu.memory_space<hbm>> -> memref<4x1024xf32, #tpu.memory_space<hbm>>
    tpu.enqueue_dma source(%dma_start3A_14 : memref<4x1024xf32, #tpu.memory_space<hbm>>) target(%arg9 : memref<4x1024xf32, #tpu.memory_space<vmem>>) target_semaphore(%arg17 : memref<!tpu.dma_semaphore, #tpu.memory_space<semaphore_mem>>)
    %dma_start3A_15 = arith.constant 16 : i32
    %dma_start3A_16 = tpu.memref_slice %arg6[%dma_start3A_15] : memref<512xi32, #tpu.memory_space<vmem>> -> memref<16xi32, #tpu.memory_space<vmem>>
    %dma_start3A_17 = arith.constant 0 : i32
    %dma_start3A_18 = arith.constant 0 : i32
    %dma_start3A_19 = tpu.memref_slice %arg3[%dma_start3A_17, %dma_start3A_18] : memref<100000x1024xf32, #tpu.memory_space<hbm>> -> memref<100000x1024xf32, #tpu.memory_space<hbm>>
    tpu.enqueue_indirect_dma source(%dma_start3A_19 : memref<100000x1024xf32, #tpu.memory_space<hbm>>) target(%arg8 : memref<16x1024xf32, #tpu.memory_space<vmem>>) offsets(%dma_start3A_16 : memref<16xi32, #tpu.memory_space<vmem>>) semaphore(%arg16 : memref<!tpu.dma_semaphore, #tpu.memory_space<semaphore_mem>>)
    %add3A_20 = arith.constant 4 : i32
    %add3A_21 = arith.addi %mul3A_4, %add3A_20 : i32
    %dma_start3A_22 = arith.constant 0 : i32
    %dma_start3A_23 = tpu.memref_slice %arg4[%add3A_21, %dma_start3A_22] : memref<4096x1024xf32, #tpu.memory_space<hbm>> -> memref<4x1024xf32, #tpu.memory_space<hbm>>
    %dma_start3A_24 = arith.constant 0 : i32
    %dma_start3A_25 = tpu.memref_slice %arg4[%add3A_21, %dma_start3A_24] : memref<4096x1024xf32, #tpu.memory_space<hbm>> -> memref<4x1024xf32, #tpu.memory_space<hbm>>
    tpu.enqueue_dma source(%dma_start3A_25 : memref<4x1024xf32, #tpu.memory_space<hbm>>) target(%arg10 : memref<4x1024xf32, #tpu.memory_space<vmem>>) target_semaphore(%arg18 : memref<!tpu.dma_semaphore, #tpu.memory_space<semaphore_mem>>)
    %scan3A = arith.constant 0 : i32
    %scan3A_26 = arith.constant 0 : i32
    %scan3A_27 = arith.constant 8 : i32
    %scan3A_28 = arith.addi %scan3A_26, %scan3A_27 : i32
    %scan3A_29 = arith.constant 1 : i32
    scf.for %scan3A_142 = %scan3A_26 to %scan3A_28 step %scan3A_29  : i32 {
      %mul3A_143 = arith.constant 4 : i32
      %mul3A_144 = arith.muli %scan3A_142, %mul3A_143 : i32
      %add3A_145 = arith.constant 0 : i32
      %add3A_146 = arith.addi %mul3A_144, %add3A_145 : i32
      %ge3A = arith.constant 1 : i32
      %ge3A_147 = arith.cmpi sge, %scan3A_142, %ge3A : i32
      %convert_element_type3A = arith.extui %ge3A_147 : i1 to i32
      %cond3A = arith.constant 0 : i32
      %cond3A_148 = arith.cmpi ne, %convert_element_type3A, %cond3A : i32
      scf.if %cond3A_148 {
        %sub3A_644 = arith.constant 2 : i32
        %sub3A_645 = arith.subi %add3A_146, %sub3A_644 : i32
        %add3A_646 = arith.constant 0 : i32
        %add3A_647 = arith.addi %add3A_646, %mul3A_4 : i32
        %mul3A_648 = arith.constant 4 : i32
        %mul3A_649 = arith.muli %sub3A_645, %mul3A_648 : i32
        %add3A_650 = arith.addi %add3A_647, %mul3A_649 : i32
        %dma_wait3A_651 = arith.constant 0 : i32
        %dma_wait3A_652 = arith.constant 0 : i32
        %dma_wait3A_653 = tpu.memref_slice %arg13[%dma_wait3A_651, %dma_wait3A_652] : memref<16x1024xf32, #tpu.memory_space<vmem>> -> memref<4x1024xf32, #tpu.memory_space<vmem>>
        %dma_wait3A_654 = arith.constant 0 : i32
        %dma_wait3A_655 = tpu.memref_slice %arg5[%add3A_650, %dma_wait3A_654] : memref<16384x1024xf32, #tpu.memory_space<hbm>> -> memref<4x1024xf32, #tpu.memory_space<hbm>>
        %dma_wait3A_656 = arith.constant 0 : i32
        %dma_wait3A_657 = tpu.memref_slice %arg5[%add3A_650, %dma_wait3A_656] : memref<16384x1024xf32, #tpu.memory_space<hbm>> -> memref<4x1024xf32, #tpu.memory_space<hbm>>
        %dma_wait3A_658 = arith.constant 0 : i32
        %dma_wait3A_659 = arith.constant 0 : i32
        %dma_wait3A_660 = tpu.memref_slice %arg13[%dma_wait3A_658, %dma_wait3A_659] : memref<16x1024xf32, #tpu.memory_space<vmem>> -> memref<4x1024xf32, #tpu.memory_space<vmem>>
        tpu.wait_dma2 semaphore(%arg21 : memref<!tpu.dma_semaphore, #tpu.memory_space<semaphore_mem>>) src(%dma_wait3A_660 : memref<4x1024xf32, #tpu.memory_space<vmem>>) dst(%dma_wait3A_657 : memref<4x1024xf32, #tpu.memory_space<hbm>>)
        %add3A_661 = arith.constant 4096 : i32
        %add3A_662 = arith.addi %add3A_661, %mul3A_4 : i32
        %mul3A_663 = arith.constant 4 : i32
        %mul3A_664 = arith.muli %sub3A_645, %mul3A_663 : i32
        %add3A_665 = arith.addi %add3A_662, %mul3A_664 : i32
        %dma_wait3A_666 = arith.constant 4 : i32
        %dma_wait3A_667 = arith.constant 0 : i32
        %dma_wait3A_668 = tpu.memref_slice %arg13[%dma_wait3A_666, %dma_wait3A_667] : memref<16x1024xf32, #tpu.memory_space<vmem>> -> memref<4x1024xf32, #tpu.memory_space<vmem>>
        %dma_wait3A_669 = arith.constant 0 : i32
        %dma_wait3A_670 = tpu.memref_slice %arg5[%add3A_665, %dma_wait3A_669] : memref<16384x1024xf32, #tpu.memory_space<hbm>> -> memref<4x1024xf32, #tpu.memory_space<hbm>>
        %dma_wait3A_671 = arith.constant 0 : i32
        %dma_wait3A_672 = tpu.memref_slice %arg5[%add3A_665, %dma_wait3A_671] : memref<16384x1024xf32, #tpu.memory_space<hbm>> -> memref<4x1024xf32, #tpu.memory_space<hbm>>
        %dma_wait3A_673 = arith.constant 4 : i32
        %dma_wait3A_674 = arith.constant 0 : i32
        %dma_wait3A_675 = tpu.memref_slice %arg13[%dma_wait3A_673, %dma_wait3A_674] : memref<16x1024xf32, #tpu.memory_space<vmem>> -> memref<4x1024xf32, #tpu.memory_space<vmem>>
        tpu.wait_dma2 semaphore(%arg21 : memref<!tpu.dma_semaphore, #tpu.memory_space<semaphore_mem>>) src(%dma_wait3A_675 : memref<4x1024xf32, #tpu.memory_space<vmem>>) dst(%dma_wait3A_672 : memref<4x1024xf32, #tpu.memory_space<hbm>>)
        %add3A_676 = arith.constant 8192 : i32
        %add3A_677 = arith.addi %add3A_676, %mul3A_4 : i32
        %mul3A_678 = arith.constant 4 : i32
        %mul3A_679 = arith.muli %sub3A_645, %mul3A_678 : i32
        %add3A_680 = arith.addi %add3A_677, %mul3A_679 : i32
        %dma_wait3A_681 = arith.constant 8 : i32
        %dma_wait3A_682 = arith.constant 0 : i32
        %dma_wait3A_683 = tpu.memref_slice %arg13[%dma_wait3A_681, %dma_wait3A_682] : memref<16x1024xf32, #tpu.memory_space<vmem>> -> memref<4x1024xf32, #tpu.memory_space<vmem>>
        %dma_wait3A_684 = arith.constant 0 : i32
        %dma_wait3A_685 = tpu.memref_slice %arg5[%add3A_680, %dma_wait3A_684] : memref<16384x1024xf32, #tpu.memory_space<hbm>> -> memref<4x1024xf32, #tpu.memory_space<hbm>>
        %dma_wait3A_686 = arith.constant 0 : i32
        %dma_wait3A_687 = tpu.memref_slice %arg5[%add3A_680, %dma_wait3A_686] : memref<16384x1024xf32, #tpu.memory_space<hbm>> -> memref<4x1024xf32, #tpu.memory_space<hbm>>
        %dma_wait3A_688 = arith.constant 8 : i32
        %dma_wait3A_689 = arith.constant 0 : i32
        %dma_wait3A_690 = tpu.memref_slice %arg13[%dma_wait3A_688, %dma_wait3A_689] : memref<16x1024xf32, #tpu.memory_space<vmem>> -> memref<4x1024xf32, #tpu.memory_space<vmem>>
        tpu.wait_dma2 semaphore(%arg21 : memref<!tpu.dma_semaphore, #tpu.memory_space<semaphore_mem>>) src(%dma_wait3A_690 : memref<4x1024xf32, #tpu.memory_space<vmem>>) dst(%dma_wait3A_687 : memref<4x1024xf32, #tpu.memory_space<hbm>>)
        %add3A_691 = arith.constant 12288 : i32
        %add3A_692 = arith.addi %add3A_691, %mul3A_4 : i32
        %mul3A_693 = arith.constant 4 : i32
        %mul3A_694 = arith.muli %sub3A_645, %mul3A_693 : i32
        %add3A_695 = arith.addi %add3A_692, %mul3A_694 : i32
        %dma_wait3A_696 = arith.constant 12 : i32
        %dma_wait3A_697 = arith.constant 0 : i32
        %dma_wait3A_698 = tpu.memref_slice %arg13[%dma_wait3A_696, %dma_wait3A_697] : memref<16x1024xf32, #tpu.memory_space<vmem>> -> memref<4x1024xf32, #tpu.memory_space<vmem>>
        %dma_wait3A_699 = arith.constant 0 : i32
        %dma_wait3A_700 = tpu.memref_slice %arg5[%add3A_695, %dma_wait3A_699] : memref<16384x1024xf32, #tpu.memory_space<hbm>> -> memref<4x1024xf32, #tpu.memory_space<hbm>>
        %dma_wait3A_701 = arith.constant 0 : i32
        %dma_wait3A_702 = tpu.memref_slice %arg5[%add3A_695, %dma_wait3A_701] : memref<16384x1024xf32, #tpu.memory_space<hbm>> -> memref<4x1024xf32, #tpu.memory_space<hbm>>
        %dma_wait3A_703 = arith.constant 12 : i32
        %dma_wait3A_704 = arith.constant 0 : i32
        %dma_wait3A_705 = tpu.memref_slice %arg13[%dma_wait3A_703, %dma_wait3A_704] : memref<16x1024xf32, #tpu.memory_space<vmem>> -> memref<4x1024xf32, #tpu.memory_space<vmem>>
        tpu.wait_dma2 semaphore(%arg21 : memref<!tpu.dma_semaphore, #tpu.memory_space<semaphore_mem>>) src(%dma_wait3A_705 : memref<4x1024xf32, #tpu.memory_space<vmem>>) dst(%dma_wait3A_702 : memref<4x1024xf32, #tpu.memory_space<hbm>>)
      } else {
      }
      %mul3A_149 = arith.constant 16 : i32
      %mul3A_150 = arith.muli %add3A_146, %mul3A_149 : i32
      %dma_wait3A_151 = tpu.memref_slice %arg6[%mul3A_150] : memref<512xi32, #tpu.memory_space<vmem>> -> memref<16xi32, #tpu.memory_space<vmem>>
      %dma_wait3A_152 = arith.constant 0 : i32
      %dma_wait3A_153 = arith.constant 0 : i32
      %dma_wait3A_154 = tpu.memref_slice %arg3[%dma_wait3A_152, %dma_wait3A_153] : memref<100000x1024xf32, #tpu.memory_space<hbm>> -> memref<100000x1024xf32, #tpu.memory_space<hbm>>
      tpu.wait_indirect_dma semaphore(%arg15 : memref<!tpu.dma_semaphore, #tpu.memory_space<semaphore_mem>>) src(%dma_wait3A_154 : memref<100000x1024xf32, #tpu.memory_space<hbm>>) dst(%arg7 : memref<16x1024xf32, #tpu.memory_space<vmem>>)
      %mul3A_155 = arith.constant 4 : i32
      %mul3A_156 = arith.muli %add3A_146, %mul3A_155 : i32
      %add3A_157 = arith.addi %mul3A_4, %mul3A_156 : i32
      %dma_wait3A_158 = arith.constant 0 : i32
      %dma_wait3A_159 = tpu.memref_slice %arg4[%add3A_157, %dma_wait3A_158] : memref<4096x1024xf32, #tpu.memory_space<hbm>> -> memref<4x1024xf32, #tpu.memory_space<hbm>>
      %dma_wait3A_160 = arith.constant 0 : i32
      %dma_wait3A_161 = tpu.memref_slice %arg4[%add3A_157, %dma_wait3A_160] : memref<4096x1024xf32, #tpu.memory_space<hbm>> -> memref<4x1024xf32, #tpu.memory_space<hbm>>
      tpu.wait_dma2 semaphore(%arg17 : memref<!tpu.dma_semaphore, #tpu.memory_space<semaphore_mem>>) src(%dma_wait3A_161 : memref<4x1024xf32, #tpu.memory_space<hbm>>) dst(%arg9 : memref<4x1024xf32, #tpu.memory_space<vmem>>)
      %scan3A_162 = arith.constant 0 : i32
      %scan3A_163 = arith.constant 0 : i32
      %scan3A_164 = arith.constant 64 : i32
      %scan3A_165 = arith.addi %scan3A_163, %scan3A_164 : i32
      %scan3A_166 = arith.constant 1 : i32
      scf.for %scan3A_644 = %scan3A_163 to %scan3A_165 step %scan3A_166  : i32 {
        %mul3A_645 = arith.constant 16 : i32
        %mul3A_646 = arith.muli %scan3A_644, %mul3A_645 : i32
        %get3A = arith.constant 0 : i32
        %get3A_647 = arith.index_cast %get3A : i32 to index
        %get3A_648 = arith.index_cast %mul3A_646 : i32 to index
        %get3A_649 = tpu.vector_load %arg9[%get3A_647, %get3A_648] {strides = array<i32>} : memref<4x1024xf32, #tpu.memory_space<vmem>>, vector<1x16xf32>,
        %get3A_650 = vector.shape_cast %get3A_649 : vector<1x16xf32> to vector<16xf32>
        %get3A_651 = arith.constant 0 : i32
        %get3A_652 = arith.index_cast %get3A_651 : i32 to index
        %get3A_653 = arith.index_cast %mul3A_646 : i32 to index
        %get3A_654 = tpu.vector_load %arg7[%get3A_652, %get3A_653] {strides = array<i32>} : memref<16x1024xf32, #tpu.memory_space<vmem>>, vector<1x16xf32>,
        %get3A_655 = vector.shape_cast %get3A_654 : vector<1x16xf32> to vector<16xf32>
        %mul3A_656 = arith.constant 3.200000e+01 : f32
        %mul3A_657 = vector.broadcast %mul3A_656 : f32 to vector<16xf32>
        %mul3A_658 = arith.mulf %get3A_655, %mul3A_657 : vector<16xf32>
        %add3A_659 = arith.addf %mul3A_658, %get3A_650 : vector<16xf32>
        %swap3A = arith.constant 0 : i32
        %swap3A_660 = arith.index_cast %swap3A : i32 to index
        %swap3A_661 = arith.index_cast %mul3A_646 : i32 to index
        %swap3A_662 = tpu.vector_load %arg11[%swap3A_660, %swap3A_661] {strides = array<i32>} : memref<16x1024xf32, #tpu.memory_space<vmem>>, vector<1x16xf32>,
        %swap3A_663 = vector.shape_cast %swap3A_662 : vector<1x16xf32> to vector<16xf32>
        %swap3A_664 = vector.shape_cast %add3A_659 : vector<16xf32> to vector<1x16xf32>
        tpu.vector_store %arg11[%swap3A_660, %swap3A_661], %swap3A_664 {strides = array<i32>} : memref<16x1024xf32, #tpu.memory_space<vmem>>, vector<1x16xf32>,
        %get3A_665 = arith.constant 4 : i32
        %get3A_666 = arith.index_cast %get3A_665 : i32 to index
        %get3A_667 = arith.index_cast %mul3A_646 : i32 to index
        %get3A_668 = tpu.vector_load %arg7[%get3A_666, %get3A_667] {strides = array<i32>} : memref<16x1024xf32, #tpu.memory_space<vmem>>, vector<1x16xf32>,
        %get3A_669 = vector.shape_cast %get3A_668 : vector<1x16xf32> to vector<16xf32>
        %mul3A_670 = arith.constant 3.200000e+01 : f32
        %mul3A_671 = vector.broadcast %mul3A_670 : f32 to vector<16xf32>
        %mul3A_672 = arith.mulf %get3A_669, %mul3A_671 : vector<16xf32>
        %add3A_673 = arith.addf %mul3A_672, %get3A_650 : vector<16xf32>
        %swap3A_674 = arith.constant 4 : i32
        %swap3A_675 = arith.index_cast %swap3A_674 : i32 to index
        %swap3A_676 = arith.index_cast %mul3A_646 : i32 to index
        %swap3A_677 = tpu.vector_load %arg11[%swap3A_675, %swap3A_676] {strides = array<i32>} : memref<16x1024xf32, #tpu.memory_space<vmem>>, vector<1x16xf32>,
        %swap3A_678 = vector.shape_cast %swap3A_677 : vector<1x16xf32> to vector<16xf32>
        %swap3A_679 = vector.shape_cast %add3A_673 : vector<16xf32> to vector<1x16xf32>
        tpu.vector_store %arg11[%swap3A_675, %swap3A_676], %swap3A_679 {strides = array<i32>} : memref<16x1024xf32, #tpu.memory_space<vmem>>, vector<1x16xf32>,
        %get3A_680 = arith.constant 8 : i32
        %get3A_681 = arith.index_cast %get3A_680 : i32 to index
        %get3A_682 = arith.index_cast %mul3A_646 : i32 to index
        %get3A_683 = tpu.vector_load %arg7[%get3A_681, %get3A_682] {strides = array<i32>} : memref<16x1024xf32, #tpu.memory_space<vmem>>, vector<1x16xf32>,
        %get3A_684 = vector.shape_cast %get3A_683 : vector<1x16xf32> to vector<16xf32>
        %mul3A_685 = arith.constant 3.200000e+01 : f32
        %mul3A_686 = vector.broadcast %mul3A_685 : f32 to vector<16xf32>
        %mul3A_687 = arith.mulf %get3A_684, %mul3A_686 : vector<16xf32>
        %add3A_688 = arith.addf %mul3A_687, %get3A_650 : vector<16xf32>
        %swap3A_689 = arith.constant 8 : i32
        %swap3A_690 = arith.index_cast %swap3A_689 : i32 to index
        %swap3A_691 = arith.index_cast %mul3A_646 : i32 to index
        %swap3A_692 = tpu.vector_load %arg11[%swap3A_690, %swap3A_691] {strides = array<i32>} : memref<16x1024xf32, #tpu.memory_space<vmem>>, vector<1x16xf32>,
        %swap3A_693 = vector.shape_cast %swap3A_692 : vector<1x16xf32> to vector<16xf32>
        %swap3A_694 = vector.shape_cast %add3A_688 : vector<16xf32> to vector<1x16xf32>
        tpu.vector_store %arg11[%swap3A_690, %swap3A_691], %swap3A_694 {strides = array<i32>} : memref<16x1024xf32, #tpu.memory_space<vmem>>, vector<1x16xf32>,
        %get3A_695 = arith.constant 12 : i32
        %get3A_696 = arith.index_cast %get3A_695 : i32 to index
        %get3A_697 = arith.index_cast %mul3A_646 : i32 to index
        %get3A_698 = tpu.vector_load %arg7[%get3A_696, %get3A_697] {strides = array<i32>} : memref<16x1024xf32, #tpu.memory_space<vmem>>, vector<1x16xf32>,
        %get3A_699 = vector.shape_cast %get3A_698 : vector<1x16xf32> to vector<16xf32>
        %mul3A_700 = arith.constant 3.200000e+01 : f32
        %mul3A_701 = vector.broadcast %mul3A_700 : f32 to vector<16xf32>
        %mul3A_702 = arith.mulf %get3A_699, %mul3A_701 : vector<16xf32>
        %add3A_703 = arith.addf %mul3A_702, %get3A_650 : vector<16xf32>
        %swap3A_704 = arith.constant 12 : i32
        %swap3A_705 = arith.index_cast %swap3A_704 : i32 to index
        %swap3A_706 = arith.index_cast %mul3A_646 : i32 to index
        %swap3A_707 = tpu.vector_load %arg11[%swap3A_705, %swap3A_706] {strides = array<i32>} : memref<16x1024xf32, #tpu.memory_space<vmem>>, vector<1x16xf32>,
        %swap3A_708 = vector.shape_cast %swap3A_707 : vector<1x16xf32> to vector<16xf32>
        %swap3A_709 = vector.shape_cast %add3A_703 : vector<16xf32> to vector<1x16xf32>
        tpu.vector_store %arg11[%swap3A_705, %swap3A_706], %swap3A_709 {strides = array<i32>} : memref<16x1024xf32, #tpu.memory_space<vmem>>, vector<1x16xf32>,
        %get3A_710 = arith.constant 1 : i32
        %get3A_711 = arith.index_cast %get3A_710 : i32 to index
        %get3A_712 = arith.index_cast %mul3A_646 : i32 to index
        %get3A_713 = tpu.vector_load %arg9[%get3A_711, %get3A_712] {strides = array<i32>} : memref<4x1024xf32, #tpu.memory_space<vmem>>, vector<1x16xf32>,
        %get3A_714 = vector.shape_cast %get3A_713 : vector<1x16xf32> to vector<16xf32>
        %get3A_715 = arith.constant 1 : i32
        %get3A_716 = arith.index_cast %get3A_715 : i32 to index
        %get3A_717 = arith.index_cast %mul3A_646 : i32 to index
        %get3A_718 = tpu.vector_load %arg7[%get3A_716, %get3A_717] {strides = array<i32>} : memref<16x1024xf32, #tpu.memory_space<vmem>>, vector<1x16xf32>,
        %get3A_719 = vector.shape_cast %get3A_718 : vector<1x16xf32> to vector<16xf32>
        %mul3A_720 = arith.constant 3.200000e+01 : f32
        %mul3A_721 = vector.broadcast %mul3A_720 : f32 to vector<16xf32>
        %mul3A_722 = arith.mulf %get3A_719, %mul3A_721 : vector<16xf32>
        %add3A_723 = arith.addf %mul3A_722, %get3A_714 : vector<16xf32>
        %swap3A_724 = arith.constant 1 : i32
        %swap3A_725 = arith.index_cast %swap3A_724 : i32 to index
        %swap3A_726 = arith.index_cast %mul3A_646 : i32 to index
        %swap3A_727 = tpu.vector_load %arg11[%swap3A_725, %swap3A_726] {strides = array<i32>} : memref<16x1024xf32, #tpu.memory_space<vmem>>, vector<1x16xf32>,
        %swap3A_728 = vector.shape_cast %swap3A_727 : vector<1x16xf32> to vector<16xf32>
        %swap3A_729 = vector.shape_cast %add3A_723 : vector<16xf32> to vector<1x16xf32>
        tpu.vector_store %arg11[%swap3A_725, %swap3A_726], %swap3A_729 {strides = array<i32>} : memref<16x1024xf32, #tpu.memory_space<vmem>>, vector<1x16xf32>,
        %get3A_730 = arith.constant 5 : i32
        %get3A_731 = arith.index_cast %get3A_730 : i32 to index
        %get3A_732 = arith.index_cast %mul3A_646 : i32 to index
        %get3A_733 = tpu.vector_load %arg7[%get3A_731, %get3A_732] {strides = array<i32>} : memref<16x1024xf32, #tpu.memory_space<vmem>>, vector<1x16xf32>,
        %get3A_734 = vector.shape_cast %get3A_733 : vector<1x16xf32> to vector<16xf32>
        %mul3A_735 = arith.constant 3.200000e+01 : f32
        %mul3A_736 = vector.broadcast %mul3A_735 : f32 to vector<16xf32>
        %mul3A_737 = arith.mulf %get3A_734, %mul3A_736 : vector<16xf32>
        %add3A_738 = arith.addf %mul3A_737, %get3A_714 : vector<16xf32>
        %swap3A_739 = arith.constant 5 : i32
        %swap3A_740 = arith.index_cast %swap3A_739 : i32 to index
        %swap3A_741 = arith.index_cast %mul3A_646 : i32 to index
        %swap3A_742 = tpu.vector_load %arg11[%swap3A_740, %swap3A_741] {strides = array<i32>} : memref<16x1024xf32, #tpu.memory_space<vmem>>, vector<1x16xf32>,
        %swap3A_743 = vector.shape_cast %swap3A_742 : vector<1x16xf32> to vector<16xf32>
        %swap3A_744 = vector.shape_cast %add3A_738 : vector<16xf32> to vector<1x16xf32>
        tpu.vector_store %arg11[%swap3A_740, %swap3A_741], %swap3A_744 {strides = array<i32>} : memref<16x1024xf32, #tpu.memory_space<vmem>>, vector<1x16xf32>,
        %get3A_745 = arith.constant 9 : i32
        %get3A_746 = arith.index_cast %get3A_745 : i32 to index
        %get3A_747 = arith.index_cast %mul3A_646 : i32 to index
        %get3A_748 = tpu.vector_load %arg7[%get3A_746, %get3A_747] {strides = array<i32>} : memref<16x1024xf32, #tpu.memory_space<vmem>>, vector<1x16xf32>,
        %get3A_749 = vector.shape_cast %get3A_748 : vector<1x16xf32> to vector<16xf32>
        %mul3A_750 = arith.constant 3.200000e+01 : f32
        %mul3A_751 = vector.broadcast %mul3A_750 : f32 to vector<16xf32>
        %mul3A_752 = arith.mulf %get3A_749, %mul3A_751 : vector<16xf32>
        %add3A_753 = arith.addf %mul3A_752, %get3A_714 : vector<16xf32>
        %swap3A_754 = arith.constant 9 : i32
        %swap3A_755 = arith.index_cast %swap3A_754 : i32 to index
        %swap3A_756 = arith.index_cast %mul3A_646 : i32 to index
        %swap3A_757 = tpu.vector_load %arg11[%swap3A_755, %swap3A_756] {strides = array<i32>} : memref<16x1024xf32, #tpu.memory_space<vmem>>, vector<1x16xf32>,
        %swap3A_758 = vector.shape_cast %swap3A_757 : vector<1x16xf32> to vector<16xf32>
        %swap3A_759 = vector.shape_cast %add3A_753 : vector<16xf32> to vector<1x16xf32>
        tpu.vector_store %arg11[%swap3A_755, %swap3A_756], %swap3A_759 {strides = array<i32>} : memref<16x1024xf32, #tpu.memory_space<vmem>>, vector<1x16xf32>,
        %get3A_760 = arith.constant 13 : i32
        %get3A_761 = arith.index_cast %get3A_760 : i32 to index
        %get3A_762 = arith.index_cast %mul3A_646 : i32 to index
        %get3A_763 = tpu.vector_load %arg7[%get3A_761, %get3A_762] {strides = array<i32>} : memref<16x1024xf32, #tpu.memory_space<vmem>>, vector<1x16xf32>,
        %get3A_764 = vector.shape_cast %get3A_763 : vector<1x16xf32> to vector<16xf32>
        %mul3A_765 = arith.constant 3.200000e+01 : f32
        %mul3A_766 = vector.broadcast %mul3A_765 : f32 to vector<16xf32>
        %mul3A_767 = arith.mulf %get3A_764, %mul3A_766 : vector<16xf32>
        %add3A_768 = arith.addf %mul3A_767, %get3A_714 : vector<16xf32>
        %swap3A_769 = arith.constant 13 : i32
        %swap3A_770 = arith.index_cast %swap3A_769 : i32 to index
        %swap3A_771 = arith.index_cast %mul3A_646 : i32 to index
        %swap3A_772 = tpu.vector_load %arg11[%swap3A_770, %swap3A_771] {strides = array<i32>} : memref<16x1024xf32, #tpu.memory_space<vmem>>, vector<1x16xf32>,
        %swap3A_773 = vector.shape_cast %swap3A_772 : vector<1x16xf32> to vector<16xf32>
        %swap3A_774 = vector.shape_cast %add3A_768 : vector<16xf32> to vector<1x16xf32>
        tpu.vector_store %arg11[%swap3A_770, %swap3A_771], %swap3A_774 {strides = array<i32>} : memref<16x1024xf32, #tpu.memory_space<vmem>>, vector<1x16xf32>,
        %get3A_775 = arith.constant 2 : i32
        %get3A_776 = arith.index_cast %get3A_775 : i32 to index
        %get3A_777 = arith.index_cast %mul3A_646 : i32 to index
        %get3A_778 = tpu.vector_load %arg9[%get3A_776, %get3A_777] {strides = array<i32>} : memref<4x1024xf32, #tpu.memory_space<vmem>>, vector<1x16xf32>,
        %get3A_779 = vector.shape_cast %get3A_778 : vector<1x16xf32> to vector<16xf32>
        %get3A_780 = arith.constant 2 : i32
        %get3A_781 = arith.index_cast %get3A_780 : i32 to index
        %get3A_782 = arith.index_cast %mul3A_646 : i32 to index
        %get3A_783 = tpu.vector_load %arg7[%get3A_781, %get3A_782] {strides = array<i32>} : memref<16x1024xf32, #tpu.memory_space<vmem>>, vector<1x16xf32>,
        %get3A_784 = vector.shape_cast %get3A_783 : vector<1x16xf32> to vector<16xf32>
        %mul3A_785 = arith.constant 3.200000e+01 : f32
        %mul3A_786 = vector.broadcast %mul3A_785 : f32 to vector<16xf32>
        %mul3A_787 = arith.mulf %get3A_784, %mul3A_786 : vector<16xf32>
        %add3A_788 = arith.addf %mul3A_787, %get3A_779 : vector<16xf32>
        %swap3A_789 = arith.constant 2 : i32
        %swap3A_790 = arith.index_cast %swap3A_789 : i32 to index
        %swap3A_791 = arith.index_cast %mul3A_646 : i32 to index
        %swap3A_792 = tpu.vector_load %arg11[%swap3A_790, %swap3A_791] {strides = array<i32>} : memref<16x1024xf32, #tpu.memory_space<vmem>>, vector<1x16xf32>,
        %swap3A_793 = vector.shape_cast %swap3A_792 : vector<1x16xf32> to vector<16xf32>
        %swap3A_794 = vector.shape_cast %add3A_788 : vector<16xf32> to vector<1x16xf32>
        tpu.vector_store %arg11[%swap3A_790, %swap3A_791], %swap3A_794 {strides = array<i32>} : memref<16x1024xf32, #tpu.memory_space<vmem>>, vector<1x16xf32>,
        %get3A_795 = arith.constant 6 : i32
        %get3A_796 = arith.index_cast %get3A_795 : i32 to index
        %get3A_797 = arith.index_cast %mul3A_646 : i32 to index
        %get3A_798 = tpu.vector_load %arg7[%get3A_796, %get3A_797] {strides = array<i32>} : memref<16x1024xf32, #tpu.memory_space<vmem>>, vector<1x16xf32>,
        %get3A_799 = vector.shape_cast %get3A_798 : vector<1x16xf32> to vector<16xf32>
        %mul3A_800 = arith.constant 3.200000e+01 : f32
        %mul3A_801 = vector.broadcast %mul3A_800 : f32 to vector<16xf32>
        %mul3A_802 = arith.mulf %get3A_799, %mul3A_801 : vector<16xf32>
        %add3A_803 = arith.addf %mul3A_802, %get3A_779 : vector<16xf32>
        %swap3A_804 = arith.constant 6 : i32
        %swap3A_805 = arith.index_cast %swap3A_804 : i32 to index
        %swap3A_806 = arith.index_cast %mul3A_646 : i32 to index
        %swap3A_807 = tpu.vector_load %arg11[%swap3A_805, %swap3A_806] {strides = array<i32>} : memref<16x1024xf32, #tpu.memory_space<vmem>>, vector<1x16xf32>,
        %swap3A_808 = vector.shape_cast %swap3A_807 : vector<1x16xf32> to vector<16xf32>
        %swap3A_809 = vector.shape_cast %add3A_803 : vector<16xf32> to vector<1x16xf32>
        tpu.vector_store %arg11[%swap3A_805, %swap3A_806], %swap3A_809 {strides = array<i32>} : memref<16x1024xf32, #tpu.memory_space<vmem>>, vector<1x16xf32>,
        %get3A_810 = arith.constant 10 : i32
        %get3A_811 = arith.index_cast %get3A_810 : i32 to index
        %get3A_812 = arith.index_cast %mul3A_646 : i32 to index
        %get3A_813 = tpu.vector_load %arg7[%get3A_811, %get3A_812] {strides = array<i32>} : memref<16x1024xf32, #tpu.memory_space<vmem>>, vector<1x16xf32>,
        %get3A_814 = vector.shape_cast %get3A_813 : vector<1x16xf32> to vector<16xf32>
        %mul3A_815 = arith.constant 3.200000e+01 : f32
        %mul3A_816 = vector.broadcast %mul3A_815 : f32 to vector<16xf32>
        %mul3A_817 = arith.mulf %get3A_814, %mul3A_816 : vector<16xf32>
        %add3A_818 = arith.addf %mul3A_817, %get3A_779 : vector<16xf32>
        %swap3A_819 = arith.constant 10 : i32
        %swap3A_820 = arith.index_cast %swap3A_819 : i32 to index
        %swap3A_821 = arith.index_cast %mul3A_646 : i32 to index
        %swap3A_822 = tpu.vector_load %arg11[%swap3A_820, %swap3A_821] {strides = array<i32>} : memref<16x1024xf32, #tpu.memory_space<vmem>>, vector<1x16xf32>,
        %swap3A_823 = vector.shape_cast %swap3A_822 : vector<1x16xf32> to vector<16xf32>
        %swap3A_824 = vector.shape_cast %add3A_818 : vector<16xf32> to vector<1x16xf32>
        tpu.vector_store %arg11[%swap3A_820, %swap3A_821], %swap3A_824 {strides = array<i32>} : memref<16x1024xf32, #tpu.memory_space<vmem>>, vector<1x16xf32>,
        %get3A_825 = arith.constant 14 : i32
        %get3A_826 = arith.index_cast %get3A_825 : i32 to index
        %get3A_827 = arith.index_cast %mul3A_646 : i32 to index
        %get3A_828 = tpu.vector_load %arg7[%get3A_826, %get3A_827] {strides = array<i32>} : memref<16x1024xf32, #tpu.memory_space<vmem>>, vector<1x16xf32>,
        %get3A_829 = vector.shape_cast %get3A_828 : vector<1x16xf32> to vector<16xf32>
        %mul3A_830 = arith.constant 3.200000e+01 : f32
        %mul3A_831 = vector.broadcast %mul3A_830 : f32 to vector<16xf32>
        %mul3A_832 = arith.mulf %get3A_829, %mul3A_831 : vector<16xf32>
        %add3A_833 = arith.addf %mul3A_832, %get3A_779 : vector<16xf32>
        %swap3A_834 = arith.constant 14 : i32
        %swap3A_835 = arith.index_cast %swap3A_834 : i32 to index
        %swap3A_836 = arith.index_cast %mul3A_646 : i32 to index
        %swap3A_837 = tpu.vector_load %arg11[%swap3A_835, %swap3A_836] {strides = array<i32>} : memref<16x1024xf32, #tpu.memory_space<vmem>>, vector<1x16xf32>,
        %swap3A_838 = vector.shape_cast %swap3A_837 : vector<1x16xf32> to vector<16xf32>
        %swap3A_839 = vector.shape_cast %add3A_833 : vector<16xf32> to vector<1x16xf32>
        tpu.vector_store %arg11[%swap3A_835, %swap3A_836], %swap3A_839 {strides = array<i32>} : memref<16x1024xf32, #tpu.memory_space<vmem>>, vector<1x16xf32>,
        %get3A_840 = arith.constant 3 : i32
        %get3A_841 = arith.index_cast %get3A_840 : i32 to index
        %get3A_842 = arith.index_cast %mul3A_646 : i32 to index
        %get3A_843 = tpu.vector_load %arg9[%get3A_841, %get3A_842] {strides = array<i32>} : memref<4x1024xf32, #tpu.memory_space<vmem>>, vector<1x16xf32>,
        %get3A_844 = vector.shape_cast %get3A_843 : vector<1x16xf32> to vector<16xf32>
        %get3A_845 = arith.constant 3 : i32
        %get3A_846 = arith.index_cast %get3A_845 : i32 to index
        %get3A_847 = arith.index_cast %mul3A_646 : i32 to index
        %get3A_848 = tpu.vector_load %arg7[%get3A_846, %get3A_847] {strides = array<i32>} : memref<16x1024xf32, #tpu.memory_space<vmem>>, vector<1x16xf32>,
        %get3A_849 = vector.shape_cast %get3A_848 : vector<1x16xf32> to vector<16xf32>
        %mul3A_850 = arith.constant 3.200000e+01 : f32
        %mul3A_851 = vector.broadcast %mul3A_850 : f32 to vector<16xf32>
        %mul3A_852 = arith.mulf %get3A_849, %mul3A_851 : vector<16xf32>
        %add3A_853 = arith.addf %mul3A_852, %get3A_844 : vector<16xf32>
        %swap3A_854 = arith.constant 3 : i32
        %swap3A_855 = arith.index_cast %swap3A_854 : i32 to index
        %swap3A_856 = arith.index_cast %mul3A_646 : i32 to index
        %swap3A_857 = tpu.vector_load %arg11[%swap3A_855, %swap3A_856] {strides = array<i32>} : memref<16x1024xf32, #tpu.memory_space<vmem>>, vector<1x16xf32>,
        %swap3A_858 = vector.shape_cast %swap3A_857 : vector<1x16xf32> to vector<16xf32>
        %swap3A_859 = vector.shape_cast %add3A_853 : vector<16xf32> to vector<1x16xf32>
        tpu.vector_store %arg11[%swap3A_855, %swap3A_856], %swap3A_859 {strides = array<i32>} : memref<16x1024xf32, #tpu.memory_space<vmem>>, vector<1x16xf32>,
        %get3A_860 = arith.constant 7 : i32
        %get3A_861 = arith.index_cast %get3A_860 : i32 to index
        %get3A_862 = arith.index_cast %mul3A_646 : i32 to index
        %get3A_863 = tpu.vector_load %arg7[%get3A_861, %get3A_862] {strides = array<i32>} : memref<16x1024xf32, #tpu.memory_space<vmem>>, vector<1x16xf32>,
        %get3A_864 = vector.shape_cast %get3A_863 : vector<1x16xf32> to vector<16xf32>
        %mul3A_865 = arith.constant 3.200000e+01 : f32
        %mul3A_866 = vector.broadcast %mul3A_865 : f32 to vector<16xf32>
        %mul3A_867 = arith.mulf %get3A_864, %mul3A_866 : vector<16xf32>
        %add3A_868 = arith.addf %mul3A_867, %get3A_844 : vector<16xf32>
        %swap3A_869 = arith.constant 7 : i32
        %swap3A_870 = arith.index_cast %swap3A_869 : i32 to index
        %swap3A_871 = arith.index_cast %mul3A_646 : i32 to index
        %swap3A_872 = tpu.vector_load %arg11[%swap3A_870, %swap3A_871] {strides = array<i32>} : memref<16x1024xf32, #tpu.memory_space<vmem>>, vector<1x16xf32>,
        %swap3A_873 = vector.shape_cast %swap3A_872 : vector<1x16xf32> to vector<16xf32>
        %swap3A_874 = vector.shape_cast %add3A_868 : vector<16xf32> to vector<1x16xf32>
        tpu.vector_store %arg11[%swap3A_870, %swap3A_871], %swap3A_874 {strides = array<i32>} : memref<16x1024xf32, #tpu.memory_space<vmem>>, vector<1x16xf32>,
        %get3A_875 = arith.constant 11 : i32
        %get3A_876 = arith.index_cast %get3A_875 : i32 to index
        %get3A_877 = arith.index_cast %mul3A_646 : i32 to index
        %get3A_878 = tpu.vector_load %arg7[%get3A_876, %get3A_877] {strides = array<i32>} : memref<16x1024xf32, #tpu.memory_space<vmem>>, vector<1x16xf32>,
        %get3A_879 = vector.shape_cast %get3A_878 : vector<1x16xf32> to vector<16xf32>
        %mul3A_880 = arith.constant 3.200000e+01 : f32
        %mul3A_881 = vector.broadcast %mul3A_880 : f32 to vector<16xf32>
        %mul3A_882 = arith.mulf %get3A_879, %mul3A_881 : vector<16xf32>
        %add3A_883 = arith.addf %mul3A_882, %get3A_844 : vector<16xf32>
        %swap3A_884 = arith.constant 11 : i32
        %swap3A_885 = arith.index_cast %swap3A_884 : i32 to index
        %swap3A_886 = arith.index_cast %mul3A_646 : i32 to index
        %swap3A_887 = tpu.vector_load %arg11[%swap3A_885, %swap3A_886] {strides = array<i32>} : memref<16x1024xf32, #tpu.memory_space<vmem>>, vector<1x16xf32>,
        %swap3A_888 = vector.shape_cast %swap3A_887 : vector<1x16xf32> to vector<16xf32>
        %swap3A_889 = vector.shape_cast %add3A_883 : vector<16xf32> to vector<1x16xf32>
        tpu.vector_store %arg11[%swap3A_885, %swap3A_886], %swap3A_889 {strides = array<i32>} : memref<16x1024xf32, #tpu.memory_space<vmem>>, vector<1x16xf32>,
        %get3A_890 = arith.constant 15 : i32
        %get3A_891 = arith.index_cast %get3A_890 : i32 to index
        %get3A_892 = arith.index_cast %mul3A_646 : i32 to index
        %get3A_893 = tpu.vector_load %arg7[%get3A_891, %get3A_892] {strides = array<i32>} : memref<16x1024xf32, #tpu.memory_space<vmem>>, vector<1x16xf32>,
        %get3A_894 = vector.shape_cast %get3A_893 : vector<1x16xf32> to vector<16xf32>
        %mul3A_895 = arith.constant 3.200000e+01 : f32
        %mul3A_896 = vector.broadcast %mul3A_895 : f32 to vector<16xf32>
        %mul3A_897 = arith.mulf %get3A_894, %mul3A_896 : vector<16xf32>
        %add3A_898 = arith.addf %mul3A_897, %get3A_844 : vector<16xf32>
        %swap3A_899 = arith.constant 15 : i32
        %swap3A_900 = arith.index_cast %swap3A_899 : i32 to index
        %swap3A_901 = arith.index_cast %mul3A_646 : i32 to index
        %swap3A_902 = tpu.vector_load %arg11[%swap3A_900, %swap3A_901] {strides = array<i32>} : memref<16x1024xf32, #tpu.memory_space<vmem>>, vector<1x16xf32>,
        %swap3A_903 = vector.shape_cast %swap3A_902 : vector<1x16xf32> to vector<16xf32>
        %swap3A_904 = vector.shape_cast %add3A_898 : vector<16xf32> to vector<1x16xf32>
        tpu.vector_store %arg11[%swap3A_900, %swap3A_901], %swap3A_904 {strides = array<i32>} : memref<16x1024xf32, #tpu.memory_space<vmem>>, vector<1x16xf32>,
      }
      %scan3A_167 = arith.constant 64 : i32
      %add3A_168 = arith.constant 0 : i32
      %add3A_169 = arith.addi %add3A_168, %mul3A_4 : i32
      %mul3A_170 = arith.constant 4 : i32
      %mul3A_171 = arith.muli %add3A_146, %mul3A_170 : i32
      %add3A_172 = arith.addi %add3A_169, %mul3A_171 : i32
      %dma_start3A_173 = arith.constant 0 : i32
      %dma_start3A_174 = arith.constant 0 : i32
      %dma_start3A_175 = tpu.memref_slice %arg11[%dma_start3A_173, %dma_start3A_174] : memref<16x1024xf32, #tpu.memory_space<vmem>> -> memref<4x1024xf32, #tpu.memory_space<vmem>>
      %dma_start3A_176 = arith.constant 0 : i32
      %dma_start3A_177 = tpu.memref_slice %arg5[%add3A_172, %dma_start3A_176] : memref<16384x1024xf32, #tpu.memory_space<hbm>> -> memref<4x1024xf32, #tpu.memory_space<hbm>>
      %dma_start3A_178 = arith.constant 0 : i32
      %dma_start3A_179 = tpu.memref_slice %arg5[%add3A_172, %dma_start3A_178] : memref<16384x1024xf32, #tpu.memory_space<hbm>> -> memref<4x1024xf32, #tpu.memory_space<hbm>>
      %dma_start3A_180 = arith.constant 0 : i32
      %dma_start3A_181 = arith.constant 0 : i32
      %dma_start3A_182 = tpu.memref_slice %arg11[%dma_start3A_180, %dma_start3A_181] : memref<16x1024xf32, #tpu.memory_space<vmem>> -> memref<4x1024xf32, #tpu.memory_space<vmem>>
      tpu.enqueue_dma source(%dma_start3A_182 : memref<4x1024xf32, #tpu.memory_space<vmem>>) target(%dma_start3A_179 : memref<4x1024xf32, #tpu.memory_space<hbm>>) target_semaphore(%arg19 : memref<!tpu.dma_semaphore, #tpu.memory_space<semaphore_mem>>)
      %add3A_183 = arith.constant 4096 : i32
      %add3A_184 = arith.addi %add3A_183, %mul3A_4 : i32
      %mul3A_185 = arith.constant 4 : i32
      %mul3A_186 = arith.muli %add3A_146, %mul3A_185 : i32
      %add3A_187 = arith.addi %add3A_184, %mul3A_186 : i32
      %dma_start3A_188 = arith.constant 4 : i32
      %dma_start3A_189 = arith.constant 0 : i32
      %dma_start3A_190 = tpu.memref_slice %arg11[%dma_start3A_188, %dma_start3A_189] : memref<16x1024xf32, #tpu.memory_space<vmem>> -> memref<4x1024xf32, #tpu.memory_space<vmem>>
      %dma_start3A_191 = arith.constant 0 : i32
      %dma_start3A_192 = tpu.memref_slice %arg5[%add3A_187, %dma_start3A_191] : memref<16384x1024xf32, #tpu.memory_space<hbm>> -> memref<4x1024xf32, #tpu.memory_space<hbm>>
      %dma_start3A_193 = arith.constant 0 : i32
      %dma_start3A_194 = tpu.memref_slice %arg5[%add3A_187, %dma_start3A_193] : memref<16384x1024xf32, #tpu.memory_space<hbm>> -> memref<4x1024xf32, #tpu.memory_space<hbm>>
      %dma_start3A_195 = arith.constant 4 : i32
      %dma_start3A_196 = arith.constant 0 : i32
      %dma_start3A_197 = tpu.memref_slice %arg11[%dma_start3A_195, %dma_start3A_196] : memref<16x1024xf32, #tpu.memory_space<vmem>> -> memref<4x1024xf32, #tpu.memory_space<vmem>>
      tpu.enqueue_dma source(%dma_start3A_197 : memref<4x1024xf32, #tpu.memory_space<vmem>>) target(%dma_start3A_194 : memref<4x1024xf32, #tpu.memory_space<hbm>>) target_semaphore(%arg19 : memref<!tpu.dma_semaphore, #tpu.memory_space<semaphore_mem>>)
      %add3A_198 = arith.constant 8192 : i32
      %add3A_199 = arith.addi %add3A_198, %mul3A_4 : i32
      %mul3A_200 = arith.constant 4 : i32
      %mul3A_201 = arith.muli %add3A_146, %mul3A_200 : i32
      %add3A_202 = arith.addi %add3A_199, %mul3A_201 : i32
      %dma_start3A_203 = arith.constant 8 : i32
      %dma_start3A_204 = arith.constant 0 : i32
      %dma_start3A_205 = tpu.memref_slice %arg11[%dma_start3A_203, %dma_start3A_204] : memref<16x1024xf32, #tpu.memory_space<vmem>> -> memref<4x1024xf32, #tpu.memory_space<vmem>>
      %dma_start3A_206 = arith.constant 0 : i32
      %dma_start3A_207 = tpu.memref_slice %arg5[%add3A_202, %dma_start3A_206] : memref<16384x1024xf32, #tpu.memory_space<hbm>> -> memref<4x1024xf32, #tpu.memory_space<hbm>>
      %dma_start3A_208 = arith.constant 0 : i32
      %dma_start3A_209 = tpu.memref_slice %arg5[%add3A_202, %dma_start3A_208] : memref<16384x1024xf32, #tpu.memory_space<hbm>> -> memref<4x1024xf32, #tpu.memory_space<hbm>>
      %dma_start3A_210 = arith.constant 8 : i32
      %dma_start3A_211 = arith.constant 0 : i32
      %dma_start3A_212 = tpu.memref_slice %arg11[%dma_start3A_210, %dma_start3A_211] : memref<16x1024xf32, #tpu.memory_space<vmem>> -> memref<4x1024xf32, #tpu.memory_space<vmem>>
      tpu.enqueue_dma source(%dma_start3A_212 : memref<4x1024xf32, #tpu.memory_space<vmem>>) target(%dma_start3A_209 : memref<4x1024xf32, #tpu.memory_space<hbm>>) target_semaphore(%arg19 : memref<!tpu.dma_semaphore, #tpu.memory_space<semaphore_mem>>)
      %add3A_213 = arith.constant 12288 : i32
      %add3A_214 = arith.addi %add3A_213, %mul3A_4 : i32
      %mul3A_215 = arith.constant 4 : i32
      %mul3A_216 = arith.muli %add3A_146, %mul3A_215 : i32
      %add3A_217 = arith.addi %add3A_214, %mul3A_216 : i32
      %dma_start3A_218 = arith.constant 12 : i32
      %dma_start3A_219 = arith.constant 0 : i32
      %dma_start3A_220 = tpu.memref_slice %arg11[%dma_start3A_218, %dma_start3A_219] : memref<16x1024xf32, #tpu.memory_space<vmem>> -> memref<4x1024xf32, #tpu.memory_space<vmem>>
      %dma_start3A_221 = arith.constant 0 : i32
      %dma_start3A_222 = tpu.memref_slice %arg5[%add3A_217, %dma_start3A_221] : memref<16384x1024xf32, #tpu.memory_space<hbm>> -> memref<4x1024xf32, #tpu.memory_space<hbm>>
      %dma_start3A_223 = arith.constant 0 : i32
      %dma_start3A_224 = tpu.memref_slice %arg5[%add3A_217, %dma_start3A_223] : memref<16384x1024xf32, #tpu.memory_space<hbm>> -> memref<4x1024xf32, #tpu.memory_space<hbm>>
      %dma_start3A_225 = arith.constant 12 : i32
      %dma_start3A_226 = arith.constant 0 : i32
      %dma_start3A_227 = tpu.memref_slice %arg11[%dma_start3A_225, %dma_start3A_226] : memref<16x1024xf32, #tpu.memory_space<vmem>> -> memref<4x1024xf32, #tpu.memory_space<vmem>>
      tpu.enqueue_dma source(%dma_start3A_227 : memref<4x1024xf32, #tpu.memory_space<vmem>>) target(%dma_start3A_224 : memref<4x1024xf32, #tpu.memory_space<hbm>>) target_semaphore(%arg19 : memref<!tpu.dma_semaphore, #tpu.memory_space<semaphore_mem>>)
      %add3A_228 = arith.constant 2 : i32
      %add3A_229 = arith.addi %add3A_146, %add3A_228 : i32
      %mul3A_230 = arith.constant 16 : i32
      %mul3A_231 = arith.muli %add3A_229, %mul3A_230 : i32
      %dma_start3A_232 = tpu.memref_slice %arg6[%mul3A_231] : memref<512xi32, #tpu.memory_space<vmem>> -> memref<16xi32, #tpu.memory_space<vmem>>
      %dma_start3A_233 = arith.constant 0 : i32
      %dma_start3A_234 = arith.constant 0 : i32
      %dma_start3A_235 = tpu.memref_slice %arg3[%dma_start3A_233, %dma_start3A_234] : memref<100000x1024xf32, #tpu.memory_space<hbm>> -> memref<100000x1024xf32, #tpu.memory_space<hbm>>
      tpu.enqueue_indirect_dma source(%dma_start3A_235 : memref<100000x1024xf32, #tpu.memory_space<hbm>>) target(%arg7 : memref<16x1024xf32, #tpu.memory_space<vmem>>) offsets(%dma_start3A_232 : memref<16xi32, #tpu.memory_space<vmem>>) semaphore(%arg15 : memref<!tpu.dma_semaphore, #tpu.memory_space<semaphore_mem>>)
      %mul3A_236 = arith.constant 4 : i32
      %mul3A_237 = arith.muli %add3A_229, %mul3A_236 : i32
      %add3A_238 = arith.addi %mul3A_4, %mul3A_237 : i32
      %dma_start3A_239 = arith.constant 0 : i32
      %dma_start3A_240 = tpu.memref_slice %arg4[%add3A_238, %dma_start3A_239] : memref<4096x1024xf32, #tpu.memory_space<hbm>> -> memref<4x1024xf32, #tpu.memory_space<hbm>>
      %dma_start3A_241 = arith.constant 0 : i32
      %dma_start3A_242 = tpu.memref_slice %arg4[%add3A_238, %dma_start3A_241] : memref<4096x1024xf32, #tpu.memory_space<hbm>> -> memref<4x1024xf32, #tpu.memory_space<hbm>>
      tpu.enqueue_dma source(%dma_start3A_242 : memref<4x1024xf32, #tpu.memory_space<hbm>>) target(%arg9 : memref<4x1024xf32, #tpu.memory_space<vmem>>) target_semaphore(%arg17 : memref<!tpu.dma_semaphore, #tpu.memory_space<semaphore_mem>>)
      %mul3A_243 = arith.constant 4 : i32
      %mul3A_244 = arith.muli %scan3A_142, %mul3A_243 : i32
      %add3A_245 = arith.constant 1 : i32
      %add3A_246 = arith.addi %mul3A_244, %add3A_245 : i32
      %ge3A_247 = arith.constant 1 : i32
      %ge3A_248 = arith.cmpi sge, %scan3A_142, %ge3A_247 : i32
      %convert_element_type3A_249 = arith.extui %ge3A_248 : i1 to i32
      %cond3A_250 = arith.constant 0 : i32
      %cond3A_251 = arith.cmpi ne, %convert_element_type3A_249, %cond3A_250 : i32
      scf.if %cond3A_251 {
        %sub3A_644 = arith.constant 2 : i32
        %sub3A_645 = arith.subi %add3A_246, %sub3A_644 : i32
        %add3A_646 = arith.constant 0 : i32
        %add3A_647 = arith.addi %add3A_646, %mul3A_4 : i32
        %mul3A_648 = arith.constant 4 : i32
        %mul3A_649 = arith.muli %sub3A_645, %mul3A_648 : i32
        %add3A_650 = arith.addi %add3A_647, %mul3A_649 : i32
        %dma_wait3A_651 = arith.constant 0 : i32
        %dma_wait3A_652 = arith.constant 0 : i32
        %dma_wait3A_653 = tpu.memref_slice %arg14[%dma_wait3A_651, %dma_wait3A_652] : memref<16x1024xf32, #tpu.memory_space<vmem>> -> memref<4x1024xf32, #tpu.memory_space<vmem>>
        %dma_wait3A_654 = arith.constant 0 : i32
        %dma_wait3A_655 = tpu.memref_slice %arg5[%add3A_650, %dma_wait3A_654] : memref<16384x1024xf32, #tpu.memory_space<hbm>> -> memref<4x1024xf32, #tpu.memory_space<hbm>>
        %dma_wait3A_656 = arith.constant 0 : i32
        %dma_wait3A_657 = tpu.memref_slice %arg5[%add3A_650, %dma_wait3A_656] : memref<16384x1024xf32, #tpu.memory_space<hbm>> -> memref<4x1024xf32, #tpu.memory_space<hbm>>
        %dma_wait3A_658 = arith.constant 0 : i32
        %dma_wait3A_659 = arith.constant 0 : i32
        %dma_wait3A_660 = tpu.memref_slice %arg14[%dma_wait3A_658, %dma_wait3A_659] : memref<16x1024xf32, #tpu.memory_space<vmem>> -> memref<4x1024xf32, #tpu.memory_space<vmem>>
        tpu.wait_dma2 semaphore(%arg22 : memref<!tpu.dma_semaphore, #tpu.memory_space<semaphore_mem>>) src(%dma_wait3A_660 : memref<4x1024xf32, #tpu.memory_space<vmem>>) dst(%dma_wait3A_657 : memref<4x1024xf32, #tpu.memory_space<hbm>>)
        %add3A_661 = arith.constant 4096 : i32
        %add3A_662 = arith.addi %add3A_661, %mul3A_4 : i32
        %mul3A_663 = arith.constant 4 : i32
        %mul3A_664 = arith.muli %sub3A_645, %mul3A_663 : i32
        %add3A_665 = arith.addi %add3A_662, %mul3A_664 : i32
        %dma_wait3A_666 = arith.constant 4 : i32
        %dma_wait3A_667 = arith.constant 0 : i32
        %dma_wait3A_668 = tpu.memref_slice %arg14[%dma_wait3A_666, %dma_wait3A_667] : memref<16x1024xf32, #tpu.memory_space<vmem>> -> memref<4x1024xf32, #tpu.memory_space<vmem>>
        %dma_wait3A_669 = arith.constant 0 : i32
        %dma_wait3A_670 = tpu.memref_slice %arg5[%add3A_665, %dma_wait3A_669] : memref<16384x1024xf32, #tpu.memory_space<hbm>> -> memref<4x1024xf32, #tpu.memory_space<hbm>>
        %dma_wait3A_671 = arith.constant 0 : i32
        %dma_wait3A_672 = tpu.memref_slice %arg5[%add3A_665, %dma_wait3A_671] : memref<16384x1024xf32, #tpu.memory_space<hbm>> -> memref<4x1024xf32, #tpu.memory_space<hbm>>
        %dma_wait3A_673 = arith.constant 4 : i32
        %dma_wait3A_674 = arith.constant 0 : i32
        %dma_wait3A_675 = tpu.memref_slice %arg14[%dma_wait3A_673, %dma_wait3A_674] : memref<16x1024xf32, #tpu.memory_space<vmem>> -> memref<4x1024xf32, #tpu.memory_space<vmem>>
        tpu.wait_dma2 semaphore(%arg22 : memref<!tpu.dma_semaphore, #tpu.memory_space<semaphore_mem>>) src(%dma_wait3A_675 : memref<4x1024xf32, #tpu.memory_space<vmem>>) dst(%dma_wait3A_672 : memref<4x1024xf32, #tpu.memory_space<hbm>>)
        %add3A_676 = arith.constant 8192 : i32
        %add3A_677 = arith.addi %add3A_676, %mul3A_4 : i32
        %mul3A_678 = arith.constant 4 : i32
        %mul3A_679 = arith.muli %sub3A_645, %mul3A_678 : i32
        %add3A_680 = arith.addi %add3A_677, %mul3A_679 : i32
        %dma_wait3A_681 = arith.constant 8 : i32
        %dma_wait3A_682 = arith.constant 0 : i32
        %dma_wait3A_683 = tpu.memref_slice %arg14[%dma_wait3A_681, %dma_wait3A_682] : memref<16x1024xf32, #tpu.memory_space<vmem>> -> memref<4x1024xf32, #tpu.memory_space<vmem>>
        %dma_wait3A_684 = arith.constant 0 : i32
        %dma_wait3A_685 = tpu.memref_slice %arg5[%add3A_680, %dma_wait3A_684] : memref<16384x1024xf32, #tpu.memory_space<hbm>> -> memref<4x1024xf32, #tpu.memory_space<hbm>>
        %dma_wait3A_686 = arith.constant 0 : i32
        %dma_wait3A_687 = tpu.memref_slice %arg5[%add3A_680, %dma_wait3A_686] : memref<16384x1024xf32, #tpu.memory_space<hbm>> -> memref<4x1024xf32, #tpu.memory_space<hbm>>
        %dma_wait3A_688 = arith.constant 8 : i32
        %dma_wait3A_689 = arith.constant 0 : i32
        %dma_wait3A_690 = tpu.memref_slice %arg14[%dma_wait3A_688, %dma_wait3A_689] : memref<16x1024xf32, #tpu.memory_space<vmem>> -> memref<4x1024xf32, #tpu.memory_space<vmem>>
        tpu.wait_dma2 semaphore(%arg22 : memref<!tpu.dma_semaphore, #tpu.memory_space<semaphore_mem>>) src(%dma_wait3A_690 : memref<4x1024xf32, #tpu.memory_space<vmem>>) dst(%dma_wait3A_687 : memref<4x1024xf32, #tpu.memory_space<hbm>>)
        %add3A_691 = arith.constant 12288 : i32
        %add3A_692 = arith.addi %add3A_691, %mul3A_4 : i32
        %mul3A_693 = arith.constant 4 : i32
        %mul3A_694 = arith.muli %sub3A_645, %mul3A_693 : i32
        %add3A_695 = arith.addi %add3A_692, %mul3A_694 : i32
        %dma_wait3A_696 = arith.constant 12 : i32
        %dma_wait3A_697 = arith.constant 0 : i32
        %dma_wait3A_698 = tpu.memref_slice %arg14[%dma_wait3A_696, %dma_wait3A_697] : memref<16x1024xf32, #tpu.memory_space<vmem>> -> memref<4x1024xf32, #tpu.memory_space<vmem>>
        %dma_wait3A_699 = arith.constant 0 : i32
        %dma_wait3A_700 = tpu.memref_slice %arg5[%add3A_695, %dma_wait3A_699] : memref<16384x1024xf32, #tpu.memory_space<hbm>> -> memref<4x1024xf32, #tpu.memory_space<hbm>>
        %dma_wait3A_701 = arith.constant 0 : i32
        %dma_wait3A_702 = tpu.memref_slice %arg5[%add3A_695, %dma_wait3A_701] : memref<16384x1024xf32, #tpu.memory_space<hbm>> -> memref<4x1024xf32, #tpu.memory_space<hbm>>
        %dma_wait3A_703 = arith.constant 12 : i32
        %dma_wait3A_704 = arith.constant 0 : i32
        %dma_wait3A_705 = tpu.memref_slice %arg14[%dma_wait3A_703, %dma_wait3A_704] : memref<16x1024xf32, #tpu.memory_space<vmem>> -> memref<4x1024xf32, #tpu.memory_space<vmem>>
        tpu.wait_dma2 semaphore(%arg22 : memref<!tpu.dma_semaphore, #tpu.memory_space<semaphore_mem>>) src(%dma_wait3A_705 : memref<4x1024xf32, #tpu.memory_space<vmem>>) dst(%dma_wait3A_702 : memref<4x1024xf32, #tpu.memory_space<hbm>>)
      } else {
      }
      %mul3A_252 = arith.constant 16 : i32
      %mul3A_253 = arith.muli %add3A_246, %mul3A_252 : i32
      %dma_wait3A_254 = tpu.memref_slice %arg6[%mul3A_253] : memref<512xi32, #tpu.memory_space<vmem>> -> memref<16xi32, #tpu.memory_space<vmem>>
      %dma_wait3A_255 = arith.constant 0 : i32
      %dma_wait3A_256 = arith.constant 0 : i32
      %dma_wait3A_257 = tpu.memref_slice %arg3[%dma_wait3A_255, %dma_wait3A_256] : memref<100000x1024xf32, #tpu.memory_space<hbm>> -> memref<100000x1024xf32, #tpu.memory_space<hbm>>
      tpu.wait_indirect_dma semaphore(%arg16 : memref<!tpu.dma_semaphore, #tpu.memory_space<semaphore_mem>>) src(%dma_wait3A_257 : memref<100000x1024xf32, #tpu.memory_space<hbm>>) dst(%arg8 : memref<16x1024xf32, #tpu.memory_space<vmem>>)
      %mul3A_258 = arith.constant 4 : i32
      %mul3A_259 = arith.muli %add3A_246, %mul3A_258 : i32
      %add3A_260 = arith.addi %mul3A_4, %mul3A_259 : i32
      %dma_wait3A_261 = arith.constant 0 : i32
      %dma_wait3A_262 = tpu.memref_slice %arg4[%add3A_260, %dma_wait3A_261] : memref<4096x1024xf32, #tpu.memory_space<hbm>> -> memref<4x1024xf32, #tpu.memory_space<hbm>>
      %dma_wait3A_263 = arith.constant 0 : i32
      %dma_wait3A_264 = tpu.memref_slice %arg4[%add3A_260, %dma_wait3A_263] : memref<4096x1024xf32, #tpu.memory_space<hbm>> -> memref<4x1024xf32, #tpu.memory_space<hbm>>
      tpu.wait_dma2 semaphore(%arg18 : memref<!tpu.dma_semaphore, #tpu.memory_space<semaphore_mem>>) src(%dma_wait3A_264 : memref<4x1024xf32, #tpu.memory_space<hbm>>) dst(%arg10 : memref<4x1024xf32, #tpu.memory_space<vmem>>)
      %scan3A_265 = arith.constant 0 : i32
      %scan3A_266 = arith.constant 0 : i32
      %scan3A_267 = arith.constant 64 : i32
      %scan3A_268 = arith.addi %scan3A_266, %scan3A_267 : i32
      %scan3A_269 = arith.constant 1 : i32
      scf.for %scan3A_644 = %scan3A_266 to %scan3A_268 step %scan3A_269  : i32 {
        %mul3A_645 = arith.constant 16 : i32
        %mul3A_646 = arith.muli %scan3A_644, %mul3A_645 : i32
        %get3A = arith.constant 0 : i32
        %get3A_647 = arith.index_cast %get3A : i32 to index
        %get3A_648 = arith.index_cast %mul3A_646 : i32 to index
        %get3A_649 = tpu.vector_load %arg10[%get3A_647, %get3A_648] {strides = array<i32>} : memref<4x1024xf32, #tpu.memory_space<vmem>>, vector<1x16xf32>,
        %get3A_650 = vector.shape_cast %get3A_649 : vector<1x16xf32> to vector<16xf32>
        %get3A_651 = arith.constant 0 : i32
        %get3A_652 = arith.index_cast %get3A_651 : i32 to index
        %get3A_653 = arith.index_cast %mul3A_646 : i32 to index
        %get3A_654 = tpu.vector_load %arg8[%get3A_652, %get3A_653] {strides = array<i32>} : memref<16x1024xf32, #tpu.memory_space<vmem>>, vector<1x16xf32>,
        %get3A_655 = vector.shape_cast %get3A_654 : vector<1x16xf32> to vector<16xf32>
        %mul3A_656 = arith.constant 3.200000e+01 : f32
        %mul3A_657 = vector.broadcast %mul3A_656 : f32 to vector<16xf32>
        %mul3A_658 = arith.mulf %get3A_655, %mul3A_657 : vector<16xf32>
        %add3A_659 = arith.addf %mul3A_658, %get3A_650 : vector<16xf32>
        %swap3A = arith.constant 0 : i32
        %swap3A_660 = arith.index_cast %swap3A : i32 to index
        %swap3A_661 = arith.index_cast %mul3A_646 : i32 to index
        %swap3A_662 = tpu.vector_load %arg12[%swap3A_660, %swap3A_661] {strides = array<i32>} : memref<16x1024xf32, #tpu.memory_space<vmem>>, vector<1x16xf32>,
        %swap3A_663 = vector.shape_cast %swap3A_662 : vector<1x16xf32> to vector<16xf32>
        %swap3A_664 = vector.shape_cast %add3A_659 : vector<16xf32> to vector<1x16xf32>
        tpu.vector_store %arg12[%swap3A_660, %swap3A_661], %swap3A_664 {strides = array<i32>} : memref<16x1024xf32, #tpu.memory_space<vmem>>, vector<1x16xf32>,
        %get3A_665 = arith.constant 4 : i32
        %get3A_666 = arith.index_cast %get3A_665 : i32 to index
        %get3A_667 = arith.index_cast %mul3A_646 : i32 to index
        %get3A_668 = tpu.vector_load %arg8[%get3A_666, %get3A_667] {strides = array<i32>} : memref<16x1024xf32, #tpu.memory_space<vmem>>, vector<1x16xf32>,
        %get3A_669 = vector.shape_cast %get3A_668 : vector<1x16xf32> to vector<16xf32>
        %mul3A_670 = arith.constant 3.200000e+01 : f32
        %mul3A_671 = vector.broadcast %mul3A_670 : f32 to vector<16xf32>
        %mul3A_672 = arith.mulf %get3A_669, %mul3A_671 : vector<16xf32>
        %add3A_673 = arith.addf %mul3A_672, %get3A_650 : vector<16xf32>
        %swap3A_674 = arith.constant 4 : i32
        %swap3A_675 = arith.index_cast %swap3A_674 : i32 to index
        %swap3A_676 = arith.index_cast %mul3A_646 : i32 to index
        %swap3A_677 = tpu.vector_load %arg12[%swap3A_675, %swap3A_676] {strides = array<i32>} : memref<16x1024xf32, #tpu.memory_space<vmem>>, vector<1x16xf32>,
        %swap3A_678 = vector.shape_cast %swap3A_677 : vector<1x16xf32> to vector<16xf32>
        %swap3A_679 = vector.shape_cast %add3A_673 : vector<16xf32> to vector<1x16xf32>
        tpu.vector_store %arg12[%swap3A_675, %swap3A_676], %swap3A_679 {strides = array<i32>} : memref<16x1024xf32, #tpu.memory_space<vmem>>, vector<1x16xf32>,
        %get3A_680 = arith.constant 8 : i32
        %get3A_681 = arith.index_cast %get3A_680 : i32 to index
        %get3A_682 = arith.index_cast %mul3A_646 : i32 to index
        %get3A_683 = tpu.vector_load %arg8[%get3A_681, %get3A_682] {strides = array<i32>} : memref<16x1024xf32, #tpu.memory_space<vmem>>, vector<1x16xf32>,
        %get3A_684 = vector.shape_cast %get3A_683 : vector<1x16xf32> to vector<16xf32>
        %mul3A_685 = arith.constant 3.200000e+01 : f32
        %mul3A_686 = vector.broadcast %mul3A_685 : f32 to vector<16xf32>
        %mul3A_687 = arith.mulf %get3A_684, %mul3A_686 : vector<16xf32>
        %add3A_688 = arith.addf %mul3A_687, %get3A_650 : vector<16xf32>
        %swap3A_689 = arith.constant 8 : i32
        %swap3A_690 = arith.index_cast %swap3A_689 : i32 to index
        %swap3A_691 = arith.index_cast %mul3A_646 : i32 to index
        %swap3A_692 = tpu.vector_load %arg12[%swap3A_690, %swap3A_691] {strides = array<i32>} : memref<16x1024xf32, #tpu.memory_space<vmem>>, vector<1x16xf32>,
        %swap3A_693 = vector.shape_cast %swap3A_692 : vector<1x16xf32> to vector<16xf32>
        %swap3A_694 = vector.shape_cast %add3A_688 : vector<16xf32> to vector<1x16xf32>
        tpu.vector_store %arg12[%swap3A_690, %swap3A_691], %swap3A_694 {strides = array<i32>} : memref<16x1024xf32, #tpu.memory_space<vmem>>, vector<1x16xf32>,
        %get3A_695 = arith.constant 12 : i32
        %get3A_696 = arith.index_cast %get3A_695 : i32 to index
        %get3A_697 = arith.index_cast %mul3A_646 : i32 to index
        %get3A_698 = tpu.vector_load %arg8[%get3A_696, %get3A_697] {strides = array<i32>} : memref<16x1024xf32, #tpu.memory_space<vmem>>, vector<1x16xf32>,
        %get3A_699 = vector.shape_cast %get3A_698 : vector<1x16xf32> to vector<16xf32>
        %mul3A_700 = arith.constant 3.200000e+01 : f32
        %mul3A_701 = vector.broadcast %mul3A_700 : f32 to vector<16xf32>
        %mul3A_702 = arith.mulf %get3A_699, %mul3A_701 : vector<16xf32>
        %add3A_703 = arith.addf %mul3A_702, %get3A_650 : vector<16xf32>
        %swap3A_704 = arith.constant 12 : i32
        %swap3A_705 = arith.index_cast %swap3A_704 : i32 to index
        %swap3A_706 = arith.index_cast %mul3A_646 : i32 to index
        %swap3A_707 = tpu.vector_load %arg12[%swap3A_705, %swap3A_706] {strides = array<i32>} : memref<16x1024xf32, #tpu.memory_space<vmem>>, vector<1x16xf32>,
        %swap3A_708 = vector.shape_cast %swap3A_707 : vector<1x16xf32> to vector<16xf32>
        %swap3A_709 = vector.shape_cast %add3A_703 : vector<16xf32> to vector<1x16xf32>
        tpu.vector_store %arg12[%swap3A_705, %swap3A_706], %swap3A_709 {strides = array<i32>} : memref<16x1024xf32, #tpu.memory_space<vmem>>, vector<1x16xf32>,
        %get3A_710 = arith.constant 1 : i32
        %get3A_711 = arith.index_cast %get3A_710 : i32 to index
        %get3A_712 = arith.index_cast %mul3A_646 : i32 to index
        %get3A_713 = tpu.vector_load %arg10[%get3A_711, %get3A_712] {strides = array<i32>} : memref<4x1024xf32, #tpu.memory_space<vmem>>, vector<1x16xf32>,
        %get3A_714 = vector.shape_cast %get3A_713 : vector<1x16xf32> to vector<16xf32>
        %get3A_715 = arith.constant 1 : i32
        %get3A_716 = arith.index_cast %get3A_715 : i32 to index
        %get3A_717 = arith.index_cast %mul3A_646 : i32 to index
        %get3A_718 = tpu.vector_load %arg8[%get3A_716, %get3A_717] {strides = array<i32>} : memref<16x1024xf32, #tpu.memory_space<vmem>>, vector<1x16xf32>,
        %get3A_719 = vector.shape_cast %get3A_718 : vector<1x16xf32> to vector<16xf32>
        %mul3A_720 = arith.constant 3.200000e+01 : f32
        %mul3A_721 = vector.broadcast %mul3A_720 : f32 to vector<16xf32>
        %mul3A_722 = arith.mulf %get3A_719, %mul3A_721 : vector<16xf32>
        %add3A_723 = arith.addf %mul3A_722, %get3A_714 : vector<16xf32>
        %swap3A_724 = arith.constant 1 : i32
        %swap3A_725 = arith.index_cast %swap3A_724 : i32 to index
        %swap3A_726 = arith.index_cast %mul3A_646 : i32 to index
        %swap3A_727 = tpu.vector_load %arg12[%swap3A_725, %swap3A_726] {strides = array<i32>} : memref<16x1024xf32, #tpu.memory_space<vmem>>, vector<1x16xf32>,
        %swap3A_728 = vector.shape_cast %swap3A_727 : vector<1x16xf32> to vector<16xf32>
        %swap3A_729 = vector.shape_cast %add3A_723 : vector<16xf32> to vector<1x16xf32>
        tpu.vector_store %arg12[%swap3A_725, %swap3A_726], %swap3A_729 {strides = array<i32>} : memref<16x1024xf32, #tpu.memory_space<vmem>>, vector<1x16xf32>,
        %get3A_730 = arith.constant 5 : i32
        %get3A_731 = arith.index_cast %get3A_730 : i32 to index
        %get3A_732 = arith.index_cast %mul3A_646 : i32 to index
        %get3A_733 = tpu.vector_load %arg8[%get3A_731, %get3A_732] {strides = array<i32>} : memref<16x1024xf32, #tpu.memory_space<vmem>>, vector<1x16xf32>,
        %get3A_734 = vector.shape_cast %get3A_733 : vector<1x16xf32> to vector<16xf32>
        %mul3A_735 = arith.constant 3.200000e+01 : f32
        %mul3A_736 = vector.broadcast %mul3A_735 : f32 to vector<16xf32>
        %mul3A_737 = arith.mulf %get3A_734, %mul3A_736 : vector<16xf32>
        %add3A_738 = arith.addf %mul3A_737, %get3A_714 : vector<16xf32>
        %swap3A_739 = arith.constant 5 : i32
        %swap3A_740 = arith.index_cast %swap3A_739 : i32 to index
        %swap3A_741 = arith.index_cast %mul3A_646 : i32 to index
        %swap3A_742 = tpu.vector_load %arg12[%swap3A_740, %swap3A_741] {strides = array<i32>} : memref<16x1024xf32, #tpu.memory_space<vmem>>, vector<1x16xf32>,
        %swap3A_743 = vector.shape_cast %swap3A_742 : vector<1x16xf32> to vector<16xf32>
        %swap3A_744 = vector.shape_cast %add3A_738 : vector<16xf32> to vector<1x16xf32>
        tpu.vector_store %arg12[%swap3A_740, %swap3A_741], %swap3A_744 {strides = array<i32>} : memref<16x1024xf32, #tpu.memory_space<vmem>>, vector<1x16xf32>,
        %get3A_745 = arith.constant 9 : i32
        %get3A_746 = arith.index_cast %get3A_745 : i32 to index
        %get3A_747 = arith.index_cast %mul3A_646 : i32 to index
        %get3A_748 = tpu.vector_load %arg8[%get3A_746, %get3A_747] {strides = array<i32>} : memref<16x1024xf32, #tpu.memory_space<vmem>>, vector<1x16xf32>,
        %get3A_749 = vector.shape_cast %get3A_748 : vector<1x16xf32> to vector<16xf32>
        %mul3A_750 = arith.constant 3.200000e+01 : f32
        %mul3A_751 = vector.broadcast %mul3A_750 : f32 to vector<16xf32>
        %mul3A_752 = arith.mulf %get3A_749, %mul3A_751 : vector<16xf32>
        %add3A_753 = arith.addf %mul3A_752, %get3A_714 : vector<16xf32>
        %swap3A_754 = arith.constant 9 : i32
        %swap3A_755 = arith.index_cast %swap3A_754 : i32 to index
        %swap3A_756 = arith.index_cast %mul3A_646 : i32 to index
        %swap3A_757 = tpu.vector_load %arg12[%swap3A_755, %swap3A_756] {strides = array<i32>} : memref<16x1024xf32, #tpu.memory_space<vmem>>, vector<1x16xf32>,
        %swap3A_758 = vector.shape_cast %swap3A_757 : vector<1x16xf32> to vector<16xf32>
        %swap3A_759 = vector.shape_cast %add3A_753 : vector<16xf32> to vector<1x16xf32>
        tpu.vector_store %arg12[%swap3A_755, %swap3A_756], %swap3A_759 {strides = array<i32>} : memref<16x1024xf32, #tpu.memory_space<vmem>>, vector<1x16xf32>,
        %get3A_760 = arith.constant 13 : i32
        %get3A_761 = arith.index_cast %get3A_760 : i32 to index
        %get3A_762 = arith.index_cast %mul3A_646 : i32 to index
        %get3A_763 = tpu.vector_load %arg8[%get3A_761, %get3A_762] {strides = array<i32>} : memref<16x1024xf32, #tpu.memory_space<vmem>>, vector<1x16xf32>,
        %get3A_764 = vector.shape_cast %get3A_763 : vector<1x16xf32> to vector<16xf32>
        %mul3A_765 = arith.constant 3.200000e+01 : f32
        %mul3A_766 = vector.broadcast %mul3A_765 : f32 to vector<16xf32>
        %mul3A_767 = arith.mulf %get3A_764, %mul3A_766 : vector<16xf32>
        %add3A_768 = arith.addf %mul3A_767, %get3A_714 : vector<16xf32>
        %swap3A_769 = arith.constant 13 : i32
        %swap3A_770 = arith.index_cast %swap3A_769 : i32 to index
        %swap3A_771 = arith.index_cast %mul3A_646 : i32 to index
        %swap3A_772 = tpu.vector_load %arg12[%swap3A_770, %swap3A_771] {strides = array<i32>} : memref<16x1024xf32, #tpu.memory_space<vmem>>, vector<1x16xf32>,
        %swap3A_773 = vector.shape_cast %swap3A_772 : vector<1x16xf32> to vector<16xf32>
        %swap3A_774 = vector.shape_cast %add3A_768 : vector<16xf32> to vector<1x16xf32>
        tpu.vector_store %arg12[%swap3A_770, %swap3A_771], %swap3A_774 {strides = array<i32>} : memref<16x1024xf32, #tpu.memory_space<vmem>>, vector<1x16xf32>,
        %get3A_775 = arith.constant 2 : i32
        %get3A_776 = arith.index_cast %get3A_775 : i32 to index
        %get3A_777 = arith.index_cast %mul3A_646 : i32 to index
        %get3A_778 = tpu.vector_load %arg10[%get3A_776, %get3A_777] {strides = array<i32>} : memref<4x1024xf32, #tpu.memory_space<vmem>>, vector<1x16xf32>,
        %get3A_779 = vector.shape_cast %get3A_778 : vector<1x16xf32> to vector<16xf32>
        %get3A_780 = arith.constant 2 : i32
        %get3A_781 = arith.index_cast %get3A_780 : i32 to index
        %get3A_782 = arith.index_cast %mul3A_646 : i32 to index
        %get3A_783 = tpu.vector_load %arg8[%get3A_781, %get3A_782] {strides = array<i32>} : memref<16x1024xf32, #tpu.memory_space<vmem>>, vector<1x16xf32>,
        %get3A_784 = vector.shape_cast %get3A_783 : vector<1x16xf32> to vector<16xf32>
        %mul3A_785 = arith.constant 3.200000e+01 : f32
        %mul3A_786 = vector.broadcast %mul3A_785 : f32 to vector<16xf32>
        %mul3A_787 = arith.mulf %get3A_784, %mul3A_786 : vector<16xf32>
        %add3A_788 = arith.addf %mul3A_787, %get3A_779 : vector<16xf32>
        %swap3A_789 = arith.constant 2 : i32
        %swap3A_790 = arith.index_cast %swap3A_789 : i32 to index
        %swap3A_791 = arith.index_cast %mul3A_646 : i32 to index
        %swap3A_792 = tpu.vector_load %arg12[%swap3A_790, %swap3A_791] {strides = array<i32>} : memref<16x1024xf32, #tpu.memory_space<vmem>>, vector<1x16xf32>,
        %swap3A_793 = vector.shape_cast %swap3A_792 : vector<1x16xf32> to vector<16xf32>
        %swap3A_794 = vector.shape_cast %add3A_788 : vector<16xf32> to vector<1x16xf32>
        tpu.vector_store %arg12[%swap3A_790, %swap3A_791], %swap3A_794 {strides = array<i32>} : memref<16x1024xf32, #tpu.memory_space<vmem>>, vector<1x16xf32>,
        %get3A_795 = arith.constant 6 : i32
        %get3A_796 = arith.index_cast %get3A_795 : i32 to index
        %get3A_797 = arith.index_cast %mul3A_646 : i32 to index
        %get3A_798 = tpu.vector_load %arg8[%get3A_796, %get3A_797] {strides = array<i32>} : memref<16x1024xf32, #tpu.memory_space<vmem>>, vector<1x16xf32>,
        %get3A_799 = vector.shape_cast %get3A_798 : vector<1x16xf32> to vector<16xf32>
        %mul3A_800 = arith.constant 3.200000e+01 : f32
        %mul3A_801 = vector.broadcast %mul3A_800 : f32 to vector<16xf32>
        %mul3A_802 = arith.mulf %get3A_799, %mul3A_801 : vector<16xf32>
        %add3A_803 = arith.addf %mul3A_802, %get3A_779 : vector<16xf32>
        %swap3A_804 = arith.constant 6 : i32
        %swap3A_805 = arith.index_cast %swap3A_804 : i32 to index
        %swap3A_806 = arith.index_cast %mul3A_646 : i32 to index
        %swap3A_807 = tpu.vector_load %arg12[%swap3A_805, %swap3A_806] {strides = array<i32>} : memref<16x1024xf32, #tpu.memory_space<vmem>>, vector<1x16xf32>,
        %swap3A_808 = vector.shape_cast %swap3A_807 : vector<1x16xf32> to vector<16xf32>
        %swap3A_809 = vector.shape_cast %add3A_803 : vector<16xf32> to vector<1x16xf32>
        tpu.vector_store %arg12[%swap3A_805, %swap3A_806], %swap3A_809 {strides = array<i32>} : memref<16x1024xf32, #tpu.memory_space<vmem>>, vector<1x16xf32>,
        %get3A_810 = arith.constant 10 : i32
        %get3A_811 = arith.index_cast %get3A_810 : i32 to index
        %get3A_812 = arith.index_cast %mul3A_646 : i32 to index
        %get3A_813 = tpu.vector_load %arg8[%get3A_811, %get3A_812] {strides = array<i32>} : memref<16x1024xf32, #tpu.memory_space<vmem>>, vector<1x16xf32>,
        %get3A_814 = vector.shape_cast %get3A_813 : vector<1x16xf32> to vector<16xf32>
        %mul3A_815 = arith.constant 3.200000e+01 : f32
        %mul3A_816 = vector.broadcast %mul3A_815 : f32 to vector<16xf32>
        %mul3A_817 = arith.mulf %get3A_814, %mul3A_816 : vector<16xf32>
        %add3A_818 = arith.addf %mul3A_817, %get3A_779 : vector<16xf32>
        %swap3A_819 = arith.constant 10 : i32
        %swap3A_820 = arith.index_cast %swap3A_819 : i32 to index
        %swap3A_821 = arith.index_cast %mul3A_646 : i32 to index
        %swap3A_822 = tpu.vector_load %arg12[%swap3A_820, %swap3A_821] {strides = array<i32>} : memref<16x1024xf32, #tpu.memory_space<vmem>>, vector<1x16xf32>,
        %swap3A_823 = vector.shape_cast %swap3A_822 : vector<1x16xf32> to vector<16xf32>
        %swap3A_824 = vector.shape_cast %add3A_818 : vector<16xf32> to vector<1x16xf32>
        tpu.vector_store %arg12[%swap3A_820, %swap3A_821], %swap3A_824 {strides = array<i32>} : memref<16x1024xf32, #tpu.memory_space<vmem>>, vector<1x16xf32>,
        %get3A_825 = arith.constant 14 : i32
        %get3A_826 = arith.index_cast %get3A_825 : i32 to index
        %get3A_827 = arith.index_cast %mul3A_646 : i32 to index
        %get3A_828 = tpu.vector_load %arg8[%get3A_826, %get3A_827] {strides = array<i32>} : memref<16x1024xf32, #tpu.memory_space<vmem>>, vector<1x16xf32>,
        %get3A_829 = vector.shape_cast %get3A_828 : vector<1x16xf32> to vector<16xf32>
        %mul3A_830 = arith.constant 3.200000e+01 : f32
        %mul3A_831 = vector.broadcast %mul3A_830 : f32 to vector<16xf32>
        %mul3A_832 = arith.mulf %get3A_829, %mul3A_831 : vector<16xf32>
        %add3A_833 = arith.addf %mul3A_832, %get3A_779 : vector<16xf32>
        %swap3A_834 = arith.constant 14 : i32
        %swap3A_835 = arith.index_cast %swap3A_834 : i32 to index
        %swap3A_836 = arith.index_cast %mul3A_646 : i32 to index
        %swap3A_837 = tpu.vector_load %arg12[%swap3A_835, %swap3A_836] {strides = array<i32>} : memref<16x1024xf32, #tpu.memory_space<vmem>>, vector<1x16xf32>,
        %swap3A_838 = vector.shape_cast %swap3A_837 : vector<1x16xf32> to vector<16xf32>
        %swap3A_839 = vector.shape_cast %add3A_833 : vector<16xf32> to vector<1x16xf32>
        tpu.vector_store %arg12[%swap3A_835, %swap3A_836], %swap3A_839 {strides = array<i32>} : memref<16x1024xf32, #tpu.memory_space<vmem>>, vector<1x16xf32>,
        %get3A_840 = arith.constant 3 : i32
        %get3A_841 = arith.index_cast %get3A_840 : i32 to index
        %get3A_842 = arith.index_cast %mul3A_646 : i32 to index
        %get3A_843 = tpu.vector_load %arg10[%get3A_841, %get3A_842] {strides = array<i32>} : memref<4x1024xf32, #tpu.memory_space<vmem>>, vector<1x16xf32>,
        %get3A_844 = vector.shape_cast %get3A_843 : vector<1x16xf32> to vector<16xf32>
        %get3A_845 = arith.constant 3 : i32
        %get3A_846 = arith.index_cast %get3A_845 : i32 to index
        %get3A_847 = arith.index_cast %mul3A_646 : i32 to index
        %get3A_848 = tpu.vector_load %arg8[%get3A_846, %get3A_847] {strides = array<i32>} : memref<16x1024xf32, #tpu.memory_space<vmem>>, vector<1x16xf32>,
        %get3A_849 = vector.shape_cast %get3A_848 : vector<1x16xf32> to vector<16xf32>
        %mul3A_850 = arith.constant 3.200000e+01 : f32
        %mul3A_851 = vector.broadcast %mul3A_850 : f32 to vector<16xf32>
        %mul3A_852 = arith.mulf %get3A_849, %mul3A_851 : vector<16xf32>
        %add3A_853 = arith.addf %mul3A_852, %get3A_844 : vector<16xf32>
        %swap3A_854 = arith.constant 3 : i32
        %swap3A_855 = arith.index_cast %swap3A_854 : i32 to index
        %swap3A_856 = arith.index_cast %mul3A_646 : i32 to index
        %swap3A_857 = tpu.vector_load %arg12[%swap3A_855, %swap3A_856] {strides = array<i32>} : memref<16x1024xf32, #tpu.memory_space<vmem>>, vector<1x16xf32>,
        %swap3A_858 = vector.shape_cast %swap3A_857 : vector<1x16xf32> to vector<16xf32>
        %swap3A_859 = vector.shape_cast %add3A_853 : vector<16xf32> to vector<1x16xf32>
        tpu.vector_store %arg12[%swap3A_855, %swap3A_856], %swap3A_859 {strides = array<i32>} : memref<16x1024xf32, #tpu.memory_space<vmem>>, vector<1x16xf32>,
        %get3A_860 = arith.constant 7 : i32
        %get3A_861 = arith.index_cast %get3A_860 : i32 to index
        %get3A_862 = arith.index_cast %mul3A_646 : i32 to index
        %get3A_863 = tpu.vector_load %arg8[%get3A_861, %get3A_862] {strides = array<i32>} : memref<16x1024xf32, #tpu.memory_space<vmem>>, vector<1x16xf32>,
        %get3A_864 = vector.shape_cast %get3A_863 : vector<1x16xf32> to vector<16xf32>
        %mul3A_865 = arith.constant 3.200000e+01 : f32
        %mul3A_866 = vector.broadcast %mul3A_865 : f32 to vector<16xf32>
        %mul3A_867 = arith.mulf %get3A_864, %mul3A_866 : vector<16xf32>
        %add3A_868 = arith.addf %mul3A_867, %get3A_844 : vector<16xf32>
        %swap3A_869 = arith.constant 7 : i32
        %swap3A_870 = arith.index_cast %swap3A_869 : i32 to index
        %swap3A_871 = arith.index_cast %mul3A_646 : i32 to index
        %swap3A_872 = tpu.vector_load %arg12[%swap3A_870, %swap3A_871] {strides = array<i32>} : memref<16x1024xf32, #tpu.memory_space<vmem>>, vector<1x16xf32>,
        %swap3A_873 = vector.shape_cast %swap3A_872 : vector<1x16xf32> to vector<16xf32>
        %swap3A_874 = vector.shape_cast %add3A_868 : vector<16xf32> to vector<1x16xf32>
        tpu.vector_store %arg12[%swap3A_870, %swap3A_871], %swap3A_874 {strides = array<i32>} : memref<16x1024xf32, #tpu.memory_space<vmem>>, vector<1x16xf32>,
        %get3A_875 = arith.constant 11 : i32
        %get3A_876 = arith.index_cast %get3A_875 : i32 to index
        %get3A_877 = arith.index_cast %mul3A_646 : i32 to index
        %get3A_878 = tpu.vector_load %arg8[%get3A_876, %get3A_877] {strides = array<i32>} : memref<16x1024xf32, #tpu.memory_space<vmem>>, vector<1x16xf32>,
        %get3A_879 = vector.shape_cast %get3A_878 : vector<1x16xf32> to vector<16xf32>
        %mul3A_880 = arith.constant 3.200000e+01 : f32
        %mul3A_881 = vector.broadcast %mul3A_880 : f32 to vector<16xf32>
        %mul3A_882 = arith.mulf %get3A_879, %mul3A_881 : vector<16xf32>
        %add3A_883 = arith.addf %mul3A_882, %get3A_844 : vector<16xf32>
        %swap3A_884 = arith.constant 11 : i32
        %swap3A_885 = arith.index_cast %swap3A_884 : i32 to index
        %swap3A_886 = arith.index_cast %mul3A_646 : i32 to index
        %swap3A_887 = tpu.vector_load %arg12[%swap3A_885, %swap3A_886] {strides = array<i32>} : memref<16x1024xf32, #tpu.memory_space<vmem>>, vector<1x16xf32>,
        %swap3A_888 = vector.shape_cast %swap3A_887 : vector<1x16xf32> to vector<16xf32>
        %swap3A_889 = vector.shape_cast %add3A_883 : vector<16xf32> to vector<1x16xf32>
        tpu.vector_store %arg12[%swap3A_885, %swap3A_886], %swap3A_889 {strides = array<i32>} : memref<16x1024xf32, #tpu.memory_space<vmem>>, vector<1x16xf32>,
        %get3A_890 = arith.constant 15 : i32
        %get3A_891 = arith.index_cast %get3A_890 : i32 to index
        %get3A_892 = arith.index_cast %mul3A_646 : i32 to index
        %get3A_893 = tpu.vector_load %arg8[%get3A_891, %get3A_892] {strides = array<i32>} : memref<16x1024xf32, #tpu.memory_space<vmem>>, vector<1x16xf32>,
        %get3A_894 = vector.shape_cast %get3A_893 : vector<1x16xf32> to vector<16xf32>
        %mul3A_895 = arith.constant 3.200000e+01 : f32
        %mul3A_896 = vector.broadcast %mul3A_895 : f32 to vector<16xf32>
        %mul3A_897 = arith.mulf %get3A_894, %mul3A_896 : vector<16xf32>
        %add3A_898 = arith.addf %mul3A_897, %get3A_844 : vector<16xf32>
        %swap3A_899 = arith.constant 15 : i32
        %swap3A_900 = arith.index_cast %swap3A_899 : i32 to index
        %swap3A_901 = arith.index_cast %mul3A_646 : i32 to index
        %swap3A_902 = tpu.vector_load %arg12[%swap3A_900, %swap3A_901] {strides = array<i32>} : memref<16x1024xf32, #tpu.memory_space<vmem>>, vector<1x16xf32>,
        %swap3A_903 = vector.shape_cast %swap3A_902 : vector<1x16xf32> to vector<16xf32>
        %swap3A_904 = vector.shape_cast %add3A_898 : vector<16xf32> to vector<1x16xf32>
        tpu.vector_store %arg12[%swap3A_900, %swap3A_901], %swap3A_904 {strides = array<i32>} : memref<16x1024xf32, #tpu.memory_space<vmem>>, vector<1x16xf32>,
      }
      %scan3A_270 = arith.constant 64 : i32
      %add3A_271 = arith.constant 0 : i32
      %add3A_272 = arith.addi %add3A_271, %mul3A_4 : i32
      %mul3A_273 = arith.constant 4 : i32
      %mul3A_274 = arith.muli %add3A_246, %mul3A_273 : i32
      %add3A_275 = arith.addi %add3A_272, %mul3A_274 : i32
      %dma_start3A_276 = arith.constant 0 : i32
      %dma_start3A_277 = arith.constant 0 : i32
      %dma_start3A_278 = tpu.memref_slice %arg12[%dma_start3A_276, %dma_start3A_277] : memref<16x1024xf32, #tpu.memory_space<vmem>> -> memref<4x1024xf32, #tpu.memory_space<vmem>>
      %dma_start3A_279 = arith.constant 0 : i32
      %dma_start3A_280 = tpu.memref_slice %arg5[%add3A_275, %dma_start3A_279] : memref<16384x1024xf32, #tpu.memory_space<hbm>> -> memref<4x1024xf32, #tpu.memory_space<hbm>>
      %dma_start3A_281 = arith.constant 0 : i32
      %dma_start3A_282 = tpu.memref_slice %arg5[%add3A_275, %dma_start3A_281] : memref<16384x1024xf32, #tpu.memory_space<hbm>> -> memref<4x1024xf32, #tpu.memory_space<hbm>>
      %dma_start3A_283 = arith.constant 0 : i32
      %dma_start3A_284 = arith.constant 0 : i32
      %dma_start3A_285 = tpu.memref_slice %arg12[%dma_start3A_283, %dma_start3A_284] : memref<16x1024xf32, #tpu.memory_space<vmem>> -> memref<4x1024xf32, #tpu.memory_space<vmem>>
      tpu.enqueue_dma source(%dma_start3A_285 : memref<4x1024xf32, #tpu.memory_space<vmem>>) target(%dma_start3A_282 : memref<4x1024xf32, #tpu.memory_space<hbm>>) target_semaphore(%arg20 : memref<!tpu.dma_semaphore, #tpu.memory_space<semaphore_mem>>)
      %add3A_286 = arith.constant 4096 : i32
      %add3A_287 = arith.addi %add3A_286, %mul3A_4 : i32
      %mul3A_288 = arith.constant 4 : i32
      %mul3A_289 = arith.muli %add3A_246, %mul3A_288 : i32
      %add3A_290 = arith.addi %add3A_287, %mul3A_289 : i32
      %dma_start3A_291 = arith.constant 4 : i32
      %dma_start3A_292 = arith.constant 0 : i32
      %dma_start3A_293 = tpu.memref_slice %arg12[%dma_start3A_291, %dma_start3A_292] : memref<16x1024xf32, #tpu.memory_space<vmem>> -> memref<4x1024xf32, #tpu.memory_space<vmem>>
      %dma_start3A_294 = arith.constant 0 : i32
      %dma_start3A_295 = tpu.memref_slice %arg5[%add3A_290, %dma_start3A_294] : memref<16384x1024xf32, #tpu.memory_space<hbm>> -> memref<4x1024xf32, #tpu.memory_space<hbm>>
      %dma_start3A_296 = arith.constant 0 : i32
      %dma_start3A_297 = tpu.memref_slice %arg5[%add3A_290, %dma_start3A_296] : memref<16384x1024xf32, #tpu.memory_space<hbm>> -> memref<4x1024xf32, #tpu.memory_space<hbm>>
      %dma_start3A_298 = arith.constant 4 : i32
      %dma_start3A_299 = arith.constant 0 : i32
      %dma_start3A_300 = tpu.memref_slice %arg12[%dma_start3A_298, %dma_start3A_299] : memref<16x1024xf32, #tpu.memory_space<vmem>> -> memref<4x1024xf32, #tpu.memory_space<vmem>>
      tpu.enqueue_dma source(%dma_start3A_300 : memref<4x1024xf32, #tpu.memory_space<vmem>>) target(%dma_start3A_297 : memref<4x1024xf32, #tpu.memory_space<hbm>>) target_semaphore(%arg20 : memref<!tpu.dma_semaphore, #tpu.memory_space<semaphore_mem>>)
      %add3A_301 = arith.constant 8192 : i32
      %add3A_302 = arith.addi %add3A_301, %mul3A_4 : i32
      %mul3A_303 = arith.constant 4 : i32
      %mul3A_304 = arith.muli %add3A_246, %mul3A_303 : i32
      %add3A_305 = arith.addi %add3A_302, %mul3A_304 : i32
      %dma_start3A_306 = arith.constant 8 : i32
      %dma_start3A_307 = arith.constant 0 : i32
      %dma_start3A_308 = tpu.memref_slice %arg12[%dma_start3A_306, %dma_start3A_307] : memref<16x1024xf32, #tpu.memory_space<vmem>> -> memref<4x1024xf32, #tpu.memory_space<vmem>>
      %dma_start3A_309 = arith.constant 0 : i32
      %dma_start3A_310 = tpu.memref_slice %arg5[%add3A_305, %dma_start3A_309] : memref<16384x1024xf32, #tpu.memory_space<hbm>> -> memref<4x1024xf32, #tpu.memory_space<hbm>>
      %dma_start3A_311 = arith.constant 0 : i32
      %dma_start3A_312 = tpu.memref_slice %arg5[%add3A_305, %dma_start3A_311] : memref<16384x1024xf32, #tpu.memory_space<hbm>> -> memref<4x1024xf32, #tpu.memory_space<hbm>>
      %dma_start3A_313 = arith.constant 8 : i32
      %dma_start3A_314 = arith.constant 0 : i32
      %dma_start3A_315 = tpu.memref_slice %arg12[%dma_start3A_313, %dma_start3A_314] : memref<16x1024xf32, #tpu.memory_space<vmem>> -> memref<4x1024xf32, #tpu.memory_space<vmem>>
      tpu.enqueue_dma source(%dma_start3A_315 : memref<4x1024xf32, #tpu.memory_space<vmem>>) target(%dma_start3A_312 : memref<4x1024xf32, #tpu.memory_space<hbm>>) target_semaphore(%arg20 : memref<!tpu.dma_semaphore, #tpu.memory_space<semaphore_mem>>)
      %add3A_316 = arith.constant 12288 : i32
      %add3A_317 = arith.addi %add3A_316, %mul3A_4 : i32
      %mul3A_318 = arith.constant 4 : i32
      %mul3A_319 = arith.muli %add3A_246, %mul3A_318 : i32
      %add3A_320 = arith.addi %add3A_317, %mul3A_319 : i32
      %dma_start3A_321 = arith.constant 12 : i32
      %dma_start3A_322 = arith.constant 0 : i32
      %dma_start3A_323 = tpu.memref_slice %arg12[%dma_start3A_321, %dma_start3A_322] : memref<16x1024xf32, #tpu.memory_space<vmem>> -> memref<4x1024xf32, #tpu.memory_space<vmem>>
      %dma_start3A_324 = arith.constant 0 : i32
      %dma_start3A_325 = tpu.memref_slice %arg5[%add3A_320, %dma_start3A_324] : memref<16384x1024xf32, #tpu.memory_space<hbm>> -> memref<4x1024xf32, #tpu.memory_space<hbm>>
      %dma_start3A_326 = arith.constant 0 : i32
      %dma_start3A_327 = tpu.memref_slice %arg5[%add3A_320, %dma_start3A_326] : memref<16384x1024xf32, #tpu.memory_space<hbm>> -> memref<4x1024xf32, #tpu.memory_space<hbm>>
      %dma_start3A_328 = arith.constant 12 : i32
      %dma_start3A_329 = arith.constant 0 : i32
      %dma_start3A_330 = tpu.memref_slice %arg12[%dma_start3A_328, %dma_start3A_329] : memref<16x1024xf32, #tpu.memory_space<vmem>> -> memref<4x1024xf32, #tpu.memory_space<vmem>>
      tpu.enqueue_dma source(%dma_start3A_330 : memref<4x1024xf32, #tpu.memory_space<vmem>>) target(%dma_start3A_327 : memref<4x1024xf32, #tpu.memory_space<hbm>>) target_semaphore(%arg20 : memref<!tpu.dma_semaphore, #tpu.memory_space<semaphore_mem>>)
      %add3A_331 = arith.constant 2 : i32
      %add3A_332 = arith.addi %add3A_246, %add3A_331 : i32
      %mul3A_333 = arith.constant 16 : i32
      %mul3A_334 = arith.muli %add3A_332, %mul3A_333 : i32
      %dma_start3A_335 = tpu.memref_slice %arg6[%mul3A_334] : memref<512xi32, #tpu.memory_space<vmem>> -> memref<16xi32, #tpu.memory_space<vmem>>
      %dma_start3A_336 = arith.constant 0 : i32
      %dma_start3A_337 = arith.constant 0 : i32
      %dma_start3A_338 = tpu.memref_slice %arg3[%dma_start3A_336, %dma_start3A_337] : memref<100000x1024xf32, #tpu.memory_space<hbm>> -> memref<100000x1024xf32, #tpu.memory_space<hbm>>
      tpu.enqueue_indirect_dma source(%dma_start3A_338 : memref<100000x1024xf32, #tpu.memory_space<hbm>>) target(%arg8 : memref<16x1024xf32, #tpu.memory_space<vmem>>) offsets(%dma_start3A_335 : memref<16xi32, #tpu.memory_space<vmem>>) semaphore(%arg16 : memref<!tpu.dma_semaphore, #tpu.memory_space<semaphore_mem>>)
      %mul3A_339 = arith.constant 4 : i32
      %mul3A_340 = arith.muli %add3A_332, %mul3A_339 : i32
      %add3A_341 = arith.addi %mul3A_4, %mul3A_340 : i32
      %dma_start3A_342 = arith.constant 0 : i32
      %dma_start3A_343 = tpu.memref_slice %arg4[%add3A_341, %dma_start3A_342] : memref<4096x1024xf32, #tpu.memory_space<hbm>> -> memref<4x1024xf32, #tpu.memory_space<hbm>>
      %dma_start3A_344 = arith.constant 0 : i32
      %dma_start3A_345 = tpu.memref_slice %arg4[%add3A_341, %dma_start3A_344] : memref<4096x1024xf32, #tpu.memory_space<hbm>> -> memref<4x1024xf32, #tpu.memory_space<hbm>>
      tpu.enqueue_dma source(%dma_start3A_345 : memref<4x1024xf32, #tpu.memory_space<hbm>>) target(%arg10 : memref<4x1024xf32, #tpu.memory_space<vmem>>) target_semaphore(%arg18 : memref<!tpu.dma_semaphore, #tpu.memory_space<semaphore_mem>>)
      %mul3A_346 = arith.constant 4 : i32
      %mul3A_347 = arith.muli %scan3A_142, %mul3A_346 : i32
      %add3A_348 = arith.constant 2 : i32
      %add3A_349 = arith.addi %mul3A_347, %add3A_348 : i32
      %sub3A = arith.constant 2 : i32
      %sub3A_350 = arith.subi %add3A_349, %sub3A : i32
      %add3A_351 = arith.constant 0 : i32
      %add3A_352 = arith.addi %add3A_351, %mul3A_4 : i32
      %mul3A_353 = arith.constant 4 : i32
      %mul3A_354 = arith.muli %sub3A_350, %mul3A_353 : i32
      %add3A_355 = arith.addi %add3A_352, %mul3A_354 : i32
      %dma_wait3A_356 = arith.constant 0 : i32
      %dma_wait3A_357 = arith.constant 0 : i32
      %dma_wait3A_358 = tpu.memref_slice %arg11[%dma_wait3A_356, %dma_wait3A_357] : memref<16x1024xf32, #tpu.memory_space<vmem>> -> memref<4x1024xf32, #tpu.memory_space<vmem>>
      %dma_wait3A_359 = arith.constant 0 : i32
      %dma_wait3A_360 = tpu.memref_slice %arg5[%add3A_355, %dma_wait3A_359] : memref<16384x1024xf32, #tpu.memory_space<hbm>> -> memref<4x1024xf32, #tpu.memory_space<hbm>>
      %dma_wait3A_361 = arith.constant 0 : i32
      %dma_wait3A_362 = tpu.memref_slice %arg5[%add3A_355, %dma_wait3A_361] : memref<16384x1024xf32, #tpu.memory_space<hbm>> -> memref<4x1024xf32, #tpu.memory_space<hbm>>
      %dma_wait3A_363 = arith.constant 0 : i32
      %dma_wait3A_364 = arith.constant 0 : i32
      %dma_wait3A_365 = tpu.memref_slice %arg11[%dma_wait3A_363, %dma_wait3A_364] : memref<16x1024xf32, #tpu.memory_space<vmem>> -> memref<4x1024xf32, #tpu.memory_space<vmem>>
      tpu.wait_dma2 semaphore(%arg19 : memref<!tpu.dma_semaphore, #tpu.memory_space<semaphore_mem>>) src(%dma_wait3A_365 : memref<4x1024xf32, #tpu.memory_space<vmem>>) dst(%dma_wait3A_362 : memref<4x1024xf32, #tpu.memory_space<hbm>>)
      %add3A_366 = arith.constant 4096 : i32
      %add3A_367 = arith.addi %add3A_366, %mul3A_4 : i32
      %mul3A_368 = arith.constant 4 : i32
      %mul3A_369 = arith.muli %sub3A_350, %mul3A_368 : i32
      %add3A_370 = arith.addi %add3A_367, %mul3A_369 : i32
      %dma_wait3A_371 = arith.constant 4 : i32
      %dma_wait3A_372 = arith.constant 0 : i32
      %dma_wait3A_373 = tpu.memref_slice %arg11[%dma_wait3A_371, %dma_wait3A_372] : memref<16x1024xf32, #tpu.memory_space<vmem>> -> memref<4x1024xf32, #tpu.memory_space<vmem>>
      %dma_wait3A_374 = arith.constant 0 : i32
      %dma_wait3A_375 = tpu.memref_slice %arg5[%add3A_370, %dma_wait3A_374] : memref<16384x1024xf32, #tpu.memory_space<hbm>> -> memref<4x1024xf32, #tpu.memory_space<hbm>>
      %dma_wait3A_376 = arith.constant 0 : i32
      %dma_wait3A_377 = tpu.memref_slice %arg5[%add3A_370, %dma_wait3A_376] : memref<16384x1024xf32, #tpu.memory_space<hbm>> -> memref<4x1024xf32, #tpu.memory_space<hbm>>
      %dma_wait3A_378 = arith.constant 4 : i32
      %dma_wait3A_379 = arith.constant 0 : i32
      %dma_wait3A_380 = tpu.memref_slice %arg11[%dma_wait3A_378, %dma_wait3A_379] : memref<16x1024xf32, #tpu.memory_space<vmem>> -> memref<4x1024xf32, #tpu.memory_space<vmem>>
      tpu.wait_dma2 semaphore(%arg19 : memref<!tpu.dma_semaphore, #tpu.memory_space<semaphore_mem>>) src(%dma_wait3A_380 : memref<4x1024xf32, #tpu.memory_space<vmem>>) dst(%dma_wait3A_377 : memref<4x1024xf32, #tpu.memory_space<hbm>>)
      %add3A_381 = arith.constant 8192 : i32
      %add3A_382 = arith.addi %add3A_381, %mul3A_4 : i32
      %mul3A_383 = arith.constant 4 : i32
      %mul3A_384 = arith.muli %sub3A_350, %mul3A_383 : i32
      %add3A_385 = arith.addi %add3A_382, %mul3A_384 : i32
      %dma_wait3A_386 = arith.constant 8 : i32
      %dma_wait3A_387 = arith.constant 0 : i32
      %dma_wait3A_388 = tpu.memref_slice %arg11[%dma_wait3A_386, %dma_wait3A_387] : memref<16x1024xf32, #tpu.memory_space<vmem>> -> memref<4x1024xf32, #tpu.memory_space<vmem>>
      %dma_wait3A_389 = arith.constant 0 : i32
      %dma_wait3A_390 = tpu.memref_slice %arg5[%add3A_385, %dma_wait3A_389] : memref<16384x1024xf32, #tpu.memory_space<hbm>> -> memref<4x1024xf32, #tpu.memory_space<hbm>>
      %dma_wait3A_391 = arith.constant 0 : i32
      %dma_wait3A_392 = tpu.memref_slice %arg5[%add3A_385, %dma_wait3A_391] : memref<16384x1024xf32, #tpu.memory_space<hbm>> -> memref<4x1024xf32, #tpu.memory_space<hbm>>
      %dma_wait3A_393 = arith.constant 8 : i32
      %dma_wait3A_394 = arith.constant 0 : i32
      %dma_wait3A_395 = tpu.memref_slice %arg11[%dma_wait3A_393, %dma_wait3A_394] : memref<16x1024xf32, #tpu.memory_space<vmem>> -> memref<4x1024xf32, #tpu.memory_space<vmem>>
      tpu.wait_dma2 semaphore(%arg19 : memref<!tpu.dma_semaphore, #tpu.memory_space<semaphore_mem>>) src(%dma_wait3A_395 : memref<4x1024xf32, #tpu.memory_space<vmem>>) dst(%dma_wait3A_392 : memref<4x1024xf32, #tpu.memory_space<hbm>>)
      %add3A_396 = arith.constant 12288 : i32
      %add3A_397 = arith.addi %add3A_396, %mul3A_4 : i32
      %mul3A_398 = arith.constant 4 : i32
      %mul3A_399 = arith.muli %sub3A_350, %mul3A_398 : i32
      %add3A_400 = arith.addi %add3A_397, %mul3A_399 : i32
      %dma_wait3A_401 = arith.constant 12 : i32
      %dma_wait3A_402 = arith.constant 0 : i32
      %dma_wait3A_403 = tpu.memref_slice %arg11[%dma_wait3A_401, %dma_wait3A_402] : memref<16x1024xf32, #tpu.memory_space<vmem>> -> memref<4x1024xf32, #tpu.memory_space<vmem>>
      %dma_wait3A_404 = arith.constant 0 : i32
      %dma_wait3A_405 = tpu.memref_slice %arg5[%add3A_400, %dma_wait3A_404] : memref<16384x1024xf32, #tpu.memory_space<hbm>> -> memref<4x1024xf32, #tpu.memory_space<hbm>>
      %dma_wait3A_406 = arith.constant 0 : i32
      %dma_wait3A_407 = tpu.memref_slice %arg5[%add3A_400, %dma_wait3A_406] : memref<16384x1024xf32, #tpu.memory_space<hbm>> -> memref<4x1024xf32, #tpu.memory_space<hbm>>
      %dma_wait3A_408 = arith.constant 12 : i32
      %dma_wait3A_409 = arith.constant 0 : i32
      %dma_wait3A_410 = tpu.memref_slice %arg11[%dma_wait3A_408, %dma_wait3A_409] : memref<16x1024xf32, #tpu.memory_space<vmem>> -> memref<4x1024xf32, #tpu.memory_space<vmem>>
      tpu.wait_dma2 semaphore(%arg19 : memref<!tpu.dma_semaphore, #tpu.memory_space<semaphore_mem>>) src(%dma_wait3A_410 : memref<4x1024xf32, #tpu.memory_space<vmem>>) dst(%dma_wait3A_407 : memref<4x1024xf32, #tpu.memory_space<hbm>>)
      %mul3A_411 = arith.constant 16 : i32
      %mul3A_412 = arith.muli %add3A_349, %mul3A_411 : i32
      %dma_wait3A_413 = tpu.memref_slice %arg6[%mul3A_412] : memref<512xi32, #tpu.memory_space<vmem>> -> memref<16xi32, #tpu.memory_space<vmem>>
      %dma_wait3A_414 = arith.constant 0 : i32
      %dma_wait3A_415 = arith.constant 0 : i32
      %dma_wait3A_416 = tpu.memref_slice %arg3[%dma_wait3A_414, %dma_wait3A_415] : memref<100000x1024xf32, #tpu.memory_space<hbm>> -> memref<100000x1024xf32, #tpu.memory_space<hbm>>
      tpu.wait_indirect_dma semaphore(%arg15 : memref<!tpu.dma_semaphore, #tpu.memory_space<semaphore_mem>>) src(%dma_wait3A_416 : memref<100000x1024xf32, #tpu.memory_space<hbm>>) dst(%arg7 : memref<16x1024xf32, #tpu.memory_space<vmem>>)
      %mul3A_417 = arith.constant 4 : i32
      %mul3A_418 = arith.muli %add3A_349, %mul3A_417 : i32
      %add3A_419 = arith.addi %mul3A_4, %mul3A_418 : i32
      %dma_wait3A_420 = arith.constant 0 : i32
      %dma_wait3A_421 = tpu.memref_slice %arg4[%add3A_419, %dma_wait3A_420] : memref<4096x1024xf32, #tpu.memory_space<hbm>> -> memref<4x1024xf32, #tpu.memory_space<hbm>>
      %dma_wait3A_422 = arith.constant 0 : i32
      %dma_wait3A_423 = tpu.memref_slice %arg4[%add3A_419, %dma_wait3A_422] : memref<4096x1024xf32, #tpu.memory_space<hbm>> -> memref<4x1024xf32, #tpu.memory_space<hbm>>
      tpu.wait_dma2 semaphore(%arg17 : memref<!tpu.dma_semaphore, #tpu.memory_space<semaphore_mem>>) src(%dma_wait3A_423 : memref<4x1024xf32, #tpu.memory_space<hbm>>) dst(%arg9 : memref<4x1024xf32, #tpu.memory_space<vmem>>)
      %scan3A_424 = arith.constant 0 : i32
      %scan3A_425 = arith.constant 0 : i32
      %scan3A_426 = arith.constant 64 : i32
      %scan3A_427 = arith.addi %scan3A_425, %scan3A_426 : i32
      %scan3A_428 = arith.constant 1 : i32
      scf.for %scan3A_644 = %scan3A_425 to %scan3A_427 step %scan3A_428  : i32 {
        %mul3A_645 = arith.constant 16 : i32
        %mul3A_646 = arith.muli %scan3A_644, %mul3A_645 : i32
        %get3A = arith.constant 0 : i32
        %get3A_647 = arith.index_cast %get3A : i32 to index
        %get3A_648 = arith.index_cast %mul3A_646 : i32 to index
        %get3A_649 = tpu.vector_load %arg9[%get3A_647, %get3A_648] {strides = array<i32>} : memref<4x1024xf32, #tpu.memory_space<vmem>>, vector<1x16xf32>,
        %get3A_650 = vector.shape_cast %get3A_649 : vector<1x16xf32> to vector<16xf32>
        %get3A_651 = arith.constant 0 : i32
        %get3A_652 = arith.index_cast %get3A_651 : i32 to index
        %get3A_653 = arith.index_cast %mul3A_646 : i32 to index
        %get3A_654 = tpu.vector_load %arg7[%get3A_652, %get3A_653] {strides = array<i32>} : memref<16x1024xf32, #tpu.memory_space<vmem>>, vector<1x16xf32>,
        %get3A_655 = vector.shape_cast %get3A_654 : vector<1x16xf32> to vector<16xf32>
        %mul3A_656 = arith.constant 3.200000e+01 : f32
        %mul3A_657 = vector.broadcast %mul3A_656 : f32 to vector<16xf32>
        %mul3A_658 = arith.mulf %get3A_655, %mul3A_657 : vector<16xf32>
        %add3A_659 = arith.addf %mul3A_658, %get3A_650 : vector<16xf32>
        %swap3A = arith.constant 0 : i32
        %swap3A_660 = arith.index_cast %swap3A : i32 to index
        %swap3A_661 = arith.index_cast %mul3A_646 : i32 to index
        %swap3A_662 = tpu.vector_load %arg13[%swap3A_660, %swap3A_661] {strides = array<i32>} : memref<16x1024xf32, #tpu.memory_space<vmem>>, vector<1x16xf32>,
        %swap3A_663 = vector.shape_cast %swap3A_662 : vector<1x16xf32> to vector<16xf32>
        %swap3A_664 = vector.shape_cast %add3A_659 : vector<16xf32> to vector<1x16xf32>
        tpu.vector_store %arg13[%swap3A_660, %swap3A_661], %swap3A_664 {strides = array<i32>} : memref<16x1024xf32, #tpu.memory_space<vmem>>, vector<1x16xf32>,
        %get3A_665 = arith.constant 4 : i32
        %get3A_666 = arith.index_cast %get3A_665 : i32 to index
        %get3A_667 = arith.index_cast %mul3A_646 : i32 to index
        %get3A_668 = tpu.vector_load %arg7[%get3A_666, %get3A_667] {strides = array<i32>} : memref<16x1024xf32, #tpu.memory_space<vmem>>, vector<1x16xf32>,
        %get3A_669 = vector.shape_cast %get3A_668 : vector<1x16xf32> to vector<16xf32>
        %mul3A_670 = arith.constant 3.200000e+01 : f32
        %mul3A_671 = vector.broadcast %mul3A_670 : f32 to vector<16xf32>
        %mul3A_672 = arith.mulf %get3A_669, %mul3A_671 : vector<16xf32>
        %add3A_673 = arith.addf %mul3A_672, %get3A_650 : vector<16xf32>
        %swap3A_674 = arith.constant 4 : i32
        %swap3A_675 = arith.index_cast %swap3A_674 : i32 to index
        %swap3A_676 = arith.index_cast %mul3A_646 : i32 to index
        %swap3A_677 = tpu.vector_load %arg13[%swap3A_675, %swap3A_676] {strides = array<i32>} : memref<16x1024xf32, #tpu.memory_space<vmem>>, vector<1x16xf32>,
        %swap3A_678 = vector.shape_cast %swap3A_677 : vector<1x16xf32> to vector<16xf32>
        %swap3A_679 = vector.shape_cast %add3A_673 : vector<16xf32> to vector<1x16xf32>
        tpu.vector_store %arg13[%swap3A_675, %swap3A_676], %swap3A_679 {strides = array<i32>} : memref<16x1024xf32, #tpu.memory_space<vmem>>, vector<1x16xf32>,
        %get3A_680 = arith.constant 8 : i32
        %get3A_681 = arith.index_cast %get3A_680 : i32 to index
        %get3A_682 = arith.index_cast %mul3A_646 : i32 to index
        %get3A_683 = tpu.vector_load %arg7[%get3A_681, %get3A_682] {strides = array<i32>} : memref<16x1024xf32, #tpu.memory_space<vmem>>, vector<1x16xf32>,
        %get3A_684 = vector.shape_cast %get3A_683 : vector<1x16xf32> to vector<16xf32>
        %mul3A_685 = arith.constant 3.200000e+01 : f32
        %mul3A_686 = vector.broadcast %mul3A_685 : f32 to vector<16xf32>
        %mul3A_687 = arith.mulf %get3A_684, %mul3A_686 : vector<16xf32>
        %add3A_688 = arith.addf %mul3A_687, %get3A_650 : vector<16xf32>
        %swap3A_689 = arith.constant 8 : i32
        %swap3A_690 = arith.index_cast %swap3A_689 : i32 to index
        %swap3A_691 = arith.index_cast %mul3A_646 : i32 to index
        %swap3A_692 = tpu.vector_load %arg13[%swap3A_690, %swap3A_691] {strides = array<i32>} : memref<16x1024xf32, #tpu.memory_space<vmem>>, vector<1x16xf32>,
        %swap3A_693 = vector.shape_cast %swap3A_692 : vector<1x16xf32> to vector<16xf32>
        %swap3A_694 = vector.shape_cast %add3A_688 : vector<16xf32> to vector<1x16xf32>
        tpu.vector_store %arg13[%swap3A_690, %swap3A_691], %swap3A_694 {strides = array<i32>} : memref<16x1024xf32, #tpu.memory_space<vmem>>, vector<1x16xf32>,
        %get3A_695 = arith.constant 12 : i32
        %get3A_696 = arith.index_cast %get3A_695 : i32 to index
        %get3A_697 = arith.index_cast %mul3A_646 : i32 to index
        %get3A_698 = tpu.vector_load %arg7[%get3A_696, %get3A_697] {strides = array<i32>} : memref<16x1024xf32, #tpu.memory_space<vmem>>, vector<1x16xf32>,
        %get3A_699 = vector.shape_cast %get3A_698 : vector<1x16xf32> to vector<16xf32>
        %mul3A_700 = arith.constant 3.200000e+01 : f32
        %mul3A_701 = vector.broadcast %mul3A_700 : f32 to vector<16xf32>
        %mul3A_702 = arith.mulf %get3A_699, %mul3A_701 : vector<16xf32>
        %add3A_703 = arith.addf %mul3A_702, %get3A_650 : vector<16xf32>
        %swap3A_704 = arith.constant 12 : i32
        %swap3A_705 = arith.index_cast %swap3A_704 : i32 to index
        %swap3A_706 = arith.index_cast %mul3A_646 : i32 to index
        %swap3A_707 = tpu.vector_load %arg13[%swap3A_705, %swap3A_706] {strides = array<i32>} : memref<16x1024xf32, #tpu.memory_space<vmem>>, vector<1x16xf32>,
        %swap3A_708 = vector.shape_cast %swap3A_707 : vector<1x16xf32> to vector<16xf32>
        %swap3A_709 = vector.shape_cast %add3A_703 : vector<16xf32> to vector<1x16xf32>
        tpu.vector_store %arg13[%swap3A_705, %swap3A_706], %swap3A_709 {strides = array<i32>} : memref<16x1024xf32, #tpu.memory_space<vmem>>, vector<1x16xf32>,
        %get3A_710 = arith.constant 1 : i32
        %get3A_711 = arith.index_cast %get3A_710 : i32 to index
        %get3A_712 = arith.index_cast %mul3A_646 : i32 to index
        %get3A_713 = tpu.vector_load %arg9[%get3A_711, %get3A_712] {strides = array<i32>} : memref<4x1024xf32, #tpu.memory_space<vmem>>, vector<1x16xf32>,
        %get3A_714 = vector.shape_cast %get3A_713 : vector<1x16xf32> to vector<16xf32>
        %get3A_715 = arith.constant 1 : i32
        %get3A_716 = arith.index_cast %get3A_715 : i32 to index
        %get3A_717 = arith.index_cast %mul3A_646 : i32 to index
        %get3A_718 = tpu.vector_load %arg7[%get3A_716, %get3A_717] {strides = array<i32>} : memref<16x1024xf32, #tpu.memory_space<vmem>>, vector<1x16xf32>,
        %get3A_719 = vector.shape_cast %get3A_718 : vector<1x16xf32> to vector<16xf32>
        %mul3A_720 = arith.constant 3.200000e+01 : f32
        %mul3A_721 = vector.broadcast %mul3A_720 : f32 to vector<16xf32>
        %mul3A_722 = arith.mulf %get3A_719, %mul3A_721 : vector<16xf32>
        %add3A_723 = arith.addf %mul3A_722, %get3A_714 : vector<16xf32>
        %swap3A_724 = arith.constant 1 : i32
        %swap3A_725 = arith.index_cast %swap3A_724 : i32 to index
        %swap3A_726 = arith.index_cast %mul3A_646 : i32 to index
        %swap3A_727 = tpu.vector_load %arg13[%swap3A_725, %swap3A_726] {strides = array<i32>} : memref<16x1024xf32, #tpu.memory_space<vmem>>, vector<1x16xf32>,
        %swap3A_728 = vector.shape_cast %swap3A_727 : vector<1x16xf32> to vector<16xf32>
        %swap3A_729 = vector.shape_cast %add3A_723 : vector<16xf32> to vector<1x16xf32>
        tpu.vector_store %arg13[%swap3A_725, %swap3A_726], %swap3A_729 {strides = array<i32>} : memref<16x1024xf32, #tpu.memory_space<vmem>>, vector<1x16xf32>,
        %get3A_730 = arith.constant 5 : i32
        %get3A_731 = arith.index_cast %get3A_730 : i32 to index
        %get3A_732 = arith.index_cast %mul3A_646 : i32 to index
        %get3A_733 = tpu.vector_load %arg7[%get3A_731, %get3A_732] {strides = array<i32>} : memref<16x1024xf32, #tpu.memory_space<vmem>>, vector<1x16xf32>,
        %get3A_734 = vector.shape_cast %get3A_733 : vector<1x16xf32> to vector<16xf32>
        %mul3A_735 = arith.constant 3.200000e+01 : f32
        %mul3A_736 = vector.broadcast %mul3A_735 : f32 to vector<16xf32>
        %mul3A_737 = arith.mulf %get3A_734, %mul3A_736 : vector<16xf32>
        %add3A_738 = arith.addf %mul3A_737, %get3A_714 : vector<16xf32>
        %swap3A_739 = arith.constant 5 : i32
        %swap3A_740 = arith.index_cast %swap3A_739 : i32 to index
        %swap3A_741 = arith.index_cast %mul3A_646 : i32 to index
        %swap3A_742 = tpu.vector_load %arg13[%swap3A_740, %swap3A_741] {strides = array<i32>} : memref<16x1024xf32, #tpu.memory_space<vmem>>, vector<1x16xf32>,
        %swap3A_743 = vector.shape_cast %swap3A_742 : vector<1x16xf32> to vector<16xf32>
        %swap3A_744 = vector.shape_cast %add3A_738 : vector<16xf32> to vector<1x16xf32>
        tpu.vector_store %arg13[%swap3A_740, %swap3A_741], %swap3A_744 {strides = array<i32>} : memref<16x1024xf32, #tpu.memory_space<vmem>>, vector<1x16xf32>,
        %get3A_745 = arith.constant 9 : i32
        %get3A_746 = arith.index_cast %get3A_745 : i32 to index
        %get3A_747 = arith.index_cast %mul3A_646 : i32 to index
        %get3A_748 = tpu.vector_load %arg7[%get3A_746, %get3A_747] {strides = array<i32>} : memref<16x1024xf32, #tpu.memory_space<vmem>>, vector<1x16xf32>,
        %get3A_749 = vector.shape_cast %get3A_748 : vector<1x16xf32> to vector<16xf32>
        %mul3A_750 = arith.constant 3.200000e+01 : f32
        %mul3A_751 = vector.broadcast %mul3A_750 : f32 to vector<16xf32>
        %mul3A_752 = arith.mulf %get3A_749, %mul3A_751 : vector<16xf32>
        %add3A_753 = arith.addf %mul3A_752, %get3A_714 : vector<16xf32>
        %swap3A_754 = arith.constant 9 : i32
        %swap3A_755 = arith.index_cast %swap3A_754 : i32 to index
        %swap3A_756 = arith.index_cast %mul3A_646 : i32 to index
        %swap3A_757 = tpu.vector_load %arg13[%swap3A_755, %swap3A_756] {strides = array<i32>} : memref<16x1024xf32, #tpu.memory_space<vmem>>, vector<1x16xf32>,
        %swap3A_758 = vector.shape_cast %swap3A_757 : vector<1x16xf32> to vector<16xf32>
        %swap3A_759 = vector.shape_cast %add3A_753 : vector<16xf32> to vector<1x16xf32>
        tpu.vector_store %arg13[%swap3A_755, %swap3A_756], %swap3A_759 {strides = array<i32>} : memref<16x1024xf32, #tpu.memory_space<vmem>>, vector<1x16xf32>,
        %get3A_760 = arith.constant 13 : i32
        %get3A_761 = arith.index_cast %get3A_760 : i32 to index
        %get3A_762 = arith.index_cast %mul3A_646 : i32 to index
        %get3A_763 = tpu.vector_load %arg7[%get3A_761, %get3A_762] {strides = array<i32>} : memref<16x1024xf32, #tpu.memory_space<vmem>>, vector<1x16xf32>,
        %get3A_764 = vector.shape_cast %get3A_763 : vector<1x16xf32> to vector<16xf32>
        %mul3A_765 = arith.constant 3.200000e+01 : f32
        %mul3A_766 = vector.broadcast %mul3A_765 : f32 to vector<16xf32>
        %mul3A_767 = arith.mulf %get3A_764, %mul3A_766 : vector<16xf32>
        %add3A_768 = arith.addf %mul3A_767, %get3A_714 : vector<16xf32>
        %swap3A_769 = arith.constant 13 : i32
        %swap3A_770 = arith.index_cast %swap3A_769 : i32 to index
        %swap3A_771 = arith.index_cast %mul3A_646 : i32 to index
        %swap3A_772 = tpu.vector_load %arg13[%swap3A_770, %swap3A_771] {strides = array<i32>} : memref<16x1024xf32, #tpu.memory_space<vmem>>, vector<1x16xf32>,
        %swap3A_773 = vector.shape_cast %swap3A_772 : vector<1x16xf32> to vector<16xf32>
        %swap3A_774 = vector.shape_cast %add3A_768 : vector<16xf32> to vector<1x16xf32>
        tpu.vector_store %arg13[%swap3A_770, %swap3A_771], %swap3A_774 {strides = array<i32>} : memref<16x1024xf32, #tpu.memory_space<vmem>>, vector<1x16xf32>,
        %get3A_775 = arith.constant 2 : i32
        %get3A_776 = arith.index_cast %get3A_775 : i32 to index
        %get3A_777 = arith.index_cast %mul3A_646 : i32 to index
        %get3A_778 = tpu.vector_load %arg9[%get3A_776, %get3A_777] {strides = array<i32>} : memref<4x1024xf32, #tpu.memory_space<vmem>>, vector<1x16xf32>,
        %get3A_779 = vector.shape_cast %get3A_778 : vector<1x16xf32> to vector<16xf32>
        %get3A_780 = arith.constant 2 : i32
        %get3A_781 = arith.index_cast %get3A_780 : i32 to index
        %get3A_782 = arith.index_cast %mul3A_646 : i32 to index
        %get3A_783 = tpu.vector_load %arg7[%get3A_781, %get3A_782] {strides = array<i32>} : memref<16x1024xf32, #tpu.memory_space<vmem>>, vector<1x16xf32>,
        %get3A_784 = vector.shape_cast %get3A_783 : vector<1x16xf32> to vector<16xf32>
        %mul3A_785 = arith.constant 3.200000e+01 : f32
        %mul3A_786 = vector.broadcast %mul3A_785 : f32 to vector<16xf32>
        %mul3A_787 = arith.mulf %get3A_784, %mul3A_786 : vector<16xf32>
        %add3A_788 = arith.addf %mul3A_787, %get3A_779 : vector<16xf32>
        %swap3A_789 = arith.constant 2 : i32
        %swap3A_790 = arith.index_cast %swap3A_789 : i32 to index
        %swap3A_791 = arith.index_cast %mul3A_646 : i32 to index
        %swap3A_792 = tpu.vector_load %arg13[%swap3A_790, %swap3A_791] {strides = array<i32>} : memref<16x1024xf32, #tpu.memory_space<vmem>>, vector<1x16xf32>,
        %swap3A_793 = vector.shape_cast %swap3A_792 : vector<1x16xf32> to vector<16xf32>
        %swap3A_794 = vector.shape_cast %add3A_788 : vector<16xf32> to vector<1x16xf32>
        tpu.vector_store %arg13[%swap3A_790, %swap3A_791], %swap3A_794 {strides = array<i32>} : memref<16x1024xf32, #tpu.memory_space<vmem>>, vector<1x16xf32>,
        %get3A_795 = arith.constant 6 : i32
        %get3A_796 = arith.index_cast %get3A_795 : i32 to index
        %get3A_797 = arith.index_cast %mul3A_646 : i32 to index
        %get3A_798 = tpu.vector_load %arg7[%get3A_796, %get3A_797] {strides = array<i32>} : memref<16x1024xf32, #tpu.memory_space<vmem>>, vector<1x16xf32>,
        %get3A_799 = vector.shape_cast %get3A_798 : vector<1x16xf32> to vector<16xf32>
        %mul3A_800 = arith.constant 3.200000e+01 : f32
        %mul3A_801 = vector.broadcast %mul3A_800 : f32 to vector<16xf32>
        %mul3A_802 = arith.mulf %get3A_799, %mul3A_801 : vector<16xf32>
        %add3A_803 = arith.addf %mul3A_802, %get3A_779 : vector<16xf32>
        %swap3A_804 = arith.constant 6 : i32
        %swap3A_805 = arith.index_cast %swap3A_804 : i32 to index
        %swap3A_806 = arith.index_cast %mul3A_646 : i32 to index
        %swap3A_807 = tpu.vector_load %arg13[%swap3A_805, %swap3A_806] {strides = array<i32>} : memref<16x1024xf32, #tpu.memory_space<vmem>>, vector<1x16xf32>,
        %swap3A_808 = vector.shape_cast %swap3A_807 : vector<1x16xf32> to vector<16xf32>
        %swap3A_809 = vector.shape_cast %add3A_803 : vector<16xf32> to vector<1x16xf32>
        tpu.vector_store %arg13[%swap3A_805, %swap3A_806], %swap3A_809 {strides = array<i32>} : memref<16x1024xf32, #tpu.memory_space<vmem>>, vector<1x16xf32>,
        %get3A_810 = arith.constant 10 : i32
        %get3A_811 = arith.index_cast %get3A_810 : i32 to index
        %get3A_812 = arith.index_cast %mul3A_646 : i32 to index
        %get3A_813 = tpu.vector_load %arg7[%get3A_811, %get3A_812] {strides = array<i32>} : memref<16x1024xf32, #tpu.memory_space<vmem>>, vector<1x16xf32>,
        %get3A_814 = vector.shape_cast %get3A_813 : vector<1x16xf32> to vector<16xf32>
        %mul3A_815 = arith.constant 3.200000e+01 : f32
        %mul3A_816 = vector.broadcast %mul3A_815 : f32 to vector<16xf32>
        %mul3A_817 = arith.mulf %get3A_814, %mul3A_816 : vector<16xf32>
        %add3A_818 = arith.addf %mul3A_817, %get3A_779 : vector<16xf32>
        %swap3A_819 = arith.constant 10 : i32
        %swap3A_820 = arith.index_cast %swap3A_819 : i32 to index
        %swap3A_821 = arith.index_cast %mul3A_646 : i32 to index
        %swap3A_822 = tpu.vector_load %arg13[%swap3A_820, %swap3A_821] {strides = array<i32>} : memref<16x1024xf32, #tpu.memory_space<vmem>>, vector<1x16xf32>,
        %swap3A_823 = vector.shape_cast %swap3A_822 : vector<1x16xf32> to vector<16xf32>
        %swap3A_824 = vector.shape_cast %add3A_818 : vector<16xf32> to vector<1x16xf32>
        tpu.vector_store %arg13[%swap3A_820, %swap3A_821], %swap3A_824 {strides = array<i32>} : memref<16x1024xf32, #tpu.memory_space<vmem>>, vector<1x16xf32>,
        %get3A_825 = arith.constant 14 : i32
        %get3A_826 = arith.index_cast %get3A_825 : i32 to index
        %get3A_827 = arith.index_cast %mul3A_646 : i32 to index
        %get3A_828 = tpu.vector_load %arg7[%get3A_826, %get3A_827] {strides = array<i32>} : memref<16x1024xf32, #tpu.memory_space<vmem>>, vector<1x16xf32>,
        %get3A_829 = vector.shape_cast %get3A_828 : vector<1x16xf32> to vector<16xf32>
        %mul3A_830 = arith.constant 3.200000e+01 : f32
        %mul3A_831 = vector.broadcast %mul3A_830 : f32 to vector<16xf32>
        %mul3A_832 = arith.mulf %get3A_829, %mul3A_831 : vector<16xf32>
        %add3A_833 = arith.addf %mul3A_832, %get3A_779 : vector<16xf32>
        %swap3A_834 = arith.constant 14 : i32
        %swap3A_835 = arith.index_cast %swap3A_834 : i32 to index
        %swap3A_836 = arith.index_cast %mul3A_646 : i32 to index
        %swap3A_837 = tpu.vector_load %arg13[%swap3A_835, %swap3A_836] {strides = array<i32>} : memref<16x1024xf32, #tpu.memory_space<vmem>>, vector<1x16xf32>,
        %swap3A_838 = vector.shape_cast %swap3A_837 : vector<1x16xf32> to vector<16xf32>
        %swap3A_839 = vector.shape_cast %add3A_833 : vector<16xf32> to vector<1x16xf32>
        tpu.vector_store %arg13[%swap3A_835, %swap3A_836], %swap3A_839 {strides = array<i32>} : memref<16x1024xf32, #tpu.memory_space<vmem>>, vector<1x16xf32>,
        %get3A_840 = arith.constant 3 : i32
        %get3A_841 = arith.index_cast %get3A_840 : i32 to index
        %get3A_842 = arith.index_cast %mul3A_646 : i32 to index
        %get3A_843 = tpu.vector_load %arg9[%get3A_841, %get3A_842] {strides = array<i32>} : memref<4x1024xf32, #tpu.memory_space<vmem>>, vector<1x16xf32>,
        %get3A_844 = vector.shape_cast %get3A_843 : vector<1x16xf32> to vector<16xf32>
        %get3A_845 = arith.constant 3 : i32
        %get3A_846 = arith.index_cast %get3A_845 : i32 to index
        %get3A_847 = arith.index_cast %mul3A_646 : i32 to index
        %get3A_848 = tpu.vector_load %arg7[%get3A_846, %get3A_847] {strides = array<i32>} : memref<16x1024xf32, #tpu.memory_space<vmem>>, vector<1x16xf32>,
        %get3A_849 = vector.shape_cast %get3A_848 : vector<1x16xf32> to vector<16xf32>
        %mul3A_850 = arith.constant 3.200000e+01 : f32
        %mul3A_851 = vector.broadcast %mul3A_850 : f32 to vector<16xf32>
        %mul3A_852 = arith.mulf %get3A_849, %mul3A_851 : vector<16xf32>
        %add3A_853 = arith.addf %mul3A_852, %get3A_844 : vector<16xf32>
        %swap3A_854 = arith.constant 3 : i32
        %swap3A_855 = arith.index_cast %swap3A_854 : i32 to index
        %swap3A_856 = arith.index_cast %mul3A_646 : i32 to index
        %swap3A_857 = tpu.vector_load %arg13[%swap3A_855, %swap3A_856] {strides = array<i32>} : memref<16x1024xf32, #tpu.memory_space<vmem>>, vector<1x16xf32>,
        %swap3A_858 = vector.shape_cast %swap3A_857 : vector<1x16xf32> to vector<16xf32>
        %swap3A_859 = vector.shape_cast %add3A_853 : vector<16xf32> to vector<1x16xf32>
        tpu.vector_store %arg13[%swap3A_855, %swap3A_856], %swap3A_859 {strides = array<i32>} : memref<16x1024xf32, #tpu.memory_space<vmem>>, vector<1x16xf32>,
        %get3A_860 = arith.constant 7 : i32
        %get3A_861 = arith.index_cast %get3A_860 : i32 to index
        %get3A_862 = arith.index_cast %mul3A_646 : i32 to index
        %get3A_863 = tpu.vector_load %arg7[%get3A_861, %get3A_862] {strides = array<i32>} : memref<16x1024xf32, #tpu.memory_space<vmem>>, vector<1x16xf32>,
        %get3A_864 = vector.shape_cast %get3A_863 : vector<1x16xf32> to vector<16xf32>
        %mul3A_865 = arith.constant 3.200000e+01 : f32
        %mul3A_866 = vector.broadcast %mul3A_865 : f32 to vector<16xf32>
        %mul3A_867 = arith.mulf %get3A_864, %mul3A_866 : vector<16xf32>
        %add3A_868 = arith.addf %mul3A_867, %get3A_844 : vector<16xf32>
        %swap3A_869 = arith.constant 7 : i32
        %swap3A_870 = arith.index_cast %swap3A_869 : i32 to index
        %swap3A_871 = arith.index_cast %mul3A_646 : i32 to index
        %swap3A_872 = tpu.vector_load %arg13[%swap3A_870, %swap3A_871] {strides = array<i32>} : memref<16x1024xf32, #tpu.memory_space<vmem>>, vector<1x16xf32>,
        %swap3A_873 = vector.shape_cast %swap3A_872 : vector<1x16xf32> to vector<16xf32>
        %swap3A_874 = vector.shape_cast %add3A_868 : vector<16xf32> to vector<1x16xf32>
        tpu.vector_store %arg13[%swap3A_870, %swap3A_871], %swap3A_874 {strides = array<i32>} : memref<16x1024xf32, #tpu.memory_space<vmem>>, vector<1x16xf32>,
        %get3A_875 = arith.constant 11 : i32
        %get3A_876 = arith.index_cast %get3A_875 : i32 to index
        %get3A_877 = arith.index_cast %mul3A_646 : i32 to index
        %get3A_878 = tpu.vector_load %arg7[%get3A_876, %get3A_877] {strides = array<i32>} : memref<16x1024xf32, #tpu.memory_space<vmem>>, vector<1x16xf32>,
        %get3A_879 = vector.shape_cast %get3A_878 : vector<1x16xf32> to vector<16xf32>
        %mul3A_880 = arith.constant 3.200000e+01 : f32
        %mul3A_881 = vector.broadcast %mul3A_880 : f32 to vector<16xf32>
        %mul3A_882 = arith.mulf %get3A_879, %mul3A_881 : vector<16xf32>
        %add3A_883 = arith.addf %mul3A_882, %get3A_844 : vector<16xf32>
        %swap3A_884 = arith.constant 11 : i32
        %swap3A_885 = arith.index_cast %swap3A_884 : i32 to index
        %swap3A_886 = arith.index_cast %mul3A_646 : i32 to index
        %swap3A_887 = tpu.vector_load %arg13[%swap3A_885, %swap3A_886] {strides = array<i32>} : memref<16x1024xf32, #tpu.memory_space<vmem>>, vector<1x16xf32>,
        %swap3A_888 = vector.shape_cast %swap3A_887 : vector<1x16xf32> to vector<16xf32>
        %swap3A_889 = vector.shape_cast %add3A_883 : vector<16xf32> to vector<1x16xf32>
        tpu.vector_store %arg13[%swap3A_885, %swap3A_886], %swap3A_889 {strides = array<i32>} : memref<16x1024xf32, #tpu.memory_space<vmem>>, vector<1x16xf32>,
        %get3A_890 = arith.constant 15 : i32
        %get3A_891 = arith.index_cast %get3A_890 : i32 to index
        %get3A_892 = arith.index_cast %mul3A_646 : i32 to index
        %get3A_893 = tpu.vector_load %arg7[%get3A_891, %get3A_892] {strides = array<i32>} : memref<16x1024xf32, #tpu.memory_space<vmem>>, vector<1x16xf32>,
        %get3A_894 = vector.shape_cast %get3A_893 : vector<1x16xf32> to vector<16xf32>
        %mul3A_895 = arith.constant 3.200000e+01 : f32
        %mul3A_896 = vector.broadcast %mul3A_895 : f32 to vector<16xf32>
        %mul3A_897 = arith.mulf %get3A_894, %mul3A_896 : vector<16xf32>
        %add3A_898 = arith.addf %mul3A_897, %get3A_844 : vector<16xf32>
        %swap3A_899 = arith.constant 15 : i32
        %swap3A_900 = arith.index_cast %swap3A_899 : i32 to index
        %swap3A_901 = arith.index_cast %mul3A_646 : i32 to index
        %swap3A_902 = tpu.vector_load %arg13[%swap3A_900, %swap3A_901] {strides = array<i32>} : memref<16x1024xf32, #tpu.memory_space<vmem>>, vector<1x16xf32>,
        %swap3A_903 = vector.shape_cast %swap3A_902 : vector<1x16xf32> to vector<16xf32>
        %swap3A_904 = vector.shape_cast %add3A_898 : vector<16xf32> to vector<1x16xf32>
        tpu.vector_store %arg13[%swap3A_900, %swap3A_901], %swap3A_904 {strides = array<i32>} : memref<16x1024xf32, #tpu.memory_space<vmem>>, vector<1x16xf32>,
      }
      %scan3A_429 = arith.constant 64 : i32
      %add3A_430 = arith.constant 0 : i32
      %add3A_431 = arith.addi %add3A_430, %mul3A_4 : i32
      %mul3A_432 = arith.constant 4 : i32
      %mul3A_433 = arith.muli %add3A_349, %mul3A_432 : i32
      %add3A_434 = arith.addi %add3A_431, %mul3A_433 : i32
      %dma_start3A_435 = arith.constant 0 : i32
      %dma_start3A_436 = arith.constant 0 : i32
      %dma_start3A_437 = tpu.memref_slice %arg13[%dma_start3A_435, %dma_start3A_436] : memref<16x1024xf32, #tpu.memory_space<vmem>> -> memref<4x1024xf32, #tpu.memory_space<vmem>>
      %dma_start3A_438 = arith.constant 0 : i32
      %dma_start3A_439 = tpu.memref_slice %arg5[%add3A_434, %dma_start3A_438] : memref<16384x1024xf32, #tpu.memory_space<hbm>> -> memref<4x1024xf32, #tpu.memory_space<hbm>>
      %dma_start3A_440 = arith.constant 0 : i32
      %dma_start3A_441 = tpu.memref_slice %arg5[%add3A_434, %dma_start3A_440] : memref<16384x1024xf32, #tpu.memory_space<hbm>> -> memref<4x1024xf32, #tpu.memory_space<hbm>>
      %dma_start3A_442 = arith.constant 0 : i32
      %dma_start3A_443 = arith.constant 0 : i32
      %dma_start3A_444 = tpu.memref_slice %arg13[%dma_start3A_442, %dma_start3A_443] : memref<16x1024xf32, #tpu.memory_space<vmem>> -> memref<4x1024xf32, #tpu.memory_space<vmem>>
      tpu.enqueue_dma source(%dma_start3A_444 : memref<4x1024xf32, #tpu.memory_space<vmem>>) target(%dma_start3A_441 : memref<4x1024xf32, #tpu.memory_space<hbm>>) target_semaphore(%arg21 : memref<!tpu.dma_semaphore, #tpu.memory_space<semaphore_mem>>)
      %add3A_445 = arith.constant 4096 : i32
      %add3A_446 = arith.addi %add3A_445, %mul3A_4 : i32
      %mul3A_447 = arith.constant 4 : i32
      %mul3A_448 = arith.muli %add3A_349, %mul3A_447 : i32
      %add3A_449 = arith.addi %add3A_446, %mul3A_448 : i32
      %dma_start3A_450 = arith.constant 4 : i32
      %dma_start3A_451 = arith.constant 0 : i32
      %dma_start3A_452 = tpu.memref_slice %arg13[%dma_start3A_450, %dma_start3A_451] : memref<16x1024xf32, #tpu.memory_space<vmem>> -> memref<4x1024xf32, #tpu.memory_space<vmem>>
      %dma_start3A_453 = arith.constant 0 : i32
      %dma_start3A_454 = tpu.memref_slice %arg5[%add3A_449, %dma_start3A_453] : memref<16384x1024xf32, #tpu.memory_space<hbm>> -> memref<4x1024xf32, #tpu.memory_space<hbm>>
      %dma_start3A_455 = arith.constant 0 : i32
      %dma_start3A_456 = tpu.memref_slice %arg5[%add3A_449, %dma_start3A_455] : memref<16384x1024xf32, #tpu.memory_space<hbm>> -> memref<4x1024xf32, #tpu.memory_space<hbm>>
      %dma_start3A_457 = arith.constant 4 : i32
      %dma_start3A_458 = arith.constant 0 : i32
      %dma_start3A_459 = tpu.memref_slice %arg13[%dma_start3A_457, %dma_start3A_458] : memref<16x1024xf32, #tpu.memory_space<vmem>> -> memref<4x1024xf32, #tpu.memory_space<vmem>>
      tpu.enqueue_dma source(%dma_start3A_459 : memref<4x1024xf32, #tpu.memory_space<vmem>>) target(%dma_start3A_456 : memref<4x1024xf32, #tpu.memory_space<hbm>>) target_semaphore(%arg21 : memref<!tpu.dma_semaphore, #tpu.memory_space<semaphore_mem>>)
      %add3A_460 = arith.constant 8192 : i32
      %add3A_461 = arith.addi %add3A_460, %mul3A_4 : i32
      %mul3A_462 = arith.constant 4 : i32
      %mul3A_463 = arith.muli %add3A_349, %mul3A_462 : i32
      %add3A_464 = arith.addi %add3A_461, %mul3A_463 : i32
      %dma_start3A_465 = arith.constant 8 : i32
      %dma_start3A_466 = arith.constant 0 : i32
      %dma_start3A_467 = tpu.memref_slice %arg13[%dma_start3A_465, %dma_start3A_466] : memref<16x1024xf32, #tpu.memory_space<vmem>> -> memref<4x1024xf32, #tpu.memory_space<vmem>>
      %dma_start3A_468 = arith.constant 0 : i32
      %dma_start3A_469 = tpu.memref_slice %arg5[%add3A_464, %dma_start3A_468] : memref<16384x1024xf32, #tpu.memory_space<hbm>> -> memref<4x1024xf32, #tpu.memory_space<hbm>>
      %dma_start3A_470 = arith.constant 0 : i32
      %dma_start3A_471 = tpu.memref_slice %arg5[%add3A_464, %dma_start3A_470] : memref<16384x1024xf32, #tpu.memory_space<hbm>> -> memref<4x1024xf32, #tpu.memory_space<hbm>>
      %dma_start3A_472 = arith.constant 8 : i32
      %dma_start3A_473 = arith.constant 0 : i32
      %dma_start3A_474 = tpu.memref_slice %arg13[%dma_start3A_472, %dma_start3A_473] : memref<16x1024xf32, #tpu.memory_space<vmem>> -> memref<4x1024xf32, #tpu.memory_space<vmem>>
      tpu.enqueue_dma source(%dma_start3A_474 : memref<4x1024xf32, #tpu.memory_space<vmem>>) target(%dma_start3A_471 : memref<4x1024xf32, #tpu.memory_space<hbm>>) target_semaphore(%arg21 : memref<!tpu.dma_semaphore, #tpu.memory_space<semaphore_mem>>)
      %add3A_475 = arith.constant 12288 : i32
      %add3A_476 = arith.addi %add3A_475, %mul3A_4 : i32
      %mul3A_477 = arith.constant 4 : i32
      %mul3A_478 = arith.muli %add3A_349, %mul3A_477 : i32
      %add3A_479 = arith.addi %add3A_476, %mul3A_478 : i32
      %dma_start3A_480 = arith.constant 12 : i32
      %dma_start3A_481 = arith.constant 0 : i32
      %dma_start3A_482 = tpu.memref_slice %arg13[%dma_start3A_480, %dma_start3A_481] : memref<16x1024xf32, #tpu.memory_space<vmem>> -> memref<4x1024xf32, #tpu.memory_space<vmem>>
      %dma_start3A_483 = arith.constant 0 : i32
      %dma_start3A_484 = tpu.memref_slice %arg5[%add3A_479, %dma_start3A_483] : memref<16384x1024xf32, #tpu.memory_space<hbm>> -> memref<4x1024xf32, #tpu.memory_space<hbm>>
      %dma_start3A_485 = arith.constant 0 : i32
      %dma_start3A_486 = tpu.memref_slice %arg5[%add3A_479, %dma_start3A_485] : memref<16384x1024xf32, #tpu.memory_space<hbm>> -> memref<4x1024xf32, #tpu.memory_space<hbm>>
      %dma_start3A_487 = arith.constant 12 : i32
      %dma_start3A_488 = arith.constant 0 : i32
      %dma_start3A_489 = tpu.memref_slice %arg13[%dma_start3A_487, %dma_start3A_488] : memref<16x1024xf32, #tpu.memory_space<vmem>> -> memref<4x1024xf32, #tpu.memory_space<vmem>>
      tpu.enqueue_dma source(%dma_start3A_489 : memref<4x1024xf32, #tpu.memory_space<vmem>>) target(%dma_start3A_486 : memref<4x1024xf32, #tpu.memory_space<hbm>>) target_semaphore(%arg21 : memref<!tpu.dma_semaphore, #tpu.memory_space<semaphore_mem>>)
      %lt3A = arith.constant 7 : i32
      %lt3A_490 = arith.cmpi slt, %scan3A_142, %lt3A : i32
      %convert_element_type3A_491 = arith.extui %lt3A_490 : i1 to i32
      %cond3A_492 = arith.constant 0 : i32
      %cond3A_493 = arith.cmpi ne, %convert_element_type3A_491, %cond3A_492 : i32
      scf.if %cond3A_493 {
        %add3A_644 = arith.constant 2 : i32
        %add3A_645 = arith.addi %add3A_349, %add3A_644 : i32
        %mul3A_646 = arith.constant 16 : i32
        %mul3A_647 = arith.muli %add3A_645, %mul3A_646 : i32
        %dma_start3A_648 = tpu.memref_slice %arg6[%mul3A_647] : memref<512xi32, #tpu.memory_space<vmem>> -> memref<16xi32, #tpu.memory_space<vmem>>
        %dma_start3A_649 = arith.constant 0 : i32
        %dma_start3A_650 = arith.constant 0 : i32
        %dma_start3A_651 = tpu.memref_slice %arg3[%dma_start3A_649, %dma_start3A_650] : memref<100000x1024xf32, #tpu.memory_space<hbm>> -> memref<100000x1024xf32, #tpu.memory_space<hbm>>
        tpu.enqueue_indirect_dma source(%dma_start3A_651 : memref<100000x1024xf32, #tpu.memory_space<hbm>>) target(%arg7 : memref<16x1024xf32, #tpu.memory_space<vmem>>) offsets(%dma_start3A_648 : memref<16xi32, #tpu.memory_space<vmem>>) semaphore(%arg15 : memref<!tpu.dma_semaphore, #tpu.memory_space<semaphore_mem>>)
        %mul3A_652 = arith.constant 4 : i32
        %mul3A_653 = arith.muli %add3A_645, %mul3A_652 : i32
        %add3A_654 = arith.addi %mul3A_4, %mul3A_653 : i32
        %dma_start3A_655 = arith.constant 0 : i32
        %dma_start3A_656 = tpu.memref_slice %arg4[%add3A_654, %dma_start3A_655] : memref<4096x1024xf32, #tpu.memory_space<hbm>> -> memref<4x1024xf32, #tpu.memory_space<hbm>>
        %dma_start3A_657 = arith.constant 0 : i32
        %dma_start3A_658 = tpu.memref_slice %arg4[%add3A_654, %dma_start3A_657] : memref<4096x1024xf32, #tpu.memory_space<hbm>> -> memref<4x1024xf32, #tpu.memory_space<hbm>>
        tpu.enqueue_dma source(%dma_start3A_658 : memref<4x1024xf32, #tpu.memory_space<hbm>>) target(%arg9 : memref<4x1024xf32, #tpu.memory_space<vmem>>) target_semaphore(%arg17 : memref<!tpu.dma_semaphore, #tpu.memory_space<semaphore_mem>>)
      } else {
      }
      %mul3A_494 = arith.constant 4 : i32
      %mul3A_495 = arith.muli %scan3A_142, %mul3A_494 : i32
      %add3A_496 = arith.constant 3 : i32
      %add3A_497 = arith.addi %mul3A_495, %add3A_496 : i32
      %sub3A_498 = arith.constant 2 : i32
      %sub3A_499 = arith.subi %add3A_497, %sub3A_498 : i32
      %add3A_500 = arith.constant 0 : i32
      %add3A_501 = arith.addi %add3A_500, %mul3A_4 : i32
      %mul3A_502 = arith.constant 4 : i32
      %mul3A_503 = arith.muli %sub3A_499, %mul3A_502 : i32
      %add3A_504 = arith.addi %add3A_501, %mul3A_503 : i32
      %dma_wait3A_505 = arith.constant 0 : i32
      %dma_wait3A_506 = arith.constant 0 : i32
      %dma_wait3A_507 = tpu.memref_slice %arg12[%dma_wait3A_505, %dma_wait3A_506] : memref<16x1024xf32, #tpu.memory_space<vmem>> -> memref<4x1024xf32, #tpu.memory_space<vmem>>
      %dma_wait3A_508 = arith.constant 0 : i32
      %dma_wait3A_509 = tpu.memref_slice %arg5[%add3A_504, %dma_wait3A_508] : memref<16384x1024xf32, #tpu.memory_space<hbm>> -> memref<4x1024xf32, #tpu.memory_space<hbm>>
      %dma_wait3A_510 = arith.constant 0 : i32
      %dma_wait3A_511 = tpu.memref_slice %arg5[%add3A_504, %dma_wait3A_510] : memref<16384x1024xf32, #tpu.memory_space<hbm>> -> memref<4x1024xf32, #tpu.memory_space<hbm>>
      %dma_wait3A_512 = arith.constant 0 : i32
      %dma_wait3A_513 = arith.constant 0 : i32
      %dma_wait3A_514 = tpu.memref_slice %arg12[%dma_wait3A_512, %dma_wait3A_513] : memref<16x1024xf32, #tpu.memory_space<vmem>> -> memref<4x1024xf32, #tpu.memory_space<vmem>>
      tpu.wait_dma2 semaphore(%arg20 : memref<!tpu.dma_semaphore, #tpu.memory_space<semaphore_mem>>) src(%dma_wait3A_514 : memref<4x1024xf32, #tpu.memory_space<vmem>>) dst(%dma_wait3A_511 : memref<4x1024xf32, #tpu.memory_space<hbm>>)
      %add3A_515 = arith.constant 4096 : i32
      %add3A_516 = arith.addi %add3A_515, %mul3A_4 : i32
      %mul3A_517 = arith.constant 4 : i32
      %mul3A_518 = arith.muli %sub3A_499, %mul3A_517 : i32
      %add3A_519 = arith.addi %add3A_516, %mul3A_518 : i32
      %dma_wait3A_520 = arith.constant 4 : i32
      %dma_wait3A_521 = arith.constant 0 : i32
      %dma_wait3A_522 = tpu.memref_slice %arg12[%dma_wait3A_520, %dma_wait3A_521] : memref<16x1024xf32, #tpu.memory_space<vmem>> -> memref<4x1024xf32, #tpu.memory_space<vmem>>
      %dma_wait3A_523 = arith.constant 0 : i32
      %dma_wait3A_524 = tpu.memref_slice %arg5[%add3A_519, %dma_wait3A_523] : memref<16384x1024xf32, #tpu.memory_space<hbm>> -> memref<4x1024xf32, #tpu.memory_space<hbm>>
      %dma_wait3A_525 = arith.constant 0 : i32
      %dma_wait3A_526 = tpu.memref_slice %arg5[%add3A_519, %dma_wait3A_525] : memref<16384x1024xf32, #tpu.memory_space<hbm>> -> memref<4x1024xf32, #tpu.memory_space<hbm>>
      %dma_wait3A_527 = arith.constant 4 : i32
      %dma_wait3A_528 = arith.constant 0 : i32
      %dma_wait3A_529 = tpu.memref_slice %arg12[%dma_wait3A_527, %dma_wait3A_528] : memref<16x1024xf32, #tpu.memory_space<vmem>> -> memref<4x1024xf32, #tpu.memory_space<vmem>>
      tpu.wait_dma2 semaphore(%arg20 : memref<!tpu.dma_semaphore, #tpu.memory_space<semaphore_mem>>) src(%dma_wait3A_529 : memref<4x1024xf32, #tpu.memory_space<vmem>>) dst(%dma_wait3A_526 : memref<4x1024xf32, #tpu.memory_space<hbm>>)
      %add3A_530 = arith.constant 8192 : i32
      %add3A_531 = arith.addi %add3A_530, %mul3A_4 : i32
      %mul3A_532 = arith.constant 4 : i32
      %mul3A_533 = arith.muli %sub3A_499, %mul3A_532 : i32
      %add3A_534 = arith.addi %add3A_531, %mul3A_533 : i32
      %dma_wait3A_535 = arith.constant 8 : i32
      %dma_wait3A_536 = arith.constant 0 : i32
      %dma_wait3A_537 = tpu.memref_slice %arg12[%dma_wait3A_535, %dma_wait3A_536] : memref<16x1024xf32, #tpu.memory_space<vmem>> -> memref<4x1024xf32, #tpu.memory_space<vmem>>
      %dma_wait3A_538 = arith.constant 0 : i32
      %dma_wait3A_539 = tpu.memref_slice %arg5[%add3A_534, %dma_wait3A_538] : memref<16384x1024xf32, #tpu.memory_space<hbm>> -> memref<4x1024xf32, #tpu.memory_space<hbm>>
      %dma_wait3A_540 = arith.constant 0 : i32
      %dma_wait3A_541 = tpu.memref_slice %arg5[%add3A_534, %dma_wait3A_540] : memref<16384x1024xf32, #tpu.memory_space<hbm>> -> memref<4x1024xf32, #tpu.memory_space<hbm>>
      %dma_wait3A_542 = arith.constant 8 : i32
      %dma_wait3A_543 = arith.constant 0 : i32
      %dma_wait3A_544 = tpu.memref_slice %arg12[%dma_wait3A_542, %dma_wait3A_543] : memref<16x1024xf32, #tpu.memory_space<vmem>> -> memref<4x1024xf32, #tpu.memory_space<vmem>>
      tpu.wait_dma2 semaphore(%arg20 : memref<!tpu.dma_semaphore, #tpu.memory_space<semaphore_mem>>) src(%dma_wait3A_544 : memref<4x1024xf32, #tpu.memory_space<vmem>>) dst(%dma_wait3A_541 : memref<4x1024xf32, #tpu.memory_space<hbm>>)
      %add3A_545 = arith.constant 12288 : i32
      %add3A_546 = arith.addi %add3A_545, %mul3A_4 : i32
      %mul3A_547 = arith.constant 4 : i32
      %mul3A_548 = arith.muli %sub3A_499, %mul3A_547 : i32
      %add3A_549 = arith.addi %add3A_546, %mul3A_548 : i32
      %dma_wait3A_550 = arith.constant 12 : i32
      %dma_wait3A_551 = arith.constant 0 : i32
      %dma_wait3A_552 = tpu.memref_slice %arg12[%dma_wait3A_550, %dma_wait3A_551] : memref<16x1024xf32, #tpu.memory_space<vmem>> -> memref<4x1024xf32, #tpu.memory_space<vmem>>
      %dma_wait3A_553 = arith.constant 0 : i32
      %dma_wait3A_554 = tpu.memref_slice %arg5[%add3A_549, %dma_wait3A_553] : memref<16384x1024xf32, #tpu.memory_space<hbm>> -> memref<4x1024xf32, #tpu.memory_space<hbm>>
      %dma_wait3A_555 = arith.constant 0 : i32
      %dma_wait3A_556 = tpu.memref_slice %arg5[%add3A_549, %dma_wait3A_555] : memref<16384x1024xf32, #tpu.memory_space<hbm>> -> memref<4x1024xf32, #tpu.memory_space<hbm>>
      %dma_wait3A_557 = arith.constant 12 : i32
      %dma_wait3A_558 = arith.constant 0 : i32
      %dma_wait3A_559 = tpu.memref_slice %arg12[%dma_wait3A_557, %dma_wait3A_558] : memref<16x1024xf32, #tpu.memory_space<vmem>> -> memref<4x1024xf32, #tpu.memory_space<vmem>>
      tpu.wait_dma2 semaphore(%arg20 : memref<!tpu.dma_semaphore, #tpu.memory_space<semaphore_mem>>) src(%dma_wait3A_559 : memref<4x1024xf32, #tpu.memory_space<vmem>>) dst(%dma_wait3A_556 : memref<4x1024xf32, #tpu.memory_space<hbm>>)
      %mul3A_560 = arith.constant 16 : i32
      %mul3A_561 = arith.muli %add3A_497, %mul3A_560 : i32
      %dma_wait3A_562 = tpu.memref_slice %arg6[%mul3A_561] : memref<512xi32, #tpu.memory_space<vmem>> -> memref<16xi32, #tpu.memory_space<vmem>>
      %dma_wait3A_563 = arith.constant 0 : i32
      %dma_wait3A_564 = arith.constant 0 : i32
      %dma_wait3A_565 = tpu.memref_slice %arg3[%dma_wait3A_563, %dma_wait3A_564] : memref<100000x1024xf32, #tpu.memory_space<hbm>> -> memref<100000x1024xf32, #tpu.memory_space<hbm>>
      tpu.wait_indirect_dma semaphore(%arg16 : memref<!tpu.dma_semaphore, #tpu.memory_space<semaphore_mem>>) src(%dma_wait3A_565 : memref<100000x1024xf32, #tpu.memory_space<hbm>>) dst(%arg8 : memref<16x1024xf32, #tpu.memory_space<vmem>>)
      %mul3A_566 = arith.constant 4 : i32
      %mul3A_567 = arith.muli %add3A_497, %mul3A_566 : i32
      %add3A_568 = arith.addi %mul3A_4, %mul3A_567 : i32
      %dma_wait3A_569 = arith.constant 0 : i32
      %dma_wait3A_570 = tpu.memref_slice %arg4[%add3A_568, %dma_wait3A_569] : memref<4096x1024xf32, #tpu.memory_space<hbm>> -> memref<4x1024xf32, #tpu.memory_space<hbm>>
      %dma_wait3A_571 = arith.constant 0 : i32
      %dma_wait3A_572 = tpu.memref_slice %arg4[%add3A_568, %dma_wait3A_571] : memref<4096x1024xf32, #tpu.memory_space<hbm>> -> memref<4x1024xf32, #tpu.memory_space<hbm>>
      tpu.wait_dma2 semaphore(%arg18 : memref<!tpu.dma_semaphore, #tpu.memory_space<semaphore_mem>>) src(%dma_wait3A_572 : memref<4x1024xf32, #tpu.memory_space<hbm>>) dst(%arg10 : memref<4x1024xf32, #tpu.memory_space<vmem>>)
      %scan3A_573 = arith.constant 0 : i32
      %scan3A_574 = arith.constant 0 : i32
      %scan3A_575 = arith.constant 64 : i32
      %scan3A_576 = arith.addi %scan3A_574, %scan3A_575 : i32
      %scan3A_577 = arith.constant 1 : i32
      scf.for %scan3A_644 = %scan3A_574 to %scan3A_576 step %scan3A_577  : i32 {
        %mul3A_645 = arith.constant 16 : i32
        %mul3A_646 = arith.muli %scan3A_644, %mul3A_645 : i32
        %get3A = arith.constant 0 : i32
        %get3A_647 = arith.index_cast %get3A : i32 to index
        %get3A_648 = arith.index_cast %mul3A_646 : i32 to index
        %get3A_649 = tpu.vector_load %arg10[%get3A_647, %get3A_648] {strides = array<i32>} : memref<4x1024xf32, #tpu.memory_space<vmem>>, vector<1x16xf32>,
        %get3A_650 = vector.shape_cast %get3A_649 : vector<1x16xf32> to vector<16xf32>
        %get3A_651 = arith.constant 0 : i32
        %get3A_652 = arith.index_cast %get3A_651 : i32 to index
        %get3A_653 = arith.index_cast %mul3A_646 : i32 to index
        %get3A_654 = tpu.vector_load %arg8[%get3A_652, %get3A_653] {strides = array<i32>} : memref<16x1024xf32, #tpu.memory_space<vmem>>, vector<1x16xf32>,
        %get3A_655 = vector.shape_cast %get3A_654 : vector<1x16xf32> to vector<16xf32>
        %mul3A_656 = arith.constant 3.200000e+01 : f32
        %mul3A_657 = vector.broadcast %mul3A_656 : f32 to vector<16xf32>
        %mul3A_658 = arith.mulf %get3A_655, %mul3A_657 : vector<16xf32>
        %add3A_659 = arith.addf %mul3A_658, %get3A_650 : vector<16xf32>
        %swap3A = arith.constant 0 : i32
        %swap3A_660 = arith.index_cast %swap3A : i32 to index
        %swap3A_661 = arith.index_cast %mul3A_646 : i32 to index
        %swap3A_662 = tpu.vector_load %arg14[%swap3A_660, %swap3A_661] {strides = array<i32>} : memref<16x1024xf32, #tpu.memory_space<vmem>>, vector<1x16xf32>,
        %swap3A_663 = vector.shape_cast %swap3A_662 : vector<1x16xf32> to vector<16xf32>
        %swap3A_664 = vector.shape_cast %add3A_659 : vector<16xf32> to vector<1x16xf32>
        tpu.vector_store %arg14[%swap3A_660, %swap3A_661], %swap3A_664 {strides = array<i32>} : memref<16x1024xf32, #tpu.memory_space<vmem>>, vector<1x16xf32>,
        %get3A_665 = arith.constant 4 : i32
        %get3A_666 = arith.index_cast %get3A_665 : i32 to index
        %get3A_667 = arith.index_cast %mul3A_646 : i32 to index
        %get3A_668 = tpu.vector_load %arg8[%get3A_666, %get3A_667] {strides = array<i32>} : memref<16x1024xf32, #tpu.memory_space<vmem>>, vector<1x16xf32>,
        %get3A_669 = vector.shape_cast %get3A_668 : vector<1x16xf32> to vector<16xf32>
        %mul3A_670 = arith.constant 3.200000e+01 : f32
        %mul3A_671 = vector.broadcast %mul3A_670 : f32 to vector<16xf32>
        %mul3A_672 = arith.mulf %get3A_669, %mul3A_671 : vector<16xf32>
        %add3A_673 = arith.addf %mul3A_672, %get3A_650 : vector<16xf32>
        %swap3A_674 = arith.constant 4 : i32
        %swap3A_675 = arith.index_cast %swap3A_674 : i32 to index
        %swap3A_676 = arith.index_cast %mul3A_646 : i32 to index
        %swap3A_677 = tpu.vector_load %arg14[%swap3A_675, %swap3A_676] {strides = array<i32>} : memref<16x1024xf32, #tpu.memory_space<vmem>>, vector<1x16xf32>,
        %swap3A_678 = vector.shape_cast %swap3A_677 : vector<1x16xf32> to vector<16xf32>
        %swap3A_679 = vector.shape_cast %add3A_673 : vector<16xf32> to vector<1x16xf32>
        tpu.vector_store %arg14[%swap3A_675, %swap3A_676], %swap3A_679 {strides = array<i32>} : memref<16x1024xf32, #tpu.memory_space<vmem>>, vector<1x16xf32>,
        %get3A_680 = arith.constant 8 : i32
        %get3A_681 = arith.index_cast %get3A_680 : i32 to index
        %get3A_682 = arith.index_cast %mul3A_646 : i32 to index
        %get3A_683 = tpu.vector_load %arg8[%get3A_681, %get3A_682] {strides = array<i32>} : memref<16x1024xf32, #tpu.memory_space<vmem>>, vector<1x16xf32>,
        %get3A_684 = vector.shape_cast %get3A_683 : vector<1x16xf32> to vector<16xf32>
        %mul3A_685 = arith.constant 3.200000e+01 : f32
        %mul3A_686 = vector.broadcast %mul3A_685 : f32 to vector<16xf32>
        %mul3A_687 = arith.mulf %get3A_684, %mul3A_686 : vector<16xf32>
        %add3A_688 = arith.addf %mul3A_687, %get3A_650 : vector<16xf32>
        %swap3A_689 = arith.constant 8 : i32
        %swap3A_690 = arith.index_cast %swap3A_689 : i32 to index
        %swap3A_691 = arith.index_cast %mul3A_646 : i32 to index
        %swap3A_692 = tpu.vector_load %arg14[%swap3A_690, %swap3A_691] {strides = array<i32>} : memref<16x1024xf32, #tpu.memory_space<vmem>>, vector<1x16xf32>,
        %swap3A_693 = vector.shape_cast %swap3A_692 : vector<1x16xf32> to vector<16xf32>
        %swap3A_694 = vector.shape_cast %add3A_688 : vector<16xf32> to vector<1x16xf32>
        tpu.vector_store %arg14[%swap3A_690, %swap3A_691], %swap3A_694 {strides = array<i32>} : memref<16x1024xf32, #tpu.memory_space<vmem>>, vector<1x16xf32>,
        %get3A_695 = arith.constant 12 : i32
        %get3A_696 = arith.index_cast %get3A_695 : i32 to index
        %get3A_697 = arith.index_cast %mul3A_646 : i32 to index
        %get3A_698 = tpu.vector_load %arg8[%get3A_696, %get3A_697] {strides = array<i32>} : memref<16x1024xf32, #tpu.memory_space<vmem>>, vector<1x16xf32>,
        %get3A_699 = vector.shape_cast %get3A_698 : vector<1x16xf32> to vector<16xf32>
        %mul3A_700 = arith.constant 3.200000e+01 : f32
        %mul3A_701 = vector.broadcast %mul3A_700 : f32 to vector<16xf32>
        %mul3A_702 = arith.mulf %get3A_699, %mul3A_701 : vector<16xf32>
        %add3A_703 = arith.addf %mul3A_702, %get3A_650 : vector<16xf32>
        %swap3A_704 = arith.constant 12 : i32
        %swap3A_705 = arith.index_cast %swap3A_704 : i32 to index
        %swap3A_706 = arith.index_cast %mul3A_646 : i32 to index
        %swap3A_707 = tpu.vector_load %arg14[%swap3A_705, %swap3A_706] {strides = array<i32>} : memref<16x1024xf32, #tpu.memory_space<vmem>>, vector<1x16xf32>,
        %swap3A_708 = vector.shape_cast %swap3A_707 : vector<1x16xf32> to vector<16xf32>
        %swap3A_709 = vector.shape_cast %add3A_703 : vector<16xf32> to vector<1x16xf32>
        tpu.vector_store %arg14[%swap3A_705, %swap3A_706], %swap3A_709 {strides = array<i32>} : memref<16x1024xf32, #tpu.memory_space<vmem>>, vector<1x16xf32>,
        %get3A_710 = arith.constant 1 : i32
        %get3A_711 = arith.index_cast %get3A_710 : i32 to index
        %get3A_712 = arith.index_cast %mul3A_646 : i32 to index
        %get3A_713 = tpu.vector_load %arg10[%get3A_711, %get3A_712] {strides = array<i32>} : memref<4x1024xf32, #tpu.memory_space<vmem>>, vector<1x16xf32>,
        %get3A_714 = vector.shape_cast %get3A_713 : vector<1x16xf32> to vector<16xf32>
        %get3A_715 = arith.constant 1 : i32
        %get3A_716 = arith.index_cast %get3A_715 : i32 to index
        %get3A_717 = arith.index_cast %mul3A_646 : i32 to index
        %get3A_718 = tpu.vector_load %arg8[%get3A_716, %get3A_717] {strides = array<i32>} : memref<16x1024xf32, #tpu.memory_space<vmem>>, vector<1x16xf32>,
        %get3A_719 = vector.shape_cast %get3A_718 : vector<1x16xf32> to vector<16xf32>
        %mul3A_720 = arith.constant 3.200000e+01 : f32
        %mul3A_721 = vector.broadcast %mul3A_720 : f32 to vector<16xf32>
        %mul3A_722 = arith.mulf %get3A_719, %mul3A_721 : vector<16xf32>
        %add3A_723 = arith.addf %mul3A_722, %get3A_714 : vector<16xf32>
        %swap3A_724 = arith.constant 1 : i32
        %swap3A_725 = arith.index_cast %swap3A_724 : i32 to index
        %swap3A_726 = arith.index_cast %mul3A_646 : i32 to index
        %swap3A_727 = tpu.vector_load %arg14[%swap3A_725, %swap3A_726] {strides = array<i32>} : memref<16x1024xf32, #tpu.memory_space<vmem>>, vector<1x16xf32>,
        %swap3A_728 = vector.shape_cast %swap3A_727 : vector<1x16xf32> to vector<16xf32>
        %swap3A_729 = vector.shape_cast %add3A_723 : vector<16xf32> to vector<1x16xf32>
        tpu.vector_store %arg14[%swap3A_725, %swap3A_726], %swap3A_729 {strides = array<i32>} : memref<16x1024xf32, #tpu.memory_space<vmem>>, vector<1x16xf32>,
        %get3A_730 = arith.constant 5 : i32
        %get3A_731 = arith.index_cast %get3A_730 : i32 to index
        %get3A_732 = arith.index_cast %mul3A_646 : i32 to index
        %get3A_733 = tpu.vector_load %arg8[%get3A_731, %get3A_732] {strides = array<i32>} : memref<16x1024xf32, #tpu.memory_space<vmem>>, vector<1x16xf32>,
        %get3A_734 = vector.shape_cast %get3A_733 : vector<1x16xf32> to vector<16xf32>
        %mul3A_735 = arith.constant 3.200000e+01 : f32
        %mul3A_736 = vector.broadcast %mul3A_735 : f32 to vector<16xf32>
        %mul3A_737 = arith.mulf %get3A_734, %mul3A_736 : vector<16xf32>
        %add3A_738 = arith.addf %mul3A_737, %get3A_714 : vector<16xf32>
        %swap3A_739 = arith.constant 5 : i32
        %swap3A_740 = arith.index_cast %swap3A_739 : i32 to index
        %swap3A_741 = arith.index_cast %mul3A_646 : i32 to index
        %swap3A_742 = tpu.vector_load %arg14[%swap3A_740, %swap3A_741] {strides = array<i32>} : memref<16x1024xf32, #tpu.memory_space<vmem>>, vector<1x16xf32>,
        %swap3A_743 = vector.shape_cast %swap3A_742 : vector<1x16xf32> to vector<16xf32>
        %swap3A_744 = vector.shape_cast %add3A_738 : vector<16xf32> to vector<1x16xf32>
        tpu.vector_store %arg14[%swap3A_740, %swap3A_741], %swap3A_744 {strides = array<i32>} : memref<16x1024xf32, #tpu.memory_space<vmem>>, vector<1x16xf32>,
        %get3A_745 = arith.constant 9 : i32
        %get3A_746 = arith.index_cast %get3A_745 : i32 to index
        %get3A_747 = arith.index_cast %mul3A_646 : i32 to index
        %get3A_748 = tpu.vector_load %arg8[%get3A_746, %get3A_747] {strides = array<i32>} : memref<16x1024xf32, #tpu.memory_space<vmem>>, vector<1x16xf32>,
        %get3A_749 = vector.shape_cast %get3A_748 : vector<1x16xf32> to vector<16xf32>
        %mul3A_750 = arith.constant 3.200000e+01 : f32
        %mul3A_751 = vector.broadcast %mul3A_750 : f32 to vector<16xf32>
        %mul3A_752 = arith.mulf %get3A_749, %mul3A_751 : vector<16xf32>
        %add3A_753 = arith.addf %mul3A_752, %get3A_714 : vector<16xf32>
        %swap3A_754 = arith.constant 9 : i32
        %swap3A_755 = arith.index_cast %swap3A_754 : i32 to index
        %swap3A_756 = arith.index_cast %mul3A_646 : i32 to index
        %swap3A_757 = tpu.vector_load %arg14[%swap3A_755, %swap3A_756] {strides = array<i32>} : memref<16x1024xf32, #tpu.memory_space<vmem>>, vector<1x16xf32>,
        %swap3A_758 = vector.shape_cast %swap3A_757 : vector<1x16xf32> to vector<16xf32>
        %swap3A_759 = vector.shape_cast %add3A_753 : vector<16xf32> to vector<1x16xf32>
        tpu.vector_store %arg14[%swap3A_755, %swap3A_756], %swap3A_759 {strides = array<i32>} : memref<16x1024xf32, #tpu.memory_space<vmem>>, vector<1x16xf32>,
        %get3A_760 = arith.constant 13 : i32
        %get3A_761 = arith.index_cast %get3A_760 : i32 to index
        %get3A_762 = arith.index_cast %mul3A_646 : i32 to index
        %get3A_763 = tpu.vector_load %arg8[%get3A_761, %get3A_762] {strides = array<i32>} : memref<16x1024xf32, #tpu.memory_space<vmem>>, vector<1x16xf32>,
        %get3A_764 = vector.shape_cast %get3A_763 : vector<1x16xf32> to vector<16xf32>
        %mul3A_765 = arith.constant 3.200000e+01 : f32
        %mul3A_766 = vector.broadcast %mul3A_765 : f32 to vector<16xf32>
        %mul3A_767 = arith.mulf %get3A_764, %mul3A_766 : vector<16xf32>
        %add3A_768 = arith.addf %mul3A_767, %get3A_714 : vector<16xf32>
        %swap3A_769 = arith.constant 13 : i32
        %swap3A_770 = arith.index_cast %swap3A_769 : i32 to index
        %swap3A_771 = arith.index_cast %mul3A_646 : i32 to index
        %swap3A_772 = tpu.vector_load %arg14[%swap3A_770, %swap3A_771] {strides = array<i32>} : memref<16x1024xf32, #tpu.memory_space<vmem>>, vector<1x16xf32>,
        %swap3A_773 = vector.shape_cast %swap3A_772 : vector<1x16xf32> to vector<16xf32>
        %swap3A_774 = vector.shape_cast %add3A_768 : vector<16xf32> to vector<1x16xf32>
        tpu.vector_store %arg14[%swap3A_770, %swap3A_771], %swap3A_774 {strides = array<i32>} : memref<16x1024xf32, #tpu.memory_space<vmem>>, vector<1x16xf32>,
        %get3A_775 = arith.constant 2 : i32
        %get3A_776 = arith.index_cast %get3A_775 : i32 to index
        %get3A_777 = arith.index_cast %mul3A_646 : i32 to index
        %get3A_778 = tpu.vector_load %arg10[%get3A_776, %get3A_777] {strides = array<i32>} : memref<4x1024xf32, #tpu.memory_space<vmem>>, vector<1x16xf32>,
        %get3A_779 = vector.shape_cast %get3A_778 : vector<1x16xf32> to vector<16xf32>
        %get3A_780 = arith.constant 2 : i32
        %get3A_781 = arith.index_cast %get3A_780 : i32 to index
        %get3A_782 = arith.index_cast %mul3A_646 : i32 to index
        %get3A_783 = tpu.vector_load %arg8[%get3A_781, %get3A_782] {strides = array<i32>} : memref<16x1024xf32, #tpu.memory_space<vmem>>, vector<1x16xf32>,
        %get3A_784 = vector.shape_cast %get3A_783 : vector<1x16xf32> to vector<16xf32>
        %mul3A_785 = arith.constant 3.200000e+01 : f32
        %mul3A_786 = vector.broadcast %mul3A_785 : f32 to vector<16xf32>
        %mul3A_787 = arith.mulf %get3A_784, %mul3A_786 : vector<16xf32>
        %add3A_788 = arith.addf %mul3A_787, %get3A_779 : vector<16xf32>
        %swap3A_789 = arith.constant 2 : i32
        %swap3A_790 = arith.index_cast %swap3A_789 : i32 to index
        %swap3A_791 = arith.index_cast %mul3A_646 : i32 to index
        %swap3A_792 = tpu.vector_load %arg14[%swap3A_790, %swap3A_791] {strides = array<i32>} : memref<16x1024xf32, #tpu.memory_space<vmem>>, vector<1x16xf32>,
        %swap3A_793 = vector.shape_cast %swap3A_792 : vector<1x16xf32> to vector<16xf32>
        %swap3A_794 = vector.shape_cast %add3A_788 : vector<16xf32> to vector<1x16xf32>
        tpu.vector_store %arg14[%swap3A_790, %swap3A_791], %swap3A_794 {strides = array<i32>} : memref<16x1024xf32, #tpu.memory_space<vmem>>, vector<1x16xf32>,
        %get3A_795 = arith.constant 6 : i32
        %get3A_796 = arith.index_cast %get3A_795 : i32 to index
        %get3A_797 = arith.index_cast %mul3A_646 : i32 to index
        %get3A_798 = tpu.vector_load %arg8[%get3A_796, %get3A_797] {strides = array<i32>} : memref<16x1024xf32, #tpu.memory_space<vmem>>, vector<1x16xf32>,
        %get3A_799 = vector.shape_cast %get3A_798 : vector<1x16xf32> to vector<16xf32>
        %mul3A_800 = arith.constant 3.200000e+01 : f32
        %mul3A_801 = vector.broadcast %mul3A_800 : f32 to vector<16xf32>
        %mul3A_802 = arith.mulf %get3A_799, %mul3A_801 : vector<16xf32>
        %add3A_803 = arith.addf %mul3A_802, %get3A_779 : vector<16xf32>
        %swap3A_804 = arith.constant 6 : i32
        %swap3A_805 = arith.index_cast %swap3A_804 : i32 to index
        %swap3A_806 = arith.index_cast %mul3A_646 : i32 to index
        %swap3A_807 = tpu.vector_load %arg14[%swap3A_805, %swap3A_806] {strides = array<i32>} : memref<16x1024xf32, #tpu.memory_space<vmem>>, vector<1x16xf32>,
        %swap3A_808 = vector.shape_cast %swap3A_807 : vector<1x16xf32> to vector<16xf32>
        %swap3A_809 = vector.shape_cast %add3A_803 : vector<16xf32> to vector<1x16xf32>
        tpu.vector_store %arg14[%swap3A_805, %swap3A_806], %swap3A_809 {strides = array<i32>} : memref<16x1024xf32, #tpu.memory_space<vmem>>, vector<1x16xf32>,
        %get3A_810 = arith.constant 10 : i32
        %get3A_811 = arith.index_cast %get3A_810 : i32 to index
        %get3A_812 = arith.index_cast %mul3A_646 : i32 to index
        %get3A_813 = tpu.vector_load %arg8[%get3A_811, %get3A_812] {strides = array<i32>} : memref<16x1024xf32, #tpu.memory_space<vmem>>, vector<1x16xf32>,
        %get3A_814 = vector.shape_cast %get3A_813 : vector<1x16xf32> to vector<16xf32>
        %mul3A_815 = arith.constant 3.200000e+01 : f32
        %mul3A_816 = vector.broadcast %mul3A_815 : f32 to vector<16xf32>
        %mul3A_817 = arith.mulf %get3A_814, %mul3A_816 : vector<16xf32>
        %add3A_818 = arith.addf %mul3A_817, %get3A_779 : vector<16xf32>
        %swap3A_819 = arith.constant 10 : i32
        %swap3A_820 = arith.index_cast %swap3A_819 : i32 to index
        %swap3A_821 = arith.index_cast %mul3A_646 : i32 to index
        %swap3A_822 = tpu.vector_load %arg14[%swap3A_820, %swap3A_821] {strides = array<i32>} : memref<16x1024xf32, #tpu.memory_space<vmem>>, vector<1x16xf32>,
        %swap3A_823 = vector.shape_cast %swap3A_822 : vector<1x16xf32> to vector<16xf32>
        %swap3A_824 = vector.shape_cast %add3A_818 : vector<16xf32> to vector<1x16xf32>
        tpu.vector_store %arg14[%swap3A_820, %swap3A_821], %swap3A_824 {strides = array<i32>} : memref<16x1024xf32, #tpu.memory_space<vmem>>, vector<1x16xf32>,
        %get3A_825 = arith.constant 14 : i32
        %get3A_826 = arith.index_cast %get3A_825 : i32 to index
        %get3A_827 = arith.index_cast %mul3A_646 : i32 to index
        %get3A_828 = tpu.vector_load %arg8[%get3A_826, %get3A_827] {strides = array<i32>} : memref<16x1024xf32, #tpu.memory_space<vmem>>, vector<1x16xf32>,
        %get3A_829 = vector.shape_cast %get3A_828 : vector<1x16xf32> to vector<16xf32>
        %mul3A_830 = arith.constant 3.200000e+01 : f32
        %mul3A_831 = vector.broadcast %mul3A_830 : f32 to vector<16xf32>
        %mul3A_832 = arith.mulf %get3A_829, %mul3A_831 : vector<16xf32>
        %add3A_833 = arith.addf %mul3A_832, %get3A_779 : vector<16xf32>
        %swap3A_834 = arith.constant 14 : i32
        %swap3A_835 = arith.index_cast %swap3A_834 : i32 to index
        %swap3A_836 = arith.index_cast %mul3A_646 : i32 to index
        %swap3A_837 = tpu.vector_load %arg14[%swap3A_835, %swap3A_836] {strides = array<i32>} : memref<16x1024xf32, #tpu.memory_space<vmem>>, vector<1x16xf32>,
        %swap3A_838 = vector.shape_cast %swap3A_837 : vector<1x16xf32> to vector<16xf32>
        %swap3A_839 = vector.shape_cast %add3A_833 : vector<16xf32> to vector<1x16xf32>
        tpu.vector_store %arg14[%swap3A_835, %swap3A_836], %swap3A_839 {strides = array<i32>} : memref<16x1024xf32, #tpu.memory_space<vmem>>, vector<1x16xf32>,
        %get3A_840 = arith.constant 3 : i32
        %get3A_841 = arith.index_cast %get3A_840 : i32 to index
        %get3A_842 = arith.index_cast %mul3A_646 : i32 to index
        %get3A_843 = tpu.vector_load %arg10[%get3A_841, %get3A_842] {strides = array<i32>} : memref<4x1024xf32, #tpu.memory_space<vmem>>, vector<1x16xf32>,
        %get3A_844 = vector.shape_cast %get3A_843 : vector<1x16xf32> to vector<16xf32>
        %get3A_845 = arith.constant 3 : i32
        %get3A_846 = arith.index_cast %get3A_845 : i32 to index
        %get3A_847 = arith.index_cast %mul3A_646 : i32 to index
        %get3A_848 = tpu.vector_load %arg8[%get3A_846, %get3A_847] {strides = array<i32>} : memref<16x1024xf32, #tpu.memory_space<vmem>>, vector<1x16xf32>,
        %get3A_849 = vector.shape_cast %get3A_848 : vector<1x16xf32> to vector<16xf32>
        %mul3A_850 = arith.constant 3.200000e+01 : f32
        %mul3A_851 = vector.broadcast %mul3A_850 : f32 to vector<16xf32>
        %mul3A_852 = arith.mulf %get3A_849, %mul3A_851 : vector<16xf32>
        %add3A_853 = arith.addf %mul3A_852, %get3A_844 : vector<16xf32>
        %swap3A_854 = arith.constant 3 : i32
        %swap3A_855 = arith.index_cast %swap3A_854 : i32 to index
        %swap3A_856 = arith.index_cast %mul3A_646 : i32 to index
        %swap3A_857 = tpu.vector_load %arg14[%swap3A_855, %swap3A_856] {strides = array<i32>} : memref<16x1024xf32, #tpu.memory_space<vmem>>, vector<1x16xf32>,
        %swap3A_858 = vector.shape_cast %swap3A_857 : vector<1x16xf32> to vector<16xf32>
        %swap3A_859 = vector.shape_cast %add3A_853 : vector<16xf32> to vector<1x16xf32>
        tpu.vector_store %arg14[%swap3A_855, %swap3A_856], %swap3A_859 {strides = array<i32>} : memref<16x1024xf32, #tpu.memory_space<vmem>>, vector<1x16xf32>,
        %get3A_860 = arith.constant 7 : i32
        %get3A_861 = arith.index_cast %get3A_860 : i32 to index
        %get3A_862 = arith.index_cast %mul3A_646 : i32 to index
        %get3A_863 = tpu.vector_load %arg8[%get3A_861, %get3A_862] {strides = array<i32>} : memref<16x1024xf32, #tpu.memory_space<vmem>>, vector<1x16xf32>,
        %get3A_864 = vector.shape_cast %get3A_863 : vector<1x16xf32> to vector<16xf32>
        %mul3A_865 = arith.constant 3.200000e+01 : f32
        %mul3A_866 = vector.broadcast %mul3A_865 : f32 to vector<16xf32>
        %mul3A_867 = arith.mulf %get3A_864, %mul3A_866 : vector<16xf32>
        %add3A_868 = arith.addf %mul3A_867, %get3A_844 : vector<16xf32>
        %swap3A_869 = arith.constant 7 : i32
        %swap3A_870 = arith.index_cast %swap3A_869 : i32 to index
        %swap3A_871 = arith.index_cast %mul3A_646 : i32 to index
        %swap3A_872 = tpu.vector_load %arg14[%swap3A_870, %swap3A_871] {strides = array<i32>} : memref<16x1024xf32, #tpu.memory_space<vmem>>, vector<1x16xf32>,
        %swap3A_873 = vector.shape_cast %swap3A_872 : vector<1x16xf32> to vector<16xf32>
        %swap3A_874 = vector.shape_cast %add3A_868 : vector<16xf32> to vector<1x16xf32>
        tpu.vector_store %arg14[%swap3A_870, %swap3A_871], %swap3A_874 {strides = array<i32>} : memref<16x1024xf32, #tpu.memory_space<vmem>>, vector<1x16xf32>,
        %get3A_875 = arith.constant 11 : i32
        %get3A_876 = arith.index_cast %get3A_875 : i32 to index
        %get3A_877 = arith.index_cast %mul3A_646 : i32 to index
        %get3A_878 = tpu.vector_load %arg8[%get3A_876, %get3A_877] {strides = array<i32>} : memref<16x1024xf32, #tpu.memory_space<vmem>>, vector<1x16xf32>,
        %get3A_879 = vector.shape_cast %get3A_878 : vector<1x16xf32> to vector<16xf32>
        %mul3A_880 = arith.constant 3.200000e+01 : f32
        %mul3A_881 = vector.broadcast %mul3A_880 : f32 to vector<16xf32>
        %mul3A_882 = arith.mulf %get3A_879, %mul3A_881 : vector<16xf32>
        %add3A_883 = arith.addf %mul3A_882, %get3A_844 : vector<16xf32>
        %swap3A_884 = arith.constant 11 : i32
        %swap3A_885 = arith.index_cast %swap3A_884 : i32 to index
        %swap3A_886 = arith.index_cast %mul3A_646 : i32 to index
        %swap3A_887 = tpu.vector_load %arg14[%swap3A_885, %swap3A_886] {strides = array<i32>} : memref<16x1024xf32, #tpu.memory_space<vmem>>, vector<1x16xf32>,
        %swap3A_888 = vector.shape_cast %swap3A_887 : vector<1x16xf32> to vector<16xf32>
        %swap3A_889 = vector.shape_cast %add3A_883 : vector<16xf32> to vector<1x16xf32>
        tpu.vector_store %arg14[%swap3A_885, %swap3A_886], %swap3A_889 {strides = array<i32>} : memref<16x1024xf32, #tpu.memory_space<vmem>>, vector<1x16xf32>,
        %get3A_890 = arith.constant 15 : i32
        %get3A_891 = arith.index_cast %get3A_890 : i32 to index
        %get3A_892 = arith.index_cast %mul3A_646 : i32 to index
        %get3A_893 = tpu.vector_load %arg8[%get3A_891, %get3A_892] {strides = array<i32>} : memref<16x1024xf32, #tpu.memory_space<vmem>>, vector<1x16xf32>,
        %get3A_894 = vector.shape_cast %get3A_893 : vector<1x16xf32> to vector<16xf32>
        %mul3A_895 = arith.constant 3.200000e+01 : f32
        %mul3A_896 = vector.broadcast %mul3A_895 : f32 to vector<16xf32>
        %mul3A_897 = arith.mulf %get3A_894, %mul3A_896 : vector<16xf32>
        %add3A_898 = arith.addf %mul3A_897, %get3A_844 : vector<16xf32>
        %swap3A_899 = arith.constant 15 : i32
        %swap3A_900 = arith.index_cast %swap3A_899 : i32 to index
        %swap3A_901 = arith.index_cast %mul3A_646 : i32 to index
        %swap3A_902 = tpu.vector_load %arg14[%swap3A_900, %swap3A_901] {strides = array<i32>} : memref<16x1024xf32, #tpu.memory_space<vmem>>, vector<1x16xf32>,
        %swap3A_903 = vector.shape_cast %swap3A_902 : vector<1x16xf32> to vector<16xf32>
        %swap3A_904 = vector.shape_cast %add3A_898 : vector<16xf32> to vector<1x16xf32>
        tpu.vector_store %arg14[%swap3A_900, %swap3A_901], %swap3A_904 {strides = array<i32>} : memref<16x1024xf32, #tpu.memory_space<vmem>>, vector<1x16xf32>,
      }
      %scan3A_578 = arith.constant 64 : i32
      %add3A_579 = arith.constant 0 : i32
      %add3A_580 = arith.addi %add3A_579, %mul3A_4 : i32
      %mul3A_581 = arith.constant 4 : i32
      %mul3A_582 = arith.muli %add3A_497, %mul3A_581 : i32
      %add3A_583 = arith.addi %add3A_580, %mul3A_582 : i32
      %dma_start3A_584 = arith.constant 0 : i32
      %dma_start3A_585 = arith.constant 0 : i32
      %dma_start3A_586 = tpu.memref_slice %arg14[%dma_start3A_584, %dma_start3A_585] : memref<16x1024xf32, #tpu.memory_space<vmem>> -> memref<4x1024xf32, #tpu.memory_space<vmem>>
      %dma_start3A_587 = arith.constant 0 : i32
      %dma_start3A_588 = tpu.memref_slice %arg5[%add3A_583, %dma_start3A_587] : memref<16384x1024xf32, #tpu.memory_space<hbm>> -> memref<4x1024xf32, #tpu.memory_space<hbm>>
      %dma_start3A_589 = arith.constant 0 : i32
      %dma_start3A_590 = tpu.memref_slice %arg5[%add3A_583, %dma_start3A_589] : memref<16384x1024xf32, #tpu.memory_space<hbm>> -> memref<4x1024xf32, #tpu.memory_space<hbm>>
      %dma_start3A_591 = arith.constant 0 : i32
      %dma_start3A_592 = arith.constant 0 : i32
      %dma_start3A_593 = tpu.memref_slice %arg14[%dma_start3A_591, %dma_start3A_592] : memref<16x1024xf32, #tpu.memory_space<vmem>> -> memref<4x1024xf32, #tpu.memory_space<vmem>>
      tpu.enqueue_dma source(%dma_start3A_593 : memref<4x1024xf32, #tpu.memory_space<vmem>>) target(%dma_start3A_590 : memref<4x1024xf32, #tpu.memory_space<hbm>>) target_semaphore(%arg22 : memref<!tpu.dma_semaphore, #tpu.memory_space<semaphore_mem>>)
      %add3A_594 = arith.constant 4096 : i32
      %add3A_595 = arith.addi %add3A_594, %mul3A_4 : i32
      %mul3A_596 = arith.constant 4 : i32
      %mul3A_597 = arith.muli %add3A_497, %mul3A_596 : i32
      %add3A_598 = arith.addi %add3A_595, %mul3A_597 : i32
      %dma_start3A_599 = arith.constant 4 : i32
      %dma_start3A_600 = arith.constant 0 : i32
      %dma_start3A_601 = tpu.memref_slice %arg14[%dma_start3A_599, %dma_start3A_600] : memref<16x1024xf32, #tpu.memory_space<vmem>> -> memref<4x1024xf32, #tpu.memory_space<vmem>>
      %dma_start3A_602 = arith.constant 0 : i32
      %dma_start3A_603 = tpu.memref_slice %arg5[%add3A_598, %dma_start3A_602] : memref<16384x1024xf32, #tpu.memory_space<hbm>> -> memref<4x1024xf32, #tpu.memory_space<hbm>>
      %dma_start3A_604 = arith.constant 0 : i32
      %dma_start3A_605 = tpu.memref_slice %arg5[%add3A_598, %dma_start3A_604] : memref<16384x1024xf32, #tpu.memory_space<hbm>> -> memref<4x1024xf32, #tpu.memory_space<hbm>>
      %dma_start3A_606 = arith.constant 4 : i32
      %dma_start3A_607 = arith.constant 0 : i32
      %dma_start3A_608 = tpu.memref_slice %arg14[%dma_start3A_606, %dma_start3A_607] : memref<16x1024xf32, #tpu.memory_space<vmem>> -> memref<4x1024xf32, #tpu.memory_space<vmem>>
      tpu.enqueue_dma source(%dma_start3A_608 : memref<4x1024xf32, #tpu.memory_space<vmem>>) target(%dma_start3A_605 : memref<4x1024xf32, #tpu.memory_space<hbm>>) target_semaphore(%arg22 : memref<!tpu.dma_semaphore, #tpu.memory_space<semaphore_mem>>)
      %add3A_609 = arith.constant 8192 : i32
      %add3A_610 = arith.addi %add3A_609, %mul3A_4 : i32
      %mul3A_611 = arith.constant 4 : i32
      %mul3A_612 = arith.muli %add3A_497, %mul3A_611 : i32
      %add3A_613 = arith.addi %add3A_610, %mul3A_612 : i32
      %dma_start3A_614 = arith.constant 8 : i32
      %dma_start3A_615 = arith.constant 0 : i32
      %dma_start3A_616 = tpu.memref_slice %arg14[%dma_start3A_614, %dma_start3A_615] : memref<16x1024xf32, #tpu.memory_space<vmem>> -> memref<4x1024xf32, #tpu.memory_space<vmem>>
      %dma_start3A_617 = arith.constant 0 : i32
      %dma_start3A_618 = tpu.memref_slice %arg5[%add3A_613, %dma_start3A_617] : memref<16384x1024xf32, #tpu.memory_space<hbm>> -> memref<4x1024xf32, #tpu.memory_space<hbm>>
      %dma_start3A_619 = arith.constant 0 : i32
      %dma_start3A_620 = tpu.memref_slice %arg5[%add3A_613, %dma_start3A_619] : memref<16384x1024xf32, #tpu.memory_space<hbm>> -> memref<4x1024xf32, #tpu.memory_space<hbm>>
      %dma_start3A_621 = arith.constant 8 : i32
      %dma_start3A_622 = arith.constant 0 : i32
      %dma_start3A_623 = tpu.memref_slice %arg14[%dma_start3A_621, %dma_start3A_622] : memref<16x1024xf32, #tpu.memory_space<vmem>> -> memref<4x1024xf32, #tpu.memory_space<vmem>>
      tpu.enqueue_dma source(%dma_start3A_623 : memref<4x1024xf32, #tpu.memory_space<vmem>>) target(%dma_start3A_620 : memref<4x1024xf32, #tpu.memory_space<hbm>>) target_semaphore(%arg22 : memref<!tpu.dma_semaphore, #tpu.memory_space<semaphore_mem>>)
      %add3A_624 = arith.constant 12288 : i32
      %add3A_625 = arith.addi %add3A_624, %mul3A_4 : i32
      %mul3A_626 = arith.constant 4 : i32
      %mul3A_627 = arith.muli %add3A_497, %mul3A_626 : i32
      %add3A_628 = arith.addi %add3A_625, %mul3A_627 : i32
      %dma_start3A_629 = arith.constant 12 : i32
      %dma_start3A_630 = arith.constant 0 : i32
      %dma_start3A_631 = tpu.memref_slice %arg14[%dma_start3A_629, %dma_start3A_630] : memref<16x1024xf32, #tpu.memory_space<vmem>> -> memref<4x1024xf32, #tpu.memory_space<vmem>>
      %dma_start3A_632 = arith.constant 0 : i32
      %dma_start3A_633 = tpu.memref_slice %arg5[%add3A_628, %dma_start3A_632] : memref<16384x1024xf32, #tpu.memory_space<hbm>> -> memref<4x1024xf32, #tpu.memory_space<hbm>>
      %dma_start3A_634 = arith.constant 0 : i32
      %dma_start3A_635 = tpu.memref_slice %arg5[%add3A_628, %dma_start3A_634] : memref<16384x1024xf32, #tpu.memory_space<hbm>> -> memref<4x1024xf32, #tpu.memory_space<hbm>>
      %dma_start3A_636 = arith.constant 12 : i32
      %dma_start3A_637 = arith.constant 0 : i32
      %dma_start3A_638 = tpu.memref_slice %arg14[%dma_start3A_636, %dma_start3A_637] : memref<16x1024xf32, #tpu.memory_space<vmem>> -> memref<4x1024xf32, #tpu.memory_space<vmem>>
      tpu.enqueue_dma source(%dma_start3A_638 : memref<4x1024xf32, #tpu.memory_space<vmem>>) target(%dma_start3A_635 : memref<4x1024xf32, #tpu.memory_space<hbm>>) target_semaphore(%arg22 : memref<!tpu.dma_semaphore, #tpu.memory_space<semaphore_mem>>)
      %lt3A_639 = arith.constant 7 : i32
      %lt3A_640 = arith.cmpi slt, %scan3A_142, %lt3A_639 : i32
      %convert_element_type3A_641 = arith.extui %lt3A_640 : i1 to i32
      %cond3A_642 = arith.constant 0 : i32
      %cond3A_643 = arith.cmpi ne, %convert_element_type3A_641, %cond3A_642 : i32
      scf.if %cond3A_643 {
        %add3A_644 = arith.constant 2 : i32
        %add3A_645 = arith.addi %add3A_497, %add3A_644 : i32
        %mul3A_646 = arith.constant 16 : i32
        %mul3A_647 = arith.muli %add3A_645, %mul3A_646 : i32
        %dma_start3A_648 = tpu.memref_slice %arg6[%mul3A_647] : memref<512xi32, #tpu.memory_space<vmem>> -> memref<16xi32, #tpu.memory_space<vmem>>
        %dma_start3A_649 = arith.constant 0 : i32
        %dma_start3A_650 = arith.constant 0 : i32
        %dma_start3A_651 = tpu.memref_slice %arg3[%dma_start3A_649, %dma_start3A_650] : memref<100000x1024xf32, #tpu.memory_space<hbm>> -> memref<100000x1024xf32, #tpu.memory_space<hbm>>
        tpu.enqueue_indirect_dma source(%dma_start3A_651 : memref<100000x1024xf32, #tpu.memory_space<hbm>>) target(%arg8 : memref<16x1024xf32, #tpu.memory_space<vmem>>) offsets(%dma_start3A_648 : memref<16xi32, #tpu.memory_space<vmem>>) semaphore(%arg16 : memref<!tpu.dma_semaphore, #tpu.memory_space<semaphore_mem>>)
        %mul3A_652 = arith.constant 4 : i32
        %mul3A_653 = arith.muli %add3A_645, %mul3A_652 : i32
        %add3A_654 = arith.addi %mul3A_4, %mul3A_653 : i32
        %dma_start3A_655 = arith.constant 0 : i32
        %dma_start3A_656 = tpu.memref_slice %arg4[%add3A_654, %dma_start3A_655] : memref<4096x1024xf32, #tpu.memory_space<hbm>> -> memref<4x1024xf32, #tpu.memory_space<hbm>>
        %dma_start3A_657 = arith.constant 0 : i32
        %dma_start3A_658 = tpu.memref_slice %arg4[%add3A_654, %dma_start3A_657] : memref<4096x1024xf32, #tpu.memory_space<hbm>> -> memref<4x1024xf32, #tpu.memory_space<hbm>>
        tpu.enqueue_dma source(%dma_start3A_658 : memref<4x1024xf32, #tpu.memory_space<hbm>>) target(%arg10 : memref<4x1024xf32, #tpu.memory_space<vmem>>) target_semaphore(%arg18 : memref<!tpu.dma_semaphore, #tpu.memory_space<semaphore_mem>>)
      } else {
      }
    }
    %scan3A_30 = arith.constant 8 : i32
    %add3A_31 = arith.constant 0 : i32
    %add3A_32 = arith.addi %add3A_31, %mul3A_4 : i32
    %add3A_33 = arith.constant 120 : i32
    %add3A_34 = arith.addi %add3A_32, %add3A_33 : i32
    %dma_wait3A = arith.constant 0 : i32
    %dma_wait3A_35 = arith.constant 0 : i32
    %dma_wait3A_36 = tpu.memref_slice %arg13[%dma_wait3A, %dma_wait3A_35] : memref<16x1024xf32, #tpu.memory_space<vmem>> -> memref<4x1024xf32, #tpu.memory_space<vmem>>
    %dma_wait3A_37 = arith.constant 0 : i32
    %dma_wait3A_38 = tpu.memref_slice %arg5[%add3A_34, %dma_wait3A_37] : memref<16384x1024xf32, #tpu.memory_space<hbm>> -> memref<4x1024xf32, #tpu.memory_space<hbm>>
    %dma_wait3A_39 = arith.constant 0 : i32
    %dma_wait3A_40 = tpu.memref_slice %arg5[%add3A_34, %dma_wait3A_39] : memref<16384x1024xf32, #tpu.memory_space<hbm>> -> memref<4x1024xf32, #tpu.memory_space<hbm>>
    %dma_wait3A_41 = arith.constant 0 : i32
    %dma_wait3A_42 = arith.constant 0 : i32
    %dma_wait3A_43 = tpu.memref_slice %arg13[%dma_wait3A_41, %dma_wait3A_42] : memref<16x1024xf32, #tpu.memory_space<vmem>> -> memref<4x1024xf32, #tpu.memory_space<vmem>>
    tpu.wait_dma2 semaphore(%arg21 : memref<!tpu.dma_semaphore, #tpu.memory_space<semaphore_mem>>) src(%dma_wait3A_43 : memref<4x1024xf32, #tpu.memory_space<vmem>>) dst(%dma_wait3A_40 : memref<4x1024xf32, #tpu.memory_space<hbm>>)
    %add3A_44 = arith.constant 4096 : i32
    %add3A_45 = arith.addi %add3A_44, %mul3A_4 : i32
    %add3A_46 = arith.constant 120 : i32
    %add3A_47 = arith.addi %add3A_45, %add3A_46 : i32
    %dma_wait3A_48 = arith.constant 4 : i32
    %dma_wait3A_49 = arith.constant 0 : i32
    %dma_wait3A_50 = tpu.memref_slice %arg13[%dma_wait3A_48, %dma_wait3A_49] : memref<16x1024xf32, #tpu.memory_space<vmem>> -> memref<4x1024xf32, #tpu.memory_space<vmem>>
    %dma_wait3A_51 = arith.constant 0 : i32
    %dma_wait3A_52 = tpu.memref_slice %arg5[%add3A_47, %dma_wait3A_51] : memref<16384x1024xf32, #tpu.memory_space<hbm>> -> memref<4x1024xf32, #tpu.memory_space<hbm>>
    %dma_wait3A_53 = arith.constant 0 : i32
    %dma_wait3A_54 = tpu.memref_slice %arg5[%add3A_47, %dma_wait3A_53] : memref<16384x1024xf32, #tpu.memory_space<hbm>> -> memref<4x1024xf32, #tpu.memory_space<hbm>>
    %dma_wait3A_55 = arith.constant 4 : i32
    %dma_wait3A_56 = arith.constant 0 : i32
    %dma_wait3A_57 = tpu.memref_slice %arg13[%dma_wait3A_55, %dma_wait3A_56] : memref<16x1024xf32, #tpu.memory_space<vmem>> -> memref<4x1024xf32, #tpu.memory_space<vmem>>
    tpu.wait_dma2 semaphore(%arg21 : memref<!tpu.dma_semaphore, #tpu.memory_space<semaphore_mem>>) src(%dma_wait3A_57 : memref<4x1024xf32, #tpu.memory_space<vmem>>) dst(%dma_wait3A_54 : memref<4x1024xf32, #tpu.memory_space<hbm>>)
    %add3A_58 = arith.constant 8192 : i32
    %add3A_59 = arith.addi %add3A_58, %mul3A_4 : i32
    %add3A_60 = arith.constant 120 : i32
    %add3A_61 = arith.addi %add3A_59, %add3A_60 : i32
    %dma_wait3A_62 = arith.constant 8 : i32
    %dma_wait3A_63 = arith.constant 0 : i32
    %dma_wait3A_64 = tpu.memref_slice %arg13[%dma_wait3A_62, %dma_wait3A_63] : memref<16x1024xf32, #tpu.memory_space<vmem>> -> memref<4x1024xf32, #tpu.memory_space<vmem>>
    %dma_wait3A_65 = arith.constant 0 : i32
    %dma_wait3A_66 = tpu.memref_slice %arg5[%add3A_61, %dma_wait3A_65] : memref<16384x1024xf32, #tpu.memory_space<hbm>> -> memref<4x1024xf32, #tpu.memory_space<hbm>>
    %dma_wait3A_67 = arith.constant 0 : i32
    %dma_wait3A_68 = tpu.memref_slice %arg5[%add3A_61, %dma_wait3A_67] : memref<16384x1024xf32, #tpu.memory_space<hbm>> -> memref<4x1024xf32, #tpu.memory_space<hbm>>
    %dma_wait3A_69 = arith.constant 8 : i32
    %dma_wait3A_70 = arith.constant 0 : i32
    %dma_wait3A_71 = tpu.memref_slice %arg13[%dma_wait3A_69, %dma_wait3A_70] : memref<16x1024xf32, #tpu.memory_space<vmem>> -> memref<4x1024xf32, #tpu.memory_space<vmem>>
    tpu.wait_dma2 semaphore(%arg21 : memref<!tpu.dma_semaphore, #tpu.memory_space<semaphore_mem>>) src(%dma_wait3A_71 : memref<4x1024xf32, #tpu.memory_space<vmem>>) dst(%dma_wait3A_68 : memref<4x1024xf32, #tpu.memory_space<hbm>>)
    %add3A_72 = arith.constant 12288 : i32
    %add3A_73 = arith.addi %add3A_72, %mul3A_4 : i32
    %add3A_74 = arith.constant 120 : i32
    %add3A_75 = arith.addi %add3A_73, %add3A_74 : i32
    %dma_wait3A_76 = arith.constant 12 : i32
    %dma_wait3A_77 = arith.constant 0 : i32
    %dma_wait3A_78 = tpu.memref_slice %arg13[%dma_wait3A_76, %dma_wait3A_77] : memref<16x1024xf32, #tpu.memory_space<vmem>> -> memref<4x1024xf32, #tpu.memory_space<vmem>>
    %dma_wait3A_79 = arith.constant 0 : i32
    %dma_wait3A_80 = tpu.memref_slice %arg5[%add3A_75, %dma_wait3A_79] : memref<16384x1024xf32, #tpu.memory_space<hbm>> -> memref<4x1024xf32, #tpu.memory_space<hbm>>
    %dma_wait3A_81 = arith.constant 0 : i32
    %dma_wait3A_82 = tpu.memref_slice %arg5[%add3A_75, %dma_wait3A_81] : memref<16384x1024xf32, #tpu.memory_space<hbm>> -> memref<4x1024xf32, #tpu.memory_space<hbm>>
    %dma_wait3A_83 = arith.constant 12 : i32
    %dma_wait3A_84 = arith.constant 0 : i32
    %dma_wait3A_85 = tpu.memref_slice %arg13[%dma_wait3A_83, %dma_wait3A_84] : memref<16x1024xf32, #tpu.memory_space<vmem>> -> memref<4x1024xf32, #tpu.memory_space<vmem>>
    tpu.wait_dma2 semaphore(%arg21 : memref<!tpu.dma_semaphore, #tpu.memory_space<semaphore_mem>>) src(%dma_wait3A_85 : memref<4x1024xf32, #tpu.memory_space<vmem>>) dst(%dma_wait3A_82 : memref<4x1024xf32, #tpu.memory_space<hbm>>)
    %add3A_86 = arith.constant 0 : i32
    %add3A_87 = arith.addi %add3A_86, %mul3A_4 : i32
    %add3A_88 = arith.constant 124 : i32
    %add3A_89 = arith.addi %add3A_87, %add3A_88 : i32
    %dma_wait3A_90 = arith.constant 0 : i32
    %dma_wait3A_91 = arith.constant 0 : i32
    %dma_wait3A_92 = tpu.memref_slice %arg14[%dma_wait3A_90, %dma_wait3A_91] : memref<16x1024xf32, #tpu.memory_space<vmem>> -> memref<4x1024xf32, #tpu.memory_space<vmem>>
    %dma_wait3A_93 = arith.constant 0 : i32
    %dma_wait3A_94 = tpu.memref_slice %arg5[%add3A_89, %dma_wait3A_93] : memref<16384x1024xf32, #tpu.memory_space<hbm>> -> memref<4x1024xf32, #tpu.memory_space<hbm>>
    %dma_wait3A_95 = arith.constant 0 : i32
    %dma_wait3A_96 = tpu.memref_slice %arg5[%add3A_89, %dma_wait3A_95] : memref<16384x1024xf32, #tpu.memory_space<hbm>> -> memref<4x1024xf32, #tpu.memory_space<hbm>>
    %dma_wait3A_97 = arith.constant 0 : i32
    %dma_wait3A_98 = arith.constant 0 : i32
    %dma_wait3A_99 = tpu.memref_slice %arg14[%dma_wait3A_97, %dma_wait3A_98] : memref<16x1024xf32, #tpu.memory_space<vmem>> -> memref<4x1024xf32, #tpu.memory_space<vmem>>
    tpu.wait_dma2 semaphore(%arg22 : memref<!tpu.dma_semaphore, #tpu.memory_space<semaphore_mem>>) src(%dma_wait3A_99 : memref<4x1024xf32, #tpu.memory_space<vmem>>) dst(%dma_wait3A_96 : memref<4x1024xf32, #tpu.memory_space<hbm>>)
    %add3A_100 = arith.constant 4096 : i32
    %add3A_101 = arith.addi %add3A_100, %mul3A_4 : i32
    %add3A_102 = arith.constant 124 : i32
    %add3A_103 = arith.addi %add3A_101, %add3A_102 : i32
    %dma_wait3A_104 = arith.constant 4 : i32
    %dma_wait3A_105 = arith.constant 0 : i32
    %dma_wait3A_106 = tpu.memref_slice %arg14[%dma_wait3A_104, %dma_wait3A_105] : memref<16x1024xf32, #tpu.memory_space<vmem>> -> memref<4x1024xf32, #tpu.memory_space<vmem>>
    %dma_wait3A_107 = arith.constant 0 : i32
    %dma_wait3A_108 = tpu.memref_slice %arg5[%add3A_103, %dma_wait3A_107] : memref<16384x1024xf32, #tpu.memory_space<hbm>> -> memref<4x1024xf32, #tpu.memory_space<hbm>>
    %dma_wait3A_109 = arith.constant 0 : i32
    %dma_wait3A_110 = tpu.memref_slice %arg5[%add3A_103, %dma_wait3A_109] : memref<16384x1024xf32, #tpu.memory_space<hbm>> -> memref<4x1024xf32, #tpu.memory_space<hbm>>
    %dma_wait3A_111 = arith.constant 4 : i32
    %dma_wait3A_112 = arith.constant 0 : i32
    %dma_wait3A_113 = tpu.memref_slice %arg14[%dma_wait3A_111, %dma_wait3A_112] : memref<16x1024xf32, #tpu.memory_space<vmem>> -> memref<4x1024xf32, #tpu.memory_space<vmem>>
    tpu.wait_dma2 semaphore(%arg22 : memref<!tpu.dma_semaphore, #tpu.memory_space<semaphore_mem>>) src(%dma_wait3A_113 : memref<4x1024xf32, #tpu.memory_space<vmem>>) dst(%dma_wait3A_110 : memref<4x1024xf32, #tpu.memory_space<hbm>>)
    %add3A_114 = arith.constant 8192 : i32
    %add3A_115 = arith.addi %add3A_114, %mul3A_4 : i32
    %add3A_116 = arith.constant 124 : i32
    %add3A_117 = arith.addi %add3A_115, %add3A_116 : i32
    %dma_wait3A_118 = arith.constant 8 : i32
    %dma_wait3A_119 = arith.constant 0 : i32
    %dma_wait3A_120 = tpu.memref_slice %arg14[%dma_wait3A_118, %dma_wait3A_119] : memref<16x1024xf32, #tpu.memory_space<vmem>> -> memref<4x1024xf32, #tpu.memory_space<vmem>>
    %dma_wait3A_121 = arith.constant 0 : i32
    %dma_wait3A_122 = tpu.memref_slice %arg5[%add3A_117, %dma_wait3A_121] : memref<16384x1024xf32, #tpu.memory_space<hbm>> -> memref<4x1024xf32, #tpu.memory_space<hbm>>
    %dma_wait3A_123 = arith.constant 0 : i32
    %dma_wait3A_124 = tpu.memref_slice %arg5[%add3A_117, %dma_wait3A_123] : memref<16384x1024xf32, #tpu.memory_space<hbm>> -> memref<4x1024xf32, #tpu.memory_space<hbm>>
    %dma_wait3A_125 = arith.constant 8 : i32
    %dma_wait3A_126 = arith.constant 0 : i32
    %dma_wait3A_127 = tpu.memref_slice %arg14[%dma_wait3A_125, %dma_wait3A_126] : memref<16x1024xf32, #tpu.memory_space<vmem>> -> memref<4x1024xf32, #tpu.memory_space<vmem>>
    tpu.wait_dma2 semaphore(%arg22 : memref<!tpu.dma_semaphore, #tpu.memory_space<semaphore_mem>>) src(%dma_wait3A_127 : memref<4x1024xf32, #tpu.memory_space<vmem>>) dst(%dma_wait3A_124 : memref<4x1024xf32, #tpu.memory_space<hbm>>)
    %add3A_128 = arith.constant 12288 : i32
    %add3A_129 = arith.addi %add3A_128, %mul3A_4 : i32
    %add3A_130 = arith.constant 124 : i32
    %add3A_131 = arith.addi %add3A_129, %add3A_130 : i32
    %dma_wait3A_132 = arith.constant 12 : i32
    %dma_wait3A_133 = arith.constant 0 : i32
    %dma_wait3A_134 = tpu.memref_slice %arg14[%dma_wait3A_132, %dma_wait3A_133] : memref<16x1024xf32, #tpu.memory_space<vmem>> -> memref<4x1024xf32, #tpu.memory_space<vmem>>
    %dma_wait3A_135 = arith.constant 0 : i32
    %dma_wait3A_136 = tpu.memref_slice %arg5[%add3A_131, %dma_wait3A_135] : memref<16384x1024xf32, #tpu.memory_space<hbm>> -> memref<4x1024xf32, #tpu.memory_space<hbm>>
    %dma_wait3A_137 = arith.constant 0 : i32
    %dma_wait3A_138 = tpu.memref_slice %arg5[%add3A_131, %dma_wait3A_137] : memref<16384x1024xf32, #tpu.memory_space<hbm>> -> memref<4x1024xf32, #tpu.memory_space<hbm>>
    %dma_wait3A_139 = arith.constant 12 : i32
    %dma_wait3A_140 = arith.constant 0 : i32
    %dma_wait3A_141 = tpu.memref_slice %arg14[%dma_wait3A_139, %dma_wait3A_140] : memref<16x1024xf32, #tpu.memory_space<vmem>> -> memref<4x1024xf32, #tpu.memory_space<vmem>>
    tpu.wait_dma2 semaphore(%arg22 : memref<!tpu.dma_semaphore, #tpu.memory_space<semaphore_mem>>) src(%dma_wait3A_141 : memref<4x1024xf32, #tpu.memory_space<vmem>>) dst(%dma_wait3A_138 : memref<4x1024xf32, #tpu.memory_space<hbm>>)
    return
  }
}

</mosaic_0001>

<sc_bundles>
// kernel: _run.3.cloned.1.call-start
scs
__scs_entry_jumppad:
0x0: {  	(pc) =	sbr.rel $0x88, $3  }
0x1: {  	(tag) =	ssettag $0x0;
	lr =	simm.s32 $0x1  }
0x2: {  	[smem:$0x3F9E] =	sst lr;
	_ =	strace $0xD0000000  }
0x3: {  	_ = 	snop  }
0x4: {  	_ = 	snop  }
0x5: {  	_ = 	snop  }
0x6: {  	_ = 	snop  }
0x7: {  	_ = 	snop  }
__scs_overlays_trampoline_lowered:
0x8: {  	[smem:$0x3FAD] =	sst s0  }
0x9: {  	[smem:$0x3FAE] =	sst s1  }
0xa: {  	[smem:$0x3FAF] =	sst s2  }
0xb: {  	[smem:$0x3FB0] =	sst s3  }
0xc: {  	[smem:$0x3FB1] =	sst s4  }
0xd: {  	[smem:$0x3FB2] =	sst s5  }
0xe: {  	[smem:$0x3FB3] =	sst s6  }
0xf: {  	[smem:$0x3FB4] =	sst s7  }
0x10: {  	[smem:$0x3FB5] =	sst s8  }
0x11: {  	[smem:$0x3FB6] =	sst s9;
	s0 =	simm.s32 @!p0 $0x0  }
0x12: {  	s1 =	sld [smem:$0x3F9C];
	s0 =	simm.s32 @p0 $0x1  }
0x13: {  	[smem:$0x3FB7] =	sst s0;
	s0 =	simm.s32 @!p1 $0x0  }
0x14: {  	s2 =	sld [smem:$0x3F9B];
	s0 =	simm.s32 @p1 $0x1  }
0x15: {  	[smem:$0x3FB8] =	sst s0;
	s0 =	simm.s32 @!p2 $0x0  }
0x16: {  	s3 =	sld [smem:$0x3FDB];
	s0 =	simm.s32 @p2 $0x1  }
0x17: {  	s4 =	simm.s32 $0x1BF5;
	[smem:$0x3FBA] =	sst s0  }
0x18: {  	s0 =	sld [smem:$0x3F9D];
	_ =	swait.ge [sflag:s4], $0x0  }
0x19: {  	s7 =	sld [smem:$0x3F9E]  }
0x1a: {  	s8 =	sadd.s32 $0xFFFFE003, lr  }
0x1b: {  	s9 =	sadd.s32 $0xFFFFFEF7, lr;
	s5 =	simm.s32 $0xFFFFFFFF;
	p2 =	slt.u32 s8, $0xFFFFF086  }
0x1c: {  	p1 =	slt.u32 s9, $0xF7A;
	s5 =	simm.s32 @!p2 $0x0  }
0x1d: {  	s5 =	simm.s32 @p1 $0x1;
	p0 =	seq.s32 s7, s2  }
0x1e: {  	s7 =	smul.u32 @!p0 $0xF7A, s2;
	p2 =	seq.s32 @!p0 s5, $0x0  }
0x1f: {  	s9 =	smul.u32 $0xF7A, s1;
	s8 =	simm.s32 @!p0 $0x1BF5;
	p2 =	por !p2, p0  }
0x20: {  	[sflag:s8] =	ssyncset.s32 @!p0 $0xFFFFF086;
	s6 =	sadd.s32 @!p0 s3, s7;
	s7 =	simm.s32 @!p0 $0x108  }
0x21: {  	s3 =	sadd.s32 s3, s9;
	s6 =	sadd.s32 @!p0 $0x88, s6;
	s7 =	simm.s32 @p2 $0x1082  }
0x22: {  	[simem:s7], [sflag:s8] =	dma.local @!p0 [hbm:s6], $0xF7A  }
0x23: {  	s9 =	sor.u32 $0xD0000000, s2;
	s6 =	simm.s32 $0x108;
	_ =	swait.ge @!p0 [sflag:s8], $0x0  }
0x24: {  	s3 =	sadd.s32 $0x88, s3;
	s6 =	simm.s32 @!p1 $0x1082;
	[sflag:s4] =	ssyncset.s32 $0xFFFFF086  }
0x25: {  	[simem:s6], [sflag:s4] =	dma.local [hbm:s3], $0xF7A  }
0x26: {  	[smem:$0x3F9E] =	sst s1;
	(tag) =	ssettag s2;
	_ =	strace s9  }
0x27: {  	s1 =	sld [smem:$0x3FAE]  }
0x28: {  	s2 =	sld [smem:$0x3FAF]  }
0x29: {  	s4 =	sld [smem:$0x3FB1]  }
0x2a: {  	p0 =	seq.s32 s5, $0x0;
	s5 =	sld [smem:$0x3FB2]  }
0x2b: {  	s6 =	sld [smem:$0x3FB3]  }
0x2c: {  	s7 =	sld [smem:$0x3FB4]  }
0x2d: {  	s3 =	simm.s32 $0x108;
	s8 =	sld [smem:$0x3FB5]  }
0x2e: {  	s3 =	simm.s32 @!p0 $0x1082;
	s9 =	sld [smem:$0x3FB6]  }
0x2f: {  	lr =	sadd.s32 s0, s3;
	s0 =	sld [smem:$0x3FAD]  }
0x30: {  	s3 =	sld [smem:$0x3FB0]  }
0x31: {  	[smem:$0x3FB9] =	sst s10  }
0x32: {  	s10 =	sld [smem:$0x3FB7];
	_ =	sdelay $0x3  }
0x33: {  	p0 =	seq.s32 s10, $0x1;
	s10 =	sld [smem:$0x3FB9];
	_ =	sdelay $0x3  }
0x34: {  	[smem:$0x3FB9] =	sst s10  }
0x35: {  	s10 =	sld [smem:$0x3FB8];
	_ =	sdelay $0x3  }
0x36: {  	p1 =	seq.s32 s10, $0x1;
	s10 =	sld [smem:$0x3FB9];
	_ =	sdelay $0x3  }
0x37: {  	[smem:$0x3FB9] =	sst s10  }
0x38: {  	s10 =	sld [smem:$0x3FBA]  }
0x39: {  	_ = 	snop;
	(pc) =	sbr.ind lr, $3  }
0x3a: {  	_ = 	snop  }
0x3b: {  	_ = 	snop  }
0x3c: {  	p2 =	seq.s32 s10, $0x1;
	s10 =	sld [smem:$0x3FB9]  }
0x3d: {  	_ =	shalt  }
0x3e: {  	_ =	shalt  }
0x3f: {  	_ =	shalt  }
0x40: {  	_ =	shalt  }
0x41: {  	_ =	shalt  }
0x42: {  	_ =	shalt  }
0x43: {  	_ =	shalt  }
0x44: {  	_ =	shalt  }
0x45: {  	_ =	shalt  }
0x46: {  	_ =	shalt  }
0x47: {  	_ =	shalt  }
0x48: {  	_ =	shalt  }
0x49: {  	_ =	shalt  }
0x4a: {  	_ =	shalt  }
0x4b: {  	_ =	shalt  }
0x4c: {  	_ =	shalt  }
0x4d: {  	_ =	shalt  }
0x4e: {  	_ =	shalt  }
0x4f: {  	_ =	shalt  }
0x50: {  	_ =	shalt  }
0x51: {  	_ =	shalt  }
0x52: {  	_ =	shalt  }
0x53: {  	_ =	shalt  }
0x54: {  	_ =	shalt  }
0x55: {  	_ =	shalt  }
0x56: {  	_ =	shalt  }
0x57: {  	_ =	shalt  }
0x58: {  	_ =	shalt  }
0x59: {  	_ =	shalt  }
0x5a: {  	_ =	shalt  }
0x5b: {  	_ =	shalt  }
0x5c: {  	_ =	shalt  }
0x5d: {  	_ =	shalt  }
0x5e: {  	_ =	shalt  }
0x5f: {  	_ =	shalt  }
0x60: {  	_ =	shalt  }
0x61: {  	_ =	shalt  }
0x62: {  	_ =	shalt  }
0x63: {  	_ =	shalt  }
0x64: {  	_ =	shalt  }
0x65: {  	_ =	shalt  }
0x66: {  	_ =	shalt  }
0x67: {  	_ =	shalt  }
0x68: {  	_ =	shalt  }
0x69: {  	_ =	shalt  }
0x6a: {  	_ =	shalt  }
0x6b: {  	_ =	shalt  }
0x6c: {  	_ =	shalt  }
0x6d: {  	_ =	shalt  }
0x6e: {  	_ =	shalt  }
0x6f: {  	_ =	shalt  }
0x70: {  	_ =	shalt  }
0x71: {  	_ =	shalt  }
0x72: {  	_ =	shalt  }
0x73: {  	_ =	shalt  }
0x74: {  	_ =	shalt  }
0x75: {  	_ =	shalt  }
0x76: {  	_ =	shalt  }
0x77: {  	_ =	shalt  }
0x78: {  	_ =	shalt  }
0x79: {  	_ =	shalt  }
0x7a: {  	_ =	shalt  }
0x7b: {  	_ =	shalt  }
0x7c: {  	_ =	shalt  }
0x7d: {  	_ =	shalt  }
0x7e: {  	_ =	shalt  }
0x7f: {  	_ =	shalt  }
0x80: {  	_ =	shalt  }
0x81: {  	_ =	shalt  }
0x82: {  	_ =	shalt  }
0x83: {  	_ =	shalt  }
0x84: {  	_ =	shalt  }
0x85: {  	_ =	shalt  }
0x86: {  	_ =	shalt  }
0x87: {  	_ =	shalt  }
.Lfunc_end0:
.L_simem_size_0:
called_computation_lowered:
.L_overlay_start_0:
0x88: {  	s2 =	sld [smem:$0x3FD9]  }
0x89: {  	s3 =	sld [smem:$0x3FFE];
	_ =	sdelay $0x1  }
0x8a: {  	s1 =	srdreg.scid  }
0x8b: {  	s0 =	sand.u32 $0x1, s1  }
0x8c: {  	s18 =	sshll.u32 s0, $0xA;
	s2 =	sadd.s32 s3, s2  }
0x8d: {  	s2 =	sadd.s32 s2, s18  }
0x8e: {  	[smem:$0x3FC5] =	sst s2  }
0x8f: {  	_ = 	snop  }
0x90: {  	s2 =	sld [smem:$0x3FC9]  }
0x91: {  	s19 =	sld [smem:$0x3FC8]  }
0x92: {  	s4 =	sld [smem:$0x3FC7]  }
0x93: {  	s5 =	sld [smem:$0x3FD0];
	(tm) =	ssettm $0x1  }
0x94: {  	s6 =	sld [smem:$0x3FFB];
	_ =	sdelay $0x3  }
0x95: {  	_ =	strace s6  }
0x96: {  	s6 =	sld [smem:$0x3FFC];
	_ =	sdelay $0x3  }
0x97: {  	_ =	strace s6  }
0x98: {  	s6 =	sld [smem:$0x3FFD];
	_ =	sdelay $0x3  }
0x99: {  	_ =	strace s6  }
0x9a: {  	_ =	strace $0x8FFFFFFF  }
0x9b: {  	s20 =	sld [smem:$0x3FDB];
	_ =	sdelay $0x1  }
0x9c: {  	s7 =	simm.s32 $_scs_section_size  }
0x9d: {  	s8 =	simm.s32 $_size__tile_overlayer_lowered;
	s9 =	simm.s32 $_tile_overlayer_lowered  }
0x9e: {  	s23 =	simm.s32 $0x1BFF;
	s22 =	sshll.u32 s9, $0x1;
	s6 =	sadd.s32 s7, s20  }
0x9f: {  	s10 =	simm.s32 $0x0;
	s21 =	sshll.u32 s8, $0x1;
	s8 =	sadd.s32 s22, s6  }
0xa0: {  	[timem:s10], [sflag:s23] =	dma.local [hbm:s8], s21  }
0xa1: {  	_ =	swait.ge [sflag:s23], s21  }
0xa2: {  	s7 =	ssub.s32 $0x0, s21;
	[sflag:s23] =	ssyncset.done $0x0  }
0xa3: {  	[sflag:s23] =	ssyncadd.s32 s7;
	_ =	sdelay $0x1  }
0xa4: {  	s24 =	simm.s32 $0x1B8B  }
0xa5: {  	_ =	swait.ge [sflag:s24], $0x1  }
0xa6: {  	[sflag:s24] =	ssyncset.done $0x0  }
0xa7: {  	s25 =	simm.s32 $0x1B8E;
	[sflag:s24] =	ssyncadd.s32 $0xFFFFFFFF  }
0xa8: {  	s26 =	simm.s32 $execute0_lowered;
	[smem:$0x3FD2] =	sst s25  }
0xa9: {  	s7 =	sshll.u32 s26, $0x1;
	_ =	strace $0x80000046;
	[dreg:$0x1] =	wrdreg $0xFFFFFFFF  }
0xaa: {  	s28 =	simm.s32 $_size_execute0_lowered;
	s6 =	sadd.s32 s6, s7;
	[dreg:$0x0] =	wrdreg $0x0  }
0xab: {  	s7 =	sshll.u32 s28, $0x1;
	[dreg:$0x2] =	wrdreg s6  }
0xac: {  	[dreg:$0x3] =	wrdreg s7  }
0xad: {  	[dreg:$0x4] =	wrdreg $0xC0  }
0xae: {  	_ =	task [dreg:s10], $0x5FFFF  }
0xaf: {  	[dreg:$0x1] =	wrdreg $0xFFFFFFFF  }
0xb0: {  	[dreg:$0x0] =	wrdreg $0x60  }
0xb1: {  	[dreg:$0x2] =	wrdreg s2  }
0xb2: {  	[dreg:$0x3] =	wrdreg s19  }
0xb3: {  	[dreg:$0x4] =	wrdreg s4  }
0xb4: {  	[dreg:$0x5] =	wrdreg s5  }
0xb5: {  	[dreg:$0x6] =	wrdreg $0x9  }
0xb6: {  	_ =	task.clear_ibuf [dreg:s10], $0x7FFFF;
	_ =	strace $0x90000046  }
0xb7: {  	s29 =	simm.s32 $0x9;
	_ =	strace $0x80000048  }
0xb8: {  	_ =	swait.ge [sflag:s29], $0x1  }
0xb9: {  	[sflag:s29] =	ssyncadd.s32 $0xFFFFFFFF  }
0xba: {  	_ =	strace $0x90000048  }
0xbb: {  	_ =	sfence  }
0xbc: {  	s30 =	sld [smem:$0x0];
	_ =	sdelay $0x2  }
0xbd: {  	s31 =	sshll.u32 s1, $0xD;
	s1 =	sshrl.u32 s1, $0x2  }
0xbe: {  	s3 =	sand.u32 $0x4000, s31;
	s1 =	sadd.s32 s1, s30  }
0xbf: {  	s0 =	sor.u32 s3, s0;
	s1 =	sshll.u32 s1, $0x11  }
0xc0: {  	s0 =	sor.u32 s1, s0  }
0xc1: {  	s0 =	sadd.s32 $0x8F2B, s0  }
0xc2: {  	[sflag:s0] =	ssyncadd.remote.s32 $0x1  }
0xc3: {  	_ =	sfence.sel $0xFFFF  }
0xc4: {  	[dreg:$0x0] =	wrdreg $0xFFFFFFFF;
	(pc) =	sbr.abs _section_cstart, $3  }
0xc5: {  	[dreg:$0x1] =	wrdreg $0xFFFFFFFF  }
0xc6: {  	_ =	task.clear_ibuf [dreg:s10], $0x2FFFF;
	_ =	strace $0x9FFFFFFF  }
0xc7: {  	(tm) =	ssettm $0x7FFFFFFF  }
tec
execute0_lowered:
.L_overlay_start_1:
0x0: {  	(tag) =	ssettag $0x1  }
0x1: {  	s0 =	rddreg [dreg:$0x0]  }
0x2: {  	s1 =	rddreg [dreg:$0x1]  }
0x3: {  	s30 =	rddreg [dreg:$0x2]  }
0x4: {  	s4 =	rddreg [dreg:$0x3]  }
0x5: {  	s2 =	srdreg.scid;
	s6 =	stileid.u32  }
0x6: {  	s5 =	simm.s32 $0x0;
	s28 =	simm.s32 $0x2;
	s29 =	simm.s32 $0x4  }
0x7: {  	s31 =	simm.s32 $0x5;
	s11 =	simm.s32 $0x6;
	s2 =	sand.u32 $0x1, s2  }
0x8: {  	s6 =	sshll.u32 s6, $0x1;
	[smem:$0x7FF] =	sst s5;
	s8 =	sadd.s32 $0x100, s1  }
0x9: {  	s9 =	sadd.s32 $0x200, s1;
	s24 =	sadd.s32 $0x40, s30;
	s12 =	sadd.s32 $0x300, s1  }
0xa: {  	s18 =	sadd.s32 $0x40, s4;
	s3 =	ssub.s32 $0x2, s2;
	s2 =	sor.u32 s2, s6  }
0xb: {  	_ =	strace $0x80000047;
	[dreg:$0x8] =	wrdreg s24;
	s7 =	sshrl.u32 s3, $0x1  }
0xc: {  	s22 =	sshll.u32 s2, $0x6;
	s6 =	sshll.u32 s2, $0x7;
	s23 =	sshll.u32 s2, $0xE  }
0xd: {  	s3 =	ssub.s32 s3, s7;
	s0 =	sadd.s32 s0, s22;
	[dreg:$0x7] =	wrdreg s23  }
.Ltmp0:
0xe: {  	s25 =	sadd.s32 s30, s23;
	[dreg:$0x5] =	wrdreg s6;
	(pc) =	sbr.rel .LBB2_1-.Ltmp0, $4  }
0xf: {  	s15 =	sor.u32 $0x1000, s6;
	s16 =	sor.u32 $0x2000, s6;
	[dreg:$0x6] =	wrdreg s0  }
0x10: {  	v2 =	vlaneseq.u32;
	s17 =	sor.u32 $0x3000, s6;
	[dreg:$0x9] =	wrdreg s25;
	s0 =	sadd.s32 s23, s24  }
0x11: {  	vm0 =	vmmov $0xffff;
	v1 =	vshrl.u32 v2, $0x3;
	s26 =	smax.u32 s3, $0x1;
	s25 =	simm.s32 $0x1;
	[dreg:$0xa] =	wrdreg s0  }
0x12: {  	v0 =	vand.u32 $0x7, v2;
	v2 =	vor.u32 $0x8, v2;
	v1 =	vmul.u32 $0x8, v1;
	s3 =	simm.s32 $0x0;
	[dreg:$0xb] =	wrdreg s26;
	s26 =	simm.s32 $0x3  }
.LBB2_12:
0x13: {  	s0 =	simm.s32 $0x7  }
0x14: {  	_ =	swait.ge [sflag:s0], $0x1000  }
0x15: {  	[sflag:s0] =	ssyncset.done $0x0  }
0x16: {  	[sflag:s0] =	ssyncadd.s32 $0xFFFFF000  }
0x17: {  	_ =	swait.ge [sflag:s0], $0x1000  }
0x18: {  	[sflag:s0] =	ssyncset.done $0x0  }
0x19: {  	[sflag:s0] =	ssyncadd.s32 $0xFFFFF000  }
0x1a: {  	_ =	swait.ge [sflag:s0], $0x1000  }
0x1b: {  	[sflag:s0] =	ssyncset.done $0x0  }
0x1c: {  	[sflag:s0] =	ssyncadd.s32 $0xFFFFF000  }
0x1d: {  	_ =	swait.ge [sflag:s0], $0x1000  }
0x1e: {  	[sflag:s0] =	ssyncset.done $0x0  }
0x1f: {  	s2 =	simm.s32 $0x8;
	[sflag:s0] =	ssyncadd.s32 $0xFFFFF000  }
0x20: {  	_ =	swait.ge [sflag:s2], $0x1000  }
0x21: {  	[sflag:s2] =	ssyncset.done $0x0  }
0x22: {  	[sflag:s2] =	ssyncadd.s32 $0xFFFFF000  }
0x23: {  	_ =	swait.ge [sflag:s2], $0x1000  }
0x24: {  	[sflag:s2] =	ssyncset.done $0x0  }
0x25: {  	[sflag:s2] =	ssyncadd.s32 $0xFFFFF000  }
0x26: {  	_ =	swait.ge [sflag:s2], $0x1000  }
0x27: {  	[sflag:s2] =	ssyncset.done $0x0  }
0x28: {  	[sflag:s2] =	ssyncadd.s32 $0xFFFFF000  }
0x29: {  	_ =	swait.ge [sflag:s2], $0x1000  }
0x2a: {  	s3 =	rddreg [dreg:$0xc]  }
0x2b: {  	s24 =	rddreg [dreg:$0xb];
	s3 =	sadd.s32 $0x1, s3  }
0x2c: {  	p0 =	sne.s32 s3, s24  }
.Ltmp1:
0x2d: {  	_ = 	snop;
	(pc) =	sbr.rel @!p0 .LBB2_13-.Ltmp1, $3  }
0x2e: {  	_ =	sdelay $0x1  }
0x2f: {  	[sflag:s2] =	ssyncset.done $0x0  }
0x30: {  	[sflag:s2] =	ssyncadd.s32 $0xFFFFF000  }
.LBB2_1:
0x31: {  	[dreg:$0xc] =	wrdreg s3  }
0x32: {  	s0 =	rddreg [dreg:$0x6];
	s10 =	simm.s32 $0x9  }
0x33: {  	[tilespmem:s5], [sflag:$0x9] =	stream.linear.gather [hbm4b:s0+s5], $0x200, $0x38;
	[tilespmem:$0x1A200] =	vst v63  }
0x34: {  	_ =	swait.ge [sflag:s10], $0x200  }
0x35: {  	[sflag:s10] =	ssyncset.done $0x0  }
0x36: {  	[sflag:s10] =	ssyncadd.s32 $0xFFFFFE00  }
0x37: {  	v3 =	vld [tilespmem:$0x0];
	_ =	sdelay $0x4  }
0x38: {  	v4 =	vshll.u32 v3, $0x3  }
0x39: {  	v3 =	vand.u32 $0x7, v3;
	v4 =	vand.u32 $0xFFFFFFC0, v4  }
0x3a: {  	v3 =	vor.u32 v3, v4  }
0x3b: {  	v4 =	vperm.xlane v3, v0;
	_ =	sdelay $0x1  }
0x3c: {  	v4 =	vadd.s32 v1, v4;
	_ =	sdelay $0x3  }
0x3d: {  	s2 =	simm.s32 $0x200  }
0x3e: {  	[tilespmem:s2], [sflag:$0x1] =	stream.indirect_vreg.gather [hbm4b:s1+s5], $0x80, v4, vm0, $0xb8;
	[tilespmem:$0x1A200] =	vst v63  }
0x3f: {  	s13 =	simm.s32 $0xA00;
	v3 =	vperm.xlane v3, v2  }
0x40: {  	[tilespmem:s13], [sflag:$0x1] =	stream.indirect_vreg.gather [hbm4b:s8+s5], $0x80, v4, vm0, $0xb8;
	[tilespmem:$0x1A200] =	vst v63  }
0x41: {  	s14 =	simm.s32 $0x1200;
	v3 =	vadd.s32 v1, v3  }
0x42: {  	[tilespmem:s14], [sflag:$0x1] =	stream.indirect_vreg.gather [hbm4b:s9+s5], $0x80, v4, vm0, $0xb8;
	[tilespmem:$0x1A200] =	vst v63  }
0x43: {  	s19 =	simm.s32 $0x1A00  }
0x44: {  	[tilespmem:s19], [sflag:$0x1] =	stream.indirect_vreg.gather [hbm4b:s12+s5], $0x80, v4, vm0, $0xb8;
	[tilespmem:$0x1A200] =	vst v63  }
0x45: {  	s20 =	simm.s32 $0x2200  }
0x46: {  	[tilespmem:s20], [sflag:$0x1] =	stream.indirect_vreg.gather [hbm4b:s1+s5], $0x80, v3, vm0, $0xb8;
	[tilespmem:$0x1A200] =	vst v63  }
0x47: {  	s21 =	simm.s32 $0x2A00  }
0x48: {  	[tilespmem:s21], [sflag:$0x1] =	stream.indirect_vreg.gather [hbm4b:s8+s5], $0x80, v3, vm0, $0xb8;
	[tilespmem:$0x1A200] =	vst v63  }
0x49: {  	s22 =	simm.s32 $0x3200  }
0x4a: {  	[tilespmem:s22], [sflag:$0x1] =	stream.indirect_vreg.gather [hbm4b:s9+s5], $0x80, v3, vm0, $0xb8;
	[tilespmem:$0x1A200] =	vst v63  }
0x4b: {  	s23 =	simm.s32 $0x3A00  }
0x4c: {  	[tilespmem:s23], [sflag:$0x1] =	stream.indirect_vreg.gather [hbm4b:s12+s5], $0x80, v3, vm0, $0xb8;
	[tilespmem:$0x1A200] =	vst v63  }
0x4d: {  	s3 =	simm.s32 $0x400;
	s6 =	simm.s32 $0x8200;
	s24 =	rddreg [dreg:$0x9]  }
0x4e: {  	[tilespmem:s6], [sflag:$0x3] =	stream.strided.gather [hbm4b:s24+s2], $0x1000, s3, s2, $0x38;
	[tilespmem:$0x1A200] =	vst v63  }
0x4f: {  	v3 =	vld [tilespmem:$0x10];
	_ =	sdelay $0x4  }
0x50: {  	v63 =	vshll.u32 v3, $0x3  }
0x51: {  	v3 =	vand.u32 $0x7, v3;
	v4 =	vand.u32 $0xFFFFFFC0, v63  }
0x52: {  	v3 =	vor.u32 v3, v4  }
0x53: {  	v4 =	vperm.xlane v3, v0;
	_ =	sdelay $0x1  }
0x54: {  	v4 =	vadd.s32 v1, v4;
	_ =	sdelay $0x3  }
0x55: {  	s7 =	simm.s32 $0x4200  }
0x56: {  	[tilespmem:s7], [sflag:$0x2] =	stream.indirect_vreg.gather [hbm4b:s1+s5], $0x80, v4, vm0, $0xb8;
	[tilespmem:$0x1A200] =	vst v63  }
0x57: {  	s10 =	simm.s32 $0x4A00;
	v3 =	vperm.xlane v3, v2  }
0x58: {  	[tilespmem:s10], [sflag:$0x2] =	stream.indirect_vreg.gather [hbm4b:s8+s5], $0x80, v4, vm0, $0xb8;
	[tilespmem:$0x1A200] =	vst v63  }
0x59: {  	s13 =	simm.s32 $0x5200;
	v3 =	vadd.s32 v1, v3  }
0x5a: {  	[tilespmem:s13], [sflag:$0x2] =	stream.indirect_vreg.gather [hbm4b:s9+s5], $0x80, v4, vm0, $0xb8;
	[tilespmem:$0x1A200] =	vst v63  }
0x5b: {  	s14 =	simm.s32 $0x5A00  }
0x5c: {  	[tilespmem:s14], [sflag:$0x2] =	stream.indirect_vreg.gather [hbm4b:s12+s5], $0x80, v4, vm0, $0xb8;
	[tilespmem:$0x1A200] =	vst v63  }
0x5d: {  	s19 =	simm.s32 $0x6200  }
0x5e: {  	[tilespmem:s19], [sflag:$0x2] =	stream.indirect_vreg.gather [hbm4b:s1+s5], $0x80, v3, vm0, $0xb8;
	[tilespmem:$0x1A200] =	vst v63  }
0x5f: {  	s20 =	simm.s32 $0x6A00  }
0x60: {  	[tilespmem:s20], [sflag:$0x2] =	stream.indirect_vreg.gather [hbm4b:s8+s5], $0x80, v3, vm0, $0xb8;
	[tilespmem:$0x1A200] =	vst v63  }
0x61: {  	s21 =	simm.s32 $0x7200  }
0x62: {  	[tilespmem:s21], [sflag:$0x2] =	stream.indirect_vreg.gather [hbm4b:s9+s5], $0x80, v3, vm0, $0xb8;
	[tilespmem:$0x1A200] =	vst v63  }
0x63: {  	s22 =	simm.s32 $0x7A00  }
0x64: {  	[tilespmem:s22], [sflag:$0x2] =	stream.indirect_vreg.gather [hbm4b:s12+s5], $0x80, v3, vm0, $0xb8;
	[tilespmem:$0x1A200] =	vst v63  }
0x65: {  	s23 =	rddreg [dreg:$0xa];
	s24 =	simm.s32 $0x9200;
	s10 =	simm.s32 $0x0  }
0x66: {  	[tilespmem:s24], [sflag:$0x4] =	stream.strided.gather [hbm4b:s23+s2], $0x1000, s3, s2, $0x38;
	[tilespmem:$0x1A200] =	vst v63  }
.LBB2_2:
0x67: {  	p0 =	seq.s32 s10, $0x0  }
0x68: {  	s0 =	simm.s32 @!p0 $0x7  }
0x69: {  	_ =	swait.ge @!p0 [sflag:s0], $0x1000  }
0x6a: {  	[sflag:s0] =	ssyncset.done @!p0 $0x0  }
0x6b: {  	[sflag:s0] =	ssyncadd.s32 @!p0 $0xFFFFF000  }
0x6c: {  	_ =	swait.ge @!p0 [sflag:s0], $0x1000  }
0x6d: {  	[sflag:s0] =	ssyncset.done @!p0 $0x0  }
0x6e: {  	[sflag:s0] =	ssyncadd.s32 @!p0 $0xFFFFF000  }
0x6f: {  	_ =	swait.ge @!p0 [sflag:s0], $0x1000  }
0x70: {  	[sflag:s0] =	ssyncset.done @!p0 $0x0  }
0x71: {  	[sflag:s0] =	ssyncadd.s32 @!p0 $0xFFFFF000  }
0x72: {  	_ =	swait.ge @!p0 [sflag:s0], $0x1000  }
0x73: {  	[sflag:s0] =	ssyncset.done @!p0 $0x0  }
0x74: {  	[sflag:s0] =	ssyncadd.s32 @!p0 $0xFFFFF000  }
0x75: {  	_ =	swait.ge [sflag:s25], $0x4000  }
0x76: {  	[sflag:s25] =	ssyncset.done $0x0  }
0x77: {  	s2 =	simm.s32 $0x0;
	[sflag:s25] =	ssyncadd.s32 $0xFFFFC000  }
0x78: {  	s3 =	simm.s32 $0x0;
	s0 =	simm.s32 $0x0;
	_ =	swait.ge [sflag:s26], $0x1000  }
0x79: {  	s2 =	sand.u32 $0x3FFFFE00, s2;
	s7 =	sand.u32 $0x70, s0;
	[sflag:s26] =	ssyncset.done $0x0  }
0x7a: {  	s3 =	sand.u32 $0xFFFFFC00, s3;
	s2 =	sor.u32 s7, s2;
	[sflag:s26] =	ssyncadd.s32 $0xFFFFF000  }
0x7b: {  	s7 =	sor.u32 s7, s3;
	v3 =	vld [tilespmem:s2+$0x8200]  }
0x7c: {  	v4 =	vld [tilespmem:s7+$0x2400]  }
0x7d: {  	v5 =	vld [tilespmem:s7+$0x2200]  }
0x7e: {  	v6 =	vld [tilespmem:s7+$0x200]  }
0x7f: {  	v7 =	vld [tilespmem:s7+$0x400];
	_ =	sdelay $0x1  }
0x80: {  	v4 =	vmul.f32 $3.200000000e+01, v4  }
0x81: {  	v5 =	vmul.f32 $3.200000000e+01, v5  }
0x82: {  	v6 =	vmul.f32 $3.200000000e+01, v6;
	v4 =	vadd.f32 v4, v3  }
0x83: {  	v7 =	vmul.f32 $3.200000000e+01, v7;
	v5 =	vadd.f32 v5, v3  }
0x84: {  	v6 =	vadd.f32 v6, v3;
	[tilespmem:s7+$0xC400] =	vst v4  }
0x85: {  	v60 =	vld [tilespmem:s7+$0x480];
	v3 =	vadd.f32 v7, v3;
	[tilespmem:s7+$0xC200] =	vst v5  }
0x86: {  	v4 =	vld [tilespmem:s7+$0x2480];
	[tilespmem:s7+$0xA200] =	vst v6  }
0x87: {  	v5 =	vld [tilespmem:s7+$0x280];
	[tilespmem:s7+$0xA400] =	vst v3  }
0x88: {  	v3 =	vld [tilespmem:s2+$0x8280]  }
0x89: {  	v61 =	vld [tilespmem:s7+$0x2280];
	_ =	sdelay $0x1  }
0x8a: {  	v6 =	vmul.f32 $3.200000000e+01, v60  }
0x8b: {  	v5 =	vmul.f32 $3.200000000e+01, v5  }
0x8c: {  	v4 =	vmul.f32 $3.200000000e+01, v4;
	v6 =	vadd.f32 v6, v3  }
0x8d: {  	v7 =	vmul.f32 $3.200000000e+01, v61;
	v5 =	vadd.f32 v5, v3  }
0x8e: {  	v4 =	vadd.f32 v4, v3;
	[tilespmem:s7+$0xA480] =	vst v6  }
0x8f: {  	v62 =	vld [tilespmem:s7+$0x500];
	v3 =	vadd.f32 v7, v3;
	[tilespmem:s7+$0xA280] =	vst v5  }
0x90: {  	v5 =	vld [tilespmem:s7+$0x2500];
	[tilespmem:s7+$0xC480] =	vst v4  }
0x91: {  	v4 =	vld [tilespmem:s7+$0x300];
	[tilespmem:s7+$0xC280] =	vst v3  }
0x92: {  	v3 =	vld [tilespmem:s2+$0x8300]  }
0x93: {  	v63 =	vld [tilespmem:s7+$0x2300];
	_ =	sdelay $0x1  }
0x94: {  	v6 =	vmul.f32 $3.200000000e+01, v62  }
0x95: {  	v4 =	vmul.f32 $3.200000000e+01, v4  }
0x96: {  	v5 =	vmul.f32 $3.200000000e+01, v5;
	v6 =	vadd.f32 v6, v3  }
0x97: {  	v7 =	vmul.f32 $3.200000000e+01, v63;
	v4 =	vadd.f32 v4, v3  }
0x98: {  	v5 =	vadd.f32 v5, v3;
	[tilespmem:s7+$0xA500] =	vst v6  }
0x99: {  	v3 =	vadd.f32 v7, v3;
	[tilespmem:s7+$0xA300] =	vst v4  }
0x9a: {  	[tilespmem:s7+$0xC500] =	vst v5;
	v4 =	vld [tilespmem:s7+$0x380]  }
0x9b: {  	[tilespmem:s7+$0xC300] =	vst v3  }
0x9c: {  	v3 =	vld [tilespmem:s2+$0x8380];
	_ =	sdelay $0x2  }
0x9d: {  	v4 =	vmul.f32 $3.200000000e+01, v4;
	_ =	sdelay $0x1  }
0x9e: {  	v4 =	vadd.f32 v4, v3  }
0x9f: {  	s13 =	sadd.s32 $0x0, s3  }
0xa0: {  	s24 =	sor.u32 $0x380, s13;
	[tilespmem:s7+$0xA380] =	vst v4  }
0xa1: {  	v4 =	vld [tilespmem:s24+$0x200];
	_ =	sdelay $0x4  }
0xa2: {  	v4 =	vmul.f32 $3.200000000e+01, v4;
	_ =	sdelay $0x1  }
0xa3: {  	v4 =	vadd.f32 v4, v3;
	_ =	sdelay $0x1  }
0xa4: {  	[tilespmem:s24+$0xA200] =	vst v4  }
0xa5: {  	v4 =	vld [tilespmem:s7+$0x2380];
	_ =	sdelay $0x4  }
0xa6: {  	v4 =	vmul.f32 $3.200000000e+01, v4;
	_ =	sdelay $0x1  }
0xa7: {  	v4 =	vadd.f32 v4, v3;
	_ =	sdelay $0x1  }
0xa8: {  	s19 =	sor.u32 $0x2380, s13;
	s3 =	sshll.u32 s10, $0x2;
	s2 =	simm.s32 $0x1;
	[tilespmem:s7+$0xC380] =	vst v4  }
.LBB2_3:
0xa9: {  	p1 =	sne.s32 s2, $0x3F  }
0xaa: {  	v4 =	vld [tilespmem:s19+$0x200];
	s0 =	sadd.s32 $0x10, s0;
	s7 =	smov.u32 s2;
	s2 =	sadd.s32 $0x1, s2  }
0xab: {  	_ =	sdelay $0x3  }
0xac: {  	v4 =	vmul.f32 $3.200000000e+01, v4;
	_ =	sdelay $0x1  }
0xad: {  	s13 =	sshll.u32 s7, $0x6;
	v3 =	vadd.f32 v4, v3  }
0xae: {  	s7 =	sshll.u32 s7, $0x7;
	s14 =	sand.u32 $0x70, s0;
	s13 =	sand.u32 $0x3FFFFE00, s13  }
0xaf: {  	s20 =	sand.u32 $0xFFFFFC00, s7;
	s13 =	sor.u32 s14, s13;
	[tilespmem:s19+$0xA200] =	vst v3  }
0xb0: {  	s7 =	sadd.s32 s20, s0;
	s14 =	sor.u32 s14, s20;
	v3 =	vld [tilespmem:s13+$0x8200]  }
0xb1: {  	v4 =	vld [tilespmem:s14+$0x2400]  }
0xb2: {  	v5 =	vld [tilespmem:s14+$0x2200]  }
0xb3: {  	v6 =	vld [tilespmem:s14+$0x200]  }
0xb4: {  	v7 =	vld [tilespmem:s14+$0x400];
	_ =	sdelay $0x1  }
0xb5: {  	v4 =	vmul.f32 $3.200000000e+01, v4  }
0xb6: {  	v5 =	vmul.f32 $3.200000000e+01, v5  }
0xb7: {  	v6 =	vmul.f32 $3.200000000e+01, v6;
	v4 =	vadd.f32 v4, v3  }
0xb8: {  	v7 =	vmul.f32 $3.200000000e+01, v7;
	v5 =	vadd.f32 v5, v3  }
0xb9: {  	v6 =	vadd.f32 v6, v3;
	[tilespmem:s14+$0xC400] =	vst v4;
	v4 =	vld [tilespmem:s14+$0x2480]  }
0xba: {  	v3 =	vadd.f32 v7, v3;
	[tilespmem:s14+$0xC200] =	vst v5;
	v5 =	vld [tilespmem:s14+$0x480]  }
0xbb: {  	[tilespmem:s14+$0xA200] =	vst v6;
	v6 =	vld [tilespmem:s14+$0x280]  }
0xbc: {  	[tilespmem:s14+$0xA400] =	vst v3;
	v3 =	vld [tilespmem:s14+$0x2280]  }
0xbd: {  	v7 =	vld [tilespmem:s13+$0x8280];
	_ =	sdelay $0x2  }
0xbe: {  	v5 =	vmul.f32 $3.200000000e+01, v5;
	v6 =	vmul.f32 $3.200000000e+01, v6  }
0xbf: {  	v4 =	vmul.f32 $3.200000000e+01, v4;
	v3 =	vmul.f32 $3.200000000e+01, v3  }
0xc0: {  	v6 =	vadd.f32 v6, v7;
	v5 =	vadd.f32 v5, v7  }
0xc1: {  	v4 =	vadd.f32 v4, v7;
	v3 =	vadd.f32 v3, v7  }
0xc2: {  	[tilespmem:s14+$0xA280] =	vst v6;
	v6 =	vld [tilespmem:s14+$0x2500]  }
0xc3: {  	[tilespmem:s14+$0xC480] =	vst v4;
	v4 =	vld [tilespmem:s14+$0x500]  }
0xc4: {  	[tilespmem:s14+$0xA480] =	vst v5;
	v5 =	vld [tilespmem:s14+$0x300]  }
0xc5: {  	[tilespmem:s14+$0xC280] =	vst v3;
	v3 =	vld [tilespmem:s14+$0x2300]  }
0xc6: {  	v7 =	vld [tilespmem:s13+$0x8300];
	_ =	sdelay $0x2  }
0xc7: {  	v4 =	vmul.f32 $3.200000000e+01, v4;
	v5 =	vmul.f32 $3.200000000e+01, v5  }
0xc8: {  	v6 =	vmul.f32 $3.200000000e+01, v6;
	v3 =	vmul.f32 $3.200000000e+01, v3  }
0xc9: {  	v5 =	vadd.f32 v5, v7;
	v4 =	vadd.f32 v4, v7  }
0xca: {  	v6 =	vadd.f32 v6, v7;
	v3 =	vadd.f32 v3, v7  }
0xcb: {  	[tilespmem:s14+$0xA300] =	vst v5  }
0xcc: {  	[tilespmem:s14+$0xC500] =	vst v6;
	v5 =	vld [tilespmem:s14+$0x380]  }
0xcd: {  	[tilespmem:s14+$0xA500] =	vst v4  }
0xce: {  	[tilespmem:s14+$0xC300] =	vst v3  }
0xcf: {  	v3 =	vld [tilespmem:s13+$0x8380];
	_ =	sdelay $0x1  }
0xd0: {  	v4 =	vmul.f32 $3.200000000e+01, v5;
	_ =	sdelay $0x2  }
0xd1: {  	v4 =	vadd.f32 v4, v3  }
0xd2: {  	s13 =	sor.u32 $0x380, s7  }
0xd3: {  	[tilespmem:s14+$0xA380] =	vst v4  }
0xd4: {  	v4 =	vld [tilespmem:s13+$0x200];
	_ =	sdelay $0x4  }
0xd5: {  	v4 =	vmul.f32 $3.200000000e+01, v4;
	_ =	sdelay $0x1  }
0xd6: {  	v4 =	vadd.f32 v4, v3;
	_ =	sdelay $0x1  }
0xd7: {  	[tilespmem:s13+$0xA200] =	vst v4  }
0xd8: {  	v4 =	vld [tilespmem:s14+$0x2380];
	_ =	sdelay $0x4  }
.Ltmp2:
0xd9: {  	v4 =	vmul.f32 $3.200000000e+01, v4;
	(pc) =	sbr.rel @p1 .LBB2_3-.Ltmp2, $4  }
0xda: {  	_ = 	snop  }
0xdb: {  	v4 =	vadd.f32 v4, v3  }
0xdc: {  	s19 =	sor.u32 $0x2380, s7  }
0xdd: {  	[tilespmem:s14+$0xC380] =	vst v4  }
0xde: {  	v4 =	vld [tilespmem:s19+$0x200];
	_ =	sdelay $0x4  }
0xdf: {  	v4 =	vmul.f32 $3.200000000e+01, v4  }
0xe0: {  	s2 =	sshll.u32 s10, $0x4;
	s6 =	rddreg [dreg:$0x5]  }
0xe1: {  	s0 =	sadd.s32 s6, s2;
	v3 =	vadd.f32 v4, v3  }
0xe2: {  	s0 =	sshll.u32 s0, $0x7  }
0xe3: {  	s13 =	simm.s32 $0xA200;
	s7 =	sadd.s32 s4, s0;
	[tilespmem:s19+$0xA200] =	vst v3  }
0xe4: {  	[hbm4b:s7+s5] =	stream.linear.scatter [tilespmem:s13], [sflag:$0x5], $0x200, $0x38;
	[tilespmem:$0x1A200] =	vst v63  }
0xe5: {  	s14 =	simm.s32 $0xA600;
	s24 =	sadd.s32 $0x80, s7  }
0xe6: {  	[hbm4b:s24+s5] =	stream.linear.scatter [tilespmem:s14], [sflag:$0x5], $0x200, $0x38;
	[tilespmem:$0x1A200] =	vst v63  }
0xe7: {  	s20 =	simm.s32 $0xAA00;
	s19 =	sadd.s32 $0x100, s7  }
0xe8: {  	[hbm4b:s19+s5] =	stream.linear.scatter [tilespmem:s20], [sflag:$0x5], $0x200, $0x38;
	[tilespmem:$0x1A200] =	vst v63  }
0xe9: {  	s22 =	simm.s32 $0xAE00;
	s21 =	sadd.s32 $0x180, s7  }
0xea: {  	[hbm4b:s21+s5] =	stream.linear.scatter [tilespmem:s22], [sflag:$0x5], $0x200, $0x38;
	[tilespmem:$0x1A200] =	vst v63  }
0xeb: {  	s23 =	sadd.s32 $0x200, s7;
	s24 =	simm.s32 $0xB200  }
0xec: {  	[hbm4b:s23+s5] =	stream.linear.scatter [tilespmem:s24], [sflag:$0x5], $0x200, $0x38;
	[tilespmem:$0x1A200] =	vst v63  }
0xed: {  	s14 =	sadd.s32 $0x280, s7;
	s19 =	simm.s32 $0xB600  }
0xee: {  	[hbm4b:s14+s5] =	stream.linear.scatter [tilespmem:s19], [sflag:$0x5], $0x200, $0x38;
	[tilespmem:$0x1A200] =	vst v63  }
0xef: {  	s20 =	sadd.s32 $0x300, s7;
	s21 =	simm.s32 $0xBA00  }
0xf0: {  	[hbm4b:s20+s5] =	stream.linear.scatter [tilespmem:s21], [sflag:$0x5], $0x200, $0x38;
	[tilespmem:$0x1A200] =	vst v63  }
0xf1: {  	s7 =	sadd.s32 $0x380, s7;
	s22 =	simm.s32 $0xBE00;
	s23 =	sadd.s32 s15, s2  }
0xf2: {  	[hbm4b:s7+s5] =	stream.linear.scatter [tilespmem:s22], [sflag:$0x5], $0x200, $0x38;
	[tilespmem:$0x1A200] =	vst v63  }
0xf3: {  	s7 =	sshll.u32 s23, $0x7  }
0xf4: {  	s7 =	sand.u32 $0x1FFFF800, s7  }
0xf5: {  	s24 =	simm.s32 $0xA400;
	s13 =	sadd.s32 s4, s7  }
0xf6: {  	[hbm4b:s13+s5] =	stream.linear.scatter [tilespmem:s24], [sflag:$0x5], $0x200, $0x38;
	[tilespmem:$0x1A200] =	vst v63  }
0xf7: {  	s20 =	simm.s32 $0xA800;
	s19 =	sadd.s32 $0x80, s13  }
0xf8: {  	[hbm4b:s19+s5] =	stream.linear.scatter [tilespmem:s20], [sflag:$0x5], $0x200, $0x38;
	[tilespmem:$0x1A200] =	vst v63  }
0xf9: {  	s22 =	simm.s32 $0xAC00;
	s21 =	sadd.s32 $0x100, s13  }
0xfa: {  	[hbm4b:s21+s5] =	stream.linear.scatter [tilespmem:s22], [sflag:$0x5], $0x200, $0x38;
	[tilespmem:$0x1A200] =	vst v63  }
0xfb: {  	s23 =	sadd.s32 $0x180, s13;
	s24 =	simm.s32 $0xB000  }
0xfc: {  	[hbm4b:s23+s5] =	stream.linear.scatter [tilespmem:s24], [sflag:$0x5], $0x200, $0x38;
	[tilespmem:$0x1A200] =	vst v63  }
0xfd: {  	s19 =	sadd.s32 $0x200, s13;
	s20 =	simm.s32 $0xB400  }
0xfe: {  	[hbm4b:s19+s5] =	stream.linear.scatter [tilespmem:s20], [sflag:$0x5], $0x200, $0x38;
	[tilespmem:$0x1A200] =	vst v63  }
0xff: {  	s21 =	sadd.s32 $0x280, s13;
	s22 =	simm.s32 $0xB800  }
0x100: {  	[hbm4b:s21+s5] =	stream.linear.scatter [tilespmem:s22], [sflag:$0x5], $0x200, $0x38;
	[tilespmem:$0x1A200] =	vst v63  }
0x101: {  	s23 =	sadd.s32 $0x300, s13;
	s24 =	simm.s32 $0xBC00  }
0x102: {  	[hbm4b:s23+s5] =	stream.linear.scatter [tilespmem:s24], [sflag:$0x5], $0x200, $0x38;
	[tilespmem:$0x1A200] =	vst v63  }
0x103: {  	s13 =	sadd.s32 $0x380, s13;
	s19 =	simm.s32 $0xC000;
	s20 =	sadd.s32 s16, s2  }
0x104: {  	[hbm4b:s13+s5] =	stream.linear.scatter [tilespmem:s19], [sflag:$0x5], $0x200, $0x38;
	[tilespmem:$0x1A200] =	vst v63  }
0x105: {  	s13 =	sshll.u32 s20, $0x7  }
0x106: {  	s19 =	sand.u32 $0x1FFFF800, s13  }
0x107: {  	s21 =	simm.s32 $0xC200;
	s13 =	sadd.s32 s4, s19  }
0x108: {  	[hbm4b:s13+s5] =	stream.linear.scatter [tilespmem:s21], [sflag:$0x5], $0x200, $0x38;
	[tilespmem:$0x1A200] =	vst v63  }
0x109: {  	s20 =	simm.s32 $0xC600;
	s22 =	sadd.s32 $0x80, s13  }
0x10a: {  	[hbm4b:s22+s5] =	stream.linear.scatter [tilespmem:s20], [sflag:$0x5], $0x200, $0x38;
	[tilespmem:$0x1A200] =	vst v63  }
0x10b: {  	s24 =	simm.s32 $0xCA00;
	s23 =	sadd.s32 $0x100, s13  }
0x10c: {  	[hbm4b:s23+s5] =	stream.linear.scatter [tilespmem:s24], [sflag:$0x5], $0x200, $0x38;
	[tilespmem:$0x1A200] =	vst v63  }
0x10d: {  	s21 =	sadd.s32 $0x180, s13;
	s22 =	simm.s32 $0xCE00  }
0x10e: {  	[hbm4b:s21+s5] =	stream.linear.scatter [tilespmem:s22], [sflag:$0x5], $0x200, $0x38;
	[tilespmem:$0x1A200] =	vst v63  }
0x10f: {  	s23 =	sadd.s32 $0x200, s13;
	s24 =	simm.s32 $0xD200  }
0x110: {  	[hbm4b:s23+s5] =	stream.linear.scatter [tilespmem:s24], [sflag:$0x5], $0x200, $0x38;
	[tilespmem:$0x1A200] =	vst v63  }
0x111: {  	s2 =	sadd.s32 s17, s2;
	s20 =	sadd.s32 $0x280, s13;
	s21 =	simm.s32 $0xD600  }
0x112: {  	[hbm4b:s20+s5] =	stream.linear.scatter [tilespmem:s21], [sflag:$0x5], $0x200, $0x38;
	[tilespmem:$0x1A200] =	vst v63  }
0x113: {  	s2 =	sshll.u32 s2, $0x7;
	s22 =	sadd.s32 $0x300, s13;
	s23 =	simm.s32 $0xDA00  }
0x114: {  	[hbm4b:s22+s5] =	stream.linear.scatter [tilespmem:s23], [sflag:$0x5], $0x200, $0x38;
	[tilespmem:$0x1A200] =	vst v63  }
0x115: {  	s13 =	sadd.s32 $0x380, s13;
	s24 =	simm.s32 $0xDE00;
	s20 =	sand.u32 $0x1FFFF800, s2  }
0x116: {  	[hbm4b:s13+s5] =	stream.linear.scatter [tilespmem:s24], [sflag:$0x5], $0x200, $0x38;
	[tilespmem:$0x1A200] =	vst v63  }
0x117: {  	s14 =	simm.s32 $0xC400;
	s2 =	sadd.s32 s4, s20  }
0x118: {  	[hbm4b:s2+s5] =	stream.linear.scatter [tilespmem:s14], [sflag:$0x5], $0x200, $0x38;
	[tilespmem:$0x1A200] =	vst v63  }
0x119: {  	s21 =	sadd.s32 $0x80, s2;
	s22 =	simm.s32 $0xC800  }
0x11a: {  	[hbm4b:s21+s5] =	stream.linear.scatter [tilespmem:s22], [sflag:$0x5], $0x200, $0x38;
	[tilespmem:$0x1A200] =	vst v63  }
0x11b: {  	s23 =	sadd.s32 $0x100, s2;
	s24 =	simm.s32 $0xCC00  }
0x11c: {  	[hbm4b:s23+s5] =	stream.linear.scatter [tilespmem:s24], [sflag:$0x5], $0x200, $0x38;
	[tilespmem:$0x1A200] =	vst v63  }
0x11d: {  	s21 =	sadd.s32 $0x180, s2;
	s22 =	simm.s32 $0xD000  }
0x11e: {  	[hbm4b:s21+s5] =	stream.linear.scatter [tilespmem:s22], [sflag:$0x5], $0x200, $0x38;
	[tilespmem:$0x1A200] =	vst v63  }
0x11f: {  	s23 =	sadd.s32 $0x200, s2;
	s24 =	simm.s32 $0xD400  }
0x120: {  	[hbm4b:s23+s5] =	stream.linear.scatter [tilespmem:s24], [sflag:$0x5], $0x200, $0x38;
	[tilespmem:$0x1A200] =	vst v63  }
0x121: {  	s21 =	sadd.s32 $0x280, s2;
	s22 =	simm.s32 $0xD800  }
0x122: {  	[hbm4b:s21+s5] =	stream.linear.scatter [tilespmem:s22], [sflag:$0x5], $0x200, $0x38;
	[tilespmem:$0x1A200] =	vst v63  }
0x123: {  	s23 =	sadd.s32 $0x300, s2;
	s24 =	simm.s32 $0xDC00  }
0x124: {  	[hbm4b:s23+s5] =	stream.linear.scatter [tilespmem:s24], [sflag:$0x5], $0x200, $0x38;
	[tilespmem:$0x1A200] =	vst v63  }
0x125: {  	s2 =	sadd.s32 $0x380, s2;
	s21 =	simm.s32 $0xE000  }
0x126: {  	[hbm4b:s2+s5] =	stream.linear.scatter [tilespmem:s21], [sflag:$0x5], $0x200, $0x38;
	[tilespmem:$0x1A200] =	vst v63  }
0x127: {  	s2 =	sor.u32 $0x2, s3  }
0x128: {  	s22 =	sshll.u32 s2, $0x4  }
0x129: {  	s13 =	sand.u32 $0x3FFFFFF0, s22  }
0x12a: {  	v3 =	vld [tilespmem:s13+$0x0];
	_ =	sdelay $0x4  }
0x12b: {  	v4 =	vshll.u32 v3, $0x3  }
0x12c: {  	v3 =	vand.u32 $0x7, v3;
	v4 =	vand.u32 $0xFFFFFFC0, v4  }
0x12d: {  	v3 =	vor.u32 v3, v4  }
0x12e: {  	v4 =	vperm.xlane v3, v0;
	_ =	sdelay $0x1  }
0x12f: {  	v4 =	vadd.s32 v1, v4;
	_ =	sdelay $0x3  }
0x130: {  	s21 =	simm.s32 $0x200  }
0x131: {  	[tilespmem:s21], [sflag:$0x1] =	stream.indirect_vreg.gather [hbm4b:s1+s5], $0x80, v4, vm0, $0xb8;
	[tilespmem:$0x1A200] =	vst v63  }
0x132: {  	s23 =	simm.s32 $0xA00;
	v3 =	vperm.xlane v3, v2  }
0x133: {  	[tilespmem:s23], [sflag:$0x1] =	stream.indirect_vreg.gather [hbm4b:s8+s5], $0x80, v4, vm0, $0xb8;
	[tilespmem:$0x1A200] =	vst v63  }
0x134: {  	s24 =	simm.s32 $0x1200;
	v3 =	vadd.s32 v1, v3  }
0x135: {  	[tilespmem:s24], [sflag:$0x1] =	stream.indirect_vreg.gather [hbm4b:s9+s5], $0x80, v4, vm0, $0xb8;
	[tilespmem:$0x1A200] =	vst v63  }
0x136: {  	s14 =	simm.s32 $0x1A00  }
0x137: {  	[tilespmem:s14], [sflag:$0x1] =	stream.indirect_vreg.gather [hbm4b:s12+s5], $0x80, v4, vm0, $0xb8;
	[tilespmem:$0x1A200] =	vst v63  }
0x138: {  	s22 =	simm.s32 $0x2200  }
0x139: {  	[tilespmem:s22], [sflag:$0x1] =	stream.indirect_vreg.gather [hbm4b:s1+s5], $0x80, v3, vm0, $0xb8;
	[tilespmem:$0x1A200] =	vst v63  }
0x13a: {  	s2 =	sshll.u32 s2, $0x2;
	s23 =	simm.s32 $0x2A00  }
0x13b: {  	[tilespmem:s23], [sflag:$0x1] =	stream.indirect_vreg.gather [hbm4b:s8+s5], $0x80, v3, vm0, $0xb8;
	[tilespmem:$0x1A200] =	vst v63  }
0x13c: {  	s24 =	simm.s32 $0x3200;
	s22 =	sadd.s32 s6, s2  }
0x13d: {  	[tilespmem:s24], [sflag:$0x1] =	stream.indirect_vreg.gather [hbm4b:s9+s5], $0x80, v3, vm0, $0xb8;
	[tilespmem:$0x1A200] =	vst v63  }
0x13e: {  	s14 =	simm.s32 $0x3A00;
	s13 =	sshll.u32 s22, $0x7  }
0x13f: {  	[tilespmem:s14], [sflag:$0x1] =	stream.indirect_vreg.gather [hbm4b:s12+s5], $0x80, v3, vm0, $0xb8;
	[tilespmem:$0x1A200] =	vst v63  }
0x140: {  	s14 =	sand.u32 $0x1FFFFC00, s13  }
0x141: {  	s22 =	simm.s32 $0x400;
	s23 =	simm.s32 $0x8200;
	s13 =	sadd.s32 s30, s14  }
0x142: {  	[tilespmem:s23], [sflag:$0x3] =	stream.strided.gather [hbm4b:s13+s21], $0x1000, s22, s21, $0x38;
	[tilespmem:$0x1A200] =	vst v63  }
0x143: {  	s13 =	simm.s32 @!p0 $0x8  }
0x144: {  	_ =	swait.ge @!p0 [sflag:s13], $0x1000  }
0x145: {  	[sflag:s13] =	ssyncset.done @!p0 $0x0  }
0x146: {  	[sflag:s13] =	ssyncadd.s32 @!p0 $0xFFFFF000  }
0x147: {  	_ =	swait.ge @!p0 [sflag:s13], $0x1000  }
0x148: {  	[sflag:s13] =	ssyncset.done @!p0 $0x0  }
0x149: {  	[sflag:s13] =	ssyncadd.s32 @!p0 $0xFFFFF000  }
0x14a: {  	_ =	swait.ge @!p0 [sflag:s13], $0x1000  }
0x14b: {  	[sflag:s13] =	ssyncset.done @!p0 $0x0  }
0x14c: {  	[sflag:s13] =	ssyncadd.s32 @!p0 $0xFFFFF000  }
0x14d: {  	_ =	swait.ge @!p0 [sflag:s13], $0x1000  }
0x14e: {  	[sflag:s13] =	ssyncset.done @!p0 $0x0  }
0x14f: {  	[sflag:s13] =	ssyncadd.s32 @!p0 $0xFFFFF000  }
0x150: {  	_ =	swait.ge [sflag:s28], $0x4000  }
0x151: {  	[sflag:s28] =	ssyncset.done $0x0  }
0x152: {  	s6 =	smov.u32 s30;
	s30 =	simm.s32 $0x0;
	[sflag:s28] =	ssyncadd.s32 $0xFFFFC000  }
0x153: {  	s22 =	simm.s32 $0x0;
	s23 =	simm.s32 $0x0;
	_ =	swait.ge [sflag:s29], $0x1000  }
0x154: {  	s24 =	sand.u32 $0x70, s22;
	s13 =	sand.u32 $0x3FFFFE00, s23;
	[sflag:s29] =	ssyncset.done $0x0  }
0x155: {  	s23 =	sand.u32 $0xFFFFFC00, s30;
	s21 =	sor.u32 s24, s13;
	[sflag:s29] =	ssyncadd.s32 $0xFFFFF000  }
0x156: {  	s24 =	sor.u32 s24, s23;
	v3 =	vld [tilespmem:s21+$0x9200]  }
0x157: {  	v4 =	vld [tilespmem:s24+$0x6400]  }
0x158: {  	v5 =	vld [tilespmem:s24+$0x6200]  }
0x159: {  	v6 =	vld [tilespmem:s24+$0x4200]  }
0x15a: {  	v7 =	vld [tilespmem:s24+$0x4400];
	_ =	sdelay $0x1  }
0x15b: {  	v4 =	vmul.f32 $3.200000000e+01, v4  }
0x15c: {  	v5 =	vmul.f32 $3.200000000e+01, v5  }
0x15d: {  	v6 =	vmul.f32 $3.200000000e+01, v6;
	v4 =	vadd.f32 v4, v3  }
0x15e: {  	v7 =	vmul.f32 $3.200000000e+01, v7;
	v5 =	vadd.f32 v5, v3  }
0x15f: {  	v6 =	vadd.f32 v6, v3;
	[tilespmem:s24+$0x10400] =	vst v4  }
0x160: {  	v60 =	vld [tilespmem:s24+$0x4480];
	v3 =	vadd.f32 v7, v3;
	[tilespmem:s24+$0x10200] =	vst v5  }
0x161: {  	v4 =	vld [tilespmem:s24+$0x6480];
	[tilespmem:s24+$0xE200] =	vst v6  }
0x162: {  	v5 =	vld [tilespmem:s24+$0x4280];
	[tilespmem:s24+$0xE400] =	vst v3  }
0x163: {  	v3 =	vld [tilespmem:s21+$0x9280]  }
0x164: {  	v61 =	vld [tilespmem:s24+$0x6280];
	_ =	sdelay $0x1  }
0x165: {  	v6 =	vmul.f32 $3.200000000e+01, v60  }
0x166: {  	v5 =	vmul.f32 $3.200000000e+01, v5  }
0x167: {  	v4 =	vmul.f32 $3.200000000e+01, v4;
	v6 =	vadd.f32 v6, v3  }
0x168: {  	v7 =	vmul.f32 $3.200000000e+01, v61;
	v5 =	vadd.f32 v5, v3  }
0x169: {  	v4 =	vadd.f32 v4, v3;
	[tilespmem:s24+$0xE480] =	vst v6  }
0x16a: {  	v62 =	vld [tilespmem:s24+$0x4500];
	v3 =	vadd.f32 v7, v3;
	[tilespmem:s24+$0xE280] =	vst v5  }
0x16b: {  	v5 =	vld [tilespmem:s24+$0x6500];
	[tilespmem:s24+$0x10480] =	vst v4  }
0x16c: {  	v4 =	vld [tilespmem:s24+$0x4300];
	[tilespmem:s24+$0x10280] =	vst v3  }
0x16d: {  	v3 =	vld [tilespmem:s21+$0x9300]  }
0x16e: {  	v63 =	vld [tilespmem:s24+$0x6300];
	_ =	sdelay $0x1  }
0x16f: {  	v6 =	vmul.f32 $3.200000000e+01, v62  }
0x170: {  	v4 =	vmul.f32 $3.200000000e+01, v4  }
0x171: {  	v5 =	vmul.f32 $3.200000000e+01, v5;
	v6 =	vadd.f32 v6, v3  }
0x172: {  	v7 =	vmul.f32 $3.200000000e+01, v63;
	v4 =	vadd.f32 v4, v3  }
0x173: {  	v5 =	vadd.f32 v5, v3;
	[tilespmem:s24+$0xE500] =	vst v6  }
0x174: {  	v3 =	vadd.f32 v7, v3;
	[tilespmem:s24+$0xE300] =	vst v4  }
0x175: {  	[tilespmem:s24+$0x10500] =	vst v5;
	v4 =	vld [tilespmem:s24+$0x4380]  }
0x176: {  	[tilespmem:s24+$0x10300] =	vst v3  }
0x177: {  	v3 =	vld [tilespmem:s21+$0x9380];
	_ =	sdelay $0x2  }
0x178: {  	v4 =	vmul.f32 $3.200000000e+01, v4;
	_ =	sdelay $0x1  }
0x179: {  	v4 =	vadd.f32 v4, v3  }
0x17a: {  	s30 =	sadd.s32 $0x0, s23  }
0x17b: {  	s23 =	sor.u32 $0x380, s30;
	[tilespmem:s24+$0xE380] =	vst v4  }
0x17c: {  	v4 =	vld [tilespmem:s23+$0x4200];
	_ =	sdelay $0x4  }
0x17d: {  	v4 =	vmul.f32 $3.200000000e+01, v4;
	_ =	sdelay $0x1  }
0x17e: {  	v4 =	vadd.f32 v4, v3;
	_ =	sdelay $0x1  }
0x17f: {  	[tilespmem:s23+$0xE200] =	vst v4  }
0x180: {  	v4 =	vld [tilespmem:s24+$0x6380];
	_ =	sdelay $0x4  }
0x181: {  	v4 =	vmul.f32 $3.200000000e+01, v4;
	_ =	sdelay $0x1  }
0x182: {  	v4 =	vadd.f32 v4, v3;
	_ =	sdelay $0x1  }
0x183: {  	s23 =	simm.s32 $0x1;
	[tilespmem:s24+$0x10380] =	vst v4;
	s24 =	sor.u32 $0x2380, s30  }
.LBB2_5:
0x184: {  	p0 =	sne.s32 s23, $0x3F  }
0x185: {  	v4 =	vld [tilespmem:s24+$0x4200];
	s22 =	sadd.s32 $0x10, s22;
	s13 =	smov.u32 s23;
	s23 =	sadd.s32 $0x1, s23  }
0x186: {  	_ =	sdelay $0x3  }
0x187: {  	v4 =	vmul.f32 $3.200000000e+01, v4;
	_ =	sdelay $0x1  }
0x188: {  	s30 =	sshll.u32 s13, $0x6;
	v3 =	vadd.f32 v4, v3  }
0x189: {  	s13 =	sshll.u32 s13, $0x7;
	s21 =	sand.u32 $0x70, s22;
	s30 =	sand.u32 $0x3FFFFE00, s30  }
0x18a: {  	s13 =	sand.u32 $0xFFFFFC00, s13;
	s30 =	sor.u32 s21, s30;
	[tilespmem:s24+$0xE200] =	vst v3  }
0x18b: {  	s24 =	sadd.s32 s13, s22;
	s13 =	sor.u32 s21, s13;
	v3 =	vld [tilespmem:s30+$0x9200]  }
0x18c: {  	v4 =	vld [tilespmem:s13+$0x6400]  }
0x18d: {  	v5 =	vld [tilespmem:s13+$0x6200]  }
0x18e: {  	v6 =	vld [tilespmem:s13+$0x4200]  }
0x18f: {  	v7 =	vld [tilespmem:s13+$0x4400];
	_ =	sdelay $0x1  }
0x190: {  	v4 =	vmul.f32 $3.200000000e+01, v4  }
0x191: {  	v5 =	vmul.f32 $3.200000000e+01, v5  }
0x192: {  	v6 =	vmul.f32 $3.200000000e+01, v6;
	v4 =	vadd.f32 v4, v3  }
0x193: {  	v7 =	vmul.f32 $3.200000000e+01, v7;
	v5 =	vadd.f32 v5, v3  }
0x194: {  	v6 =	vadd.f32 v6, v3;
	[tilespmem:s13+$0x10400] =	vst v4;
	v4 =	vld [tilespmem:s13+$0x6480]  }
0x195: {  	v3 =	vadd.f32 v7, v3;
	[tilespmem:s13+$0x10200] =	vst v5;
	v5 =	vld [tilespmem:s13+$0x4480]  }
0x196: {  	[tilespmem:s13+$0xE200] =	vst v6;
	v6 =	vld [tilespmem:s13+$0x4280]  }
0x197: {  	[tilespmem:s13+$0xE400] =	vst v3;
	v3 =	vld [tilespmem:s13+$0x6280]  }
0x198: {  	v7 =	vld [tilespmem:s30+$0x9280];
	_ =	sdelay $0x2  }
0x199: {  	v5 =	vmul.f32 $3.200000000e+01, v5;
	v6 =	vmul.f32 $3.200000000e+01, v6  }
0x19a: {  	v4 =	vmul.f32 $3.200000000e+01, v4;
	v3 =	vmul.f32 $3.200000000e+01, v3  }
0x19b: {  	v6 =	vadd.f32 v6, v7;
	v5 =	vadd.f32 v5, v7  }
0x19c: {  	v4 =	vadd.f32 v4, v7;
	v3 =	vadd.f32 v3, v7  }
0x19d: {  	[tilespmem:s13+$0xE280] =	vst v6;
	v6 =	vld [tilespmem:s13+$0x6500]  }
0x19e: {  	[tilespmem:s13+$0x10480] =	vst v4;
	v4 =	vld [tilespmem:s13+$0x4500]  }
0x19f: {  	[tilespmem:s13+$0xE480] =	vst v5;
	v5 =	vld [tilespmem:s13+$0x4300]  }
0x1a0: {  	[tilespmem:s13+$0x10280] =	vst v3;
	v3 =	vld [tilespmem:s13+$0x6300]  }
0x1a1: {  	v7 =	vld [tilespmem:s30+$0x9300];
	_ =	sdelay $0x2  }
0x1a2: {  	v4 =	vmul.f32 $3.200000000e+01, v4;
	v5 =	vmul.f32 $3.200000000e+01, v5  }
0x1a3: {  	v6 =	vmul.f32 $3.200000000e+01, v6;
	v3 =	vmul.f32 $3.200000000e+01, v3  }
0x1a4: {  	v5 =	vadd.f32 v5, v7;
	v4 =	vadd.f32 v4, v7  }
0x1a5: {  	v6 =	vadd.f32 v6, v7;
	v3 =	vadd.f32 v3, v7  }
0x1a6: {  	[tilespmem:s13+$0xE300] =	vst v5  }
0x1a7: {  	[tilespmem:s13+$0x10500] =	vst v6;
	v5 =	vld [tilespmem:s13+$0x4380]  }
0x1a8: {  	[tilespmem:s13+$0xE500] =	vst v4  }
0x1a9: {  	[tilespmem:s13+$0x10300] =	vst v3  }
0x1aa: {  	v3 =	vld [tilespmem:s30+$0x9380];
	_ =	sdelay $0x1  }
0x1ab: {  	v4 =	vmul.f32 $3.200000000e+01, v5;
	_ =	sdelay $0x2  }
0x1ac: {  	v4 =	vadd.f32 v4, v3  }
0x1ad: {  	s21 =	sor.u32 $0x380, s24  }
0x1ae: {  	[tilespmem:s13+$0xE380] =	vst v4  }
0x1af: {  	v4 =	vld [tilespmem:s21+$0x4200];
	_ =	sdelay $0x4  }
0x1b0: {  	v4 =	vmul.f32 $3.200000000e+01, v4;
	_ =	sdelay $0x1  }
0x1b1: {  	v4 =	vadd.f32 v4, v3;
	_ =	sdelay $0x1  }
0x1b2: {  	[tilespmem:s21+$0xE200] =	vst v4  }
0x1b3: {  	v4 =	vld [tilespmem:s13+$0x6380];
	_ =	sdelay $0x4  }
.Ltmp3:
0x1b4: {  	v4 =	vmul.f32 $3.200000000e+01, v4;
	(pc) =	sbr.rel @p0 .LBB2_5-.Ltmp3, $4  }
0x1b5: {  	_ = 	snop  }
0x1b6: {  	v4 =	vadd.f32 v4, v3  }
0x1b7: {  	s24 =	sor.u32 $0x2380, s24  }
0x1b8: {  	[tilespmem:s13+$0x10380] =	vst v4  }
0x1b9: {  	v4 =	vld [tilespmem:s24+$0x4200];
	_ =	sdelay $0x4  }
0x1ba: {  	v4 =	vmul.f32 $3.200000000e+01, v4;
	_ =	sdelay $0x1  }
0x1bb: {  	v3 =	vadd.f32 v4, v3;
	_ =	sdelay $0x1  }
0x1bc: {  	s0 =	sadd.s32 s0, s18;
	s22 =	simm.s32 $0x0;
	s13 =	simm.s32 $0xE200;
	[tilespmem:s24+$0xE200] =	vst v3  }
0x1bd: {  	[hbm4b:s0+s22] =	stream.linear.scatter [tilespmem:s13], [sflag:$0x6], $0x200, $0x38;
	[tilespmem:$0x1A200] =	vst v63  }
0x1be: {  	s21 =	simm.s32 $0xE600;
	s24 =	sadd.s32 $0x80, s0  }
0x1bf: {  	[hbm4b:s24+s22] =	stream.linear.scatter [tilespmem:s21], [sflag:$0x6], $0x200, $0x38;
	[tilespmem:$0x1A200] =	vst v63  }
0x1c0: {  	s23 =	sadd.s32 $0x100, s0;
	s24 =	simm.s32 $0xEA00  }
0x1c1: {  	[hbm4b:s23+s22] =	stream.linear.scatter [tilespmem:s24], [sflag:$0x6], $0x200, $0x38;
	[tilespmem:$0x1A200] =	vst v63  }
0x1c2: {  	s23 =	sadd.s32 $0x180, s0;
	s24 =	simm.s32 $0xEE00  }
0x1c3: {  	[hbm4b:s23+s22] =	stream.linear.scatter [tilespmem:s24], [sflag:$0x6], $0x200, $0x38;
	[tilespmem:$0x1A200] =	vst v63  }
0x1c4: {  	s23 =	sadd.s32 $0x200, s0;
	s24 =	simm.s32 $0xF200  }
0x1c5: {  	[hbm4b:s23+s22] =	stream.linear.scatter [tilespmem:s24], [sflag:$0x6], $0x200, $0x38;
	[tilespmem:$0x1A200] =	vst v63  }
0x1c6: {  	s23 =	sadd.s32 $0x280, s0;
	s24 =	simm.s32 $0xF600  }
0x1c7: {  	[hbm4b:s23+s22] =	stream.linear.scatter [tilespmem:s24], [sflag:$0x6], $0x200, $0x38;
	[tilespmem:$0x1A200] =	vst v63  }
0x1c8: {  	s23 =	sadd.s32 $0x300, s0;
	s24 =	simm.s32 $0xFA00  }
0x1c9: {  	[hbm4b:s23+s22] =	stream.linear.scatter [tilespmem:s24], [sflag:$0x6], $0x200, $0x38;
	[tilespmem:$0x1A200] =	vst v63  }
0x1ca: {  	s0 =	sadd.s32 $0x380, s0;
	s23 =	simm.s32 $0xFE00  }
0x1cb: {  	[hbm4b:s0+s22] =	stream.linear.scatter [tilespmem:s23], [sflag:$0x6], $0x200, $0x38;
	[tilespmem:$0x1A200] =	vst v63  }
0x1cc: {  	s24 =	simm.s32 $0xE400;
	s0 =	sadd.s32 s7, s18  }
0x1cd: {  	[hbm4b:s0+s22] =	stream.linear.scatter [tilespmem:s24], [sflag:$0x6], $0x200, $0x38;
	[tilespmem:$0x1A200] =	vst v63  }
0x1ce: {  	s21 =	simm.s32 $0xE800;
	s13 =	sadd.s32 $0x80, s0  }
0x1cf: {  	[hbm4b:s13+s22] =	stream.linear.scatter [tilespmem:s21], [sflag:$0x6], $0x200, $0x38;
	[tilespmem:$0x1A200] =	vst v63  }
0x1d0: {  	s23 =	sadd.s32 $0x100, s0;
	s24 =	simm.s32 $0xEC00  }
0x1d1: {  	[hbm4b:s23+s22] =	stream.linear.scatter [tilespmem:s24], [sflag:$0x6], $0x200, $0x38;
	[tilespmem:$0x1A200] =	vst v63  }
0x1d2: {  	s13 =	sadd.s32 $0x180, s0;
	s21 =	simm.s32 $0xF000  }
0x1d3: {  	[hbm4b:s13+s22] =	stream.linear.scatter [tilespmem:s21], [sflag:$0x6], $0x200, $0x38;
	[tilespmem:$0x1A200] =	vst v63  }
0x1d4: {  	s23 =	sadd.s32 $0x200, s0;
	s24 =	simm.s32 $0xF400  }
0x1d5: {  	[hbm4b:s23+s22] =	stream.linear.scatter [tilespmem:s24], [sflag:$0x6], $0x200, $0x38;
	[tilespmem:$0x1A200] =	vst v63  }
0x1d6: {  	s13 =	sadd.s32 $0x280, s0;
	s21 =	simm.s32 $0xF800  }
0x1d7: {  	[hbm4b:s13+s22] =	stream.linear.scatter [tilespmem:s21], [sflag:$0x6], $0x200, $0x38;
	[tilespmem:$0x1A200] =	vst v63  }
0x1d8: {  	s23 =	sadd.s32 $0x300, s0;
	s24 =	simm.s32 $0xFC00  }
0x1d9: {  	[hbm4b:s23+s22] =	stream.linear.scatter [tilespmem:s24], [sflag:$0x6], $0x200, $0x38;
	[tilespmem:$0x1A200] =	vst v63  }
0x1da: {  	s0 =	sadd.s32 $0x380, s0;
	s13 =	simm.s32 $0x10000  }
0x1db: {  	[hbm4b:s0+s22] =	stream.linear.scatter [tilespmem:s13], [sflag:$0x6], $0x200, $0x38;
	[tilespmem:$0x1A200] =	vst v63  }
0x1dc: {  	s21 =	simm.s32 $0x10200;
	s0 =	sadd.s32 s19, s18  }
0x1dd: {  	[hbm4b:s0+s22] =	stream.linear.scatter [tilespmem:s21], [sflag:$0x6], $0x200, $0x38;
	[tilespmem:$0x1A200] =	vst v63  }
0x1de: {  	s24 =	simm.s32 $0x10600;
	s23 =	sadd.s32 $0x80, s0  }
0x1df: {  	[hbm4b:s23+s22] =	stream.linear.scatter [tilespmem:s24], [sflag:$0x6], $0x200, $0x38;
	[tilespmem:$0x1A200] =	vst v63  }
0x1e0: {  	s19 =	sadd.s32 $0x100, s0;
	s21 =	simm.s32 $0x10A00  }
0x1e1: {  	[hbm4b:s19+s22] =	stream.linear.scatter [tilespmem:s21], [sflag:$0x6], $0x200, $0x38;
	[tilespmem:$0x1A200] =	vst v63  }
0x1e2: {  	s23 =	sadd.s32 $0x180, s0;
	s24 =	simm.s32 $0x10E00  }
0x1e3: {  	[hbm4b:s23+s22] =	stream.linear.scatter [tilespmem:s24], [sflag:$0x6], $0x200, $0x38;
	[tilespmem:$0x1A200] =	vst v63  }
0x1e4: {  	s19 =	sadd.s32 $0x200, s0;
	s21 =	simm.s32 $0x11200  }
0x1e5: {  	[hbm4b:s19+s22] =	stream.linear.scatter [tilespmem:s21], [sflag:$0x6], $0x200, $0x38;
	[tilespmem:$0x1A200] =	vst v63  }
0x1e6: {  	s23 =	sadd.s32 $0x280, s0;
	s24 =	simm.s32 $0x11600  }
0x1e7: {  	[hbm4b:s23+s22] =	stream.linear.scatter [tilespmem:s24], [sflag:$0x6], $0x200, $0x38;
	[tilespmem:$0x1A200] =	vst v63  }
0x1e8: {  	s19 =	sadd.s32 $0x300, s0;
	s21 =	simm.s32 $0x11A00  }
0x1e9: {  	[hbm4b:s19+s22] =	stream.linear.scatter [tilespmem:s21], [sflag:$0x6], $0x200, $0x38;
	[tilespmem:$0x1A200] =	vst v63  }
0x1ea: {  	s0 =	sadd.s32 $0x380, s0;
	s23 =	simm.s32 $0x11E00  }
0x1eb: {  	[hbm4b:s0+s22] =	stream.linear.scatter [tilespmem:s23], [sflag:$0x6], $0x200, $0x38;
	[tilespmem:$0x1A200] =	vst v63  }
0x1ec: {  	s24 =	simm.s32 $0x10400;
	s0 =	sadd.s32 s20, s18  }
0x1ed: {  	[hbm4b:s0+s22] =	stream.linear.scatter [tilespmem:s24], [sflag:$0x6], $0x200, $0x38;
	[tilespmem:$0x1A200] =	vst v63  }
0x1ee: {  	s19 =	simm.s32 $0x10800;
	s13 =	sadd.s32 $0x80, s0  }
0x1ef: {  	[hbm4b:s13+s22] =	stream.linear.scatter [tilespmem:s19], [sflag:$0x6], $0x200, $0x38;
	[tilespmem:$0x1A200] =	vst v63  }
0x1f0: {  	s21 =	simm.s32 $0x10C00;
	s20 =	sadd.s32 $0x100, s0  }
0x1f1: {  	[hbm4b:s20+s22] =	stream.linear.scatter [tilespmem:s21], [sflag:$0x6], $0x200, $0x38;
	[tilespmem:$0x1A200] =	vst v63  }
0x1f2: {  	s23 =	sadd.s32 $0x180, s0;
	s24 =	simm.s32 $0x11000  }
0x1f3: {  	[hbm4b:s23+s22] =	stream.linear.scatter [tilespmem:s24], [sflag:$0x6], $0x200, $0x38;
	[tilespmem:$0x1A200] =	vst v63  }
0x1f4: {  	s13 =	sadd.s32 $0x200, s0;
	s19 =	simm.s32 $0x11400  }
0x1f5: {  	[hbm4b:s13+s22] =	stream.linear.scatter [tilespmem:s19], [sflag:$0x6], $0x200, $0x38;
	[tilespmem:$0x1A200] =	vst v63  }
0x1f6: {  	s20 =	sadd.s32 $0x280, s0;
	s21 =	simm.s32 $0x11800  }
0x1f7: {  	[hbm4b:s20+s22] =	stream.linear.scatter [tilespmem:s21], [sflag:$0x6], $0x200, $0x38;
	[tilespmem:$0x1A200] =	vst v63  }
0x1f8: {  	s23 =	sadd.s32 $0x300, s0;
	s24 =	simm.s32 $0x11C00  }
0x1f9: {  	[hbm4b:s23+s22] =	stream.linear.scatter [tilespmem:s24], [sflag:$0x6], $0x200, $0x38;
	[tilespmem:$0x1A200] =	vst v63  }
0x1fa: {  	s0 =	sadd.s32 $0x380, s0;
	s19 =	simm.s32 $0x12000  }
0x1fb: {  	[hbm4b:s0+s22] =	stream.linear.scatter [tilespmem:s19], [sflag:$0x6], $0x200, $0x38;
	[tilespmem:$0x1A200] =	vst v63  }
0x1fc: {  	s0 =	sor.u32 $0x3, s3  }
0x1fd: {  	s20 =	sshll.u32 s0, $0x4  }
0x1fe: {  	s7 =	sand.u32 $0x3FFFFFF0, s20  }
0x1ff: {  	v3 =	vld [tilespmem:s7+$0x0];
	_ =	sdelay $0x4  }
0x200: {  	v4 =	vshll.u32 v3, $0x3  }
0x201: {  	v3 =	vand.u32 $0x7, v3;
	v4 =	vand.u32 $0xFFFFFFC0, v4  }
0x202: {  	v3 =	vor.u32 v3, v4  }
0x203: {  	v4 =	vperm.xlane v3, v0;
	_ =	sdelay $0x1  }
0x204: {  	v4 =	vadd.s32 v1, v4;
	_ =	sdelay $0x3  }
0x205: {  	s21 =	simm.s32 $0x4200  }
0x206: {  	[tilespmem:s21], [sflag:$0x2] =	stream.indirect_vreg.gather [hbm4b:s1+s22], $0x80, v4, vm0, $0xb8;
	[tilespmem:$0x1A200] =	vst v63  }
0x207: {  	s23 =	simm.s32 $0x4A00;
	v3 =	vperm.xlane v3, v2  }
0x208: {  	[tilespmem:s23], [sflag:$0x2] =	stream.indirect_vreg.gather [hbm4b:s8+s22], $0x80, v4, vm0, $0xb8;
	[tilespmem:$0x1A200] =	vst v63  }
0x209: {  	s24 =	simm.s32 $0x5200;
	v3 =	vadd.s32 v1, v3  }
0x20a: {  	[tilespmem:s24], [sflag:$0x2] =	stream.indirect_vreg.gather [hbm4b:s9+s22], $0x80, v4, vm0, $0xb8;
	[tilespmem:$0x1A200] =	vst v63  }
0x20b: {  	s13 =	simm.s32 $0x5A00;
	s0 =	sshll.u32 s0, $0x2;
	s24 =	rddreg [dreg:$0x5]  }
0x20c: {  	[tilespmem:s13], [sflag:$0x2] =	stream.indirect_vreg.gather [hbm4b:s12+s22], $0x80, v4, vm0, $0xb8;
	[tilespmem:$0x1A200] =	vst v63  }
0x20d: {  	s19 =	simm.s32 $0x6200;
	s7 =	sadd.s32 s24, s0  }
0x20e: {  	[tilespmem:s19], [sflag:$0x2] =	stream.indirect_vreg.gather [hbm4b:s1+s22], $0x80, v3, vm0, $0xb8;
	[tilespmem:$0x1A200] =	vst v63  }
0x20f: {  	s20 =	simm.s32 $0x6A00;
	s7 =	sshll.u32 s7, $0x7  }
0x210: {  	[tilespmem:s20], [sflag:$0x2] =	stream.indirect_vreg.gather [hbm4b:s8+s22], $0x80, v3, vm0, $0xb8;
	[tilespmem:$0x1A200] =	vst v63  }
0x211: {  	s30 =	smov.u32 s6;
	s21 =	simm.s32 $0x7200;
	s7 =	sand.u32 $0x1FFFFC00, s7  }
0x212: {  	[tilespmem:s21], [sflag:$0x2] =	stream.indirect_vreg.gather [hbm4b:s9+s22], $0x80, v3, vm0, $0xb8;
	[tilespmem:$0x1A200] =	vst v63  }
0x213: {  	s23 =	simm.s32 $0x7A00;
	s7 =	sor.u32 $0x40, s7;
	s19 =	simm.s32 $0x200  }
0x214: {  	[tilespmem:s23], [sflag:$0x2] =	stream.indirect_vreg.gather [hbm4b:s12+s22], $0x80, v3, vm0, $0xb8;
	[tilespmem:$0x1A200] =	vst v63  }
0x215: {  	s6 =	sadd.s32 s6, s7;
	s20 =	simm.s32 $0x400;
	s21 =	simm.s32 $0x9200  }
0x216: {  	[tilespmem:s21], [sflag:$0x4] =	stream.strided.gather [hbm4b:s6+s19], $0x1000, s20, s19, $0x38;
	[tilespmem:$0x1A200] =	vst v63  }
0x217: {  	_ =	swait.ge [sflag:s31], $0x1000  }
0x218: {  	[sflag:s31] =	ssyncset.done $0x0  }
0x219: {  	[sflag:s31] =	ssyncadd.s32 $0xFFFFF000  }
0x21a: {  	_ =	swait.ge [sflag:s31], $0x1000  }
0x21b: {  	[sflag:s31] =	ssyncset.done $0x0  }
0x21c: {  	[sflag:s31] =	ssyncadd.s32 $0xFFFFF000  }
0x21d: {  	_ =	swait.ge [sflag:s31], $0x1000  }
0x21e: {  	[sflag:s31] =	ssyncset.done $0x0  }
0x21f: {  	[sflag:s31] =	ssyncadd.s32 $0xFFFFF000  }
0x220: {  	_ =	swait.ge [sflag:s31], $0x1000  }
0x221: {  	[sflag:s31] =	ssyncset.done $0x0  }
0x222: {  	[sflag:s31] =	ssyncadd.s32 $0xFFFFF000  }
0x223: {  	_ =	swait.ge [sflag:s25], $0x4000  }
0x224: {  	[sflag:s25] =	ssyncset.done $0x0  }
0x225: {  	[sflag:s25] =	ssyncadd.s32 $0xFFFFC000  }
0x226: {  	s24 =	simm.s32 $0x0;
	s23 =	simm.s32 $0x0;
	_ =	swait.ge [sflag:s26], $0x1000  }
0x227: {  	s13 =	sand.u32 $0x3FFFFE00, s23;
	s6 =	sand.u32 $0x70, s22;
	[sflag:s26] =	ssyncset.done $0x0  }
0x228: {  	s19 =	sand.u32 $0xFFFFFC00, s24;
	s13 =	sor.u32 s6, s13;
	[sflag:s26] =	ssyncadd.s32 $0xFFFFF000  }
0x229: {  	s23 =	sor.u32 s6, s19;
	v3 =	vld [tilespmem:s13+$0x8200]  }
0x22a: {  	v4 =	vld [tilespmem:s23+$0x2400]  }
0x22b: {  	v5 =	vld [tilespmem:s23+$0x2200]  }
0x22c: {  	v6 =	vld [tilespmem:s23+$0x200]  }
0x22d: {  	v7 =	vld [tilespmem:s23+$0x400];
	_ =	sdelay $0x1  }
0x22e: {  	v4 =	vmul.f32 $3.200000000e+01, v4  }
0x22f: {  	v5 =	vmul.f32 $3.200000000e+01, v5  }
0x230: {  	v6 =	vmul.f32 $3.200000000e+01, v6;
	v4 =	vadd.f32 v4, v3  }
0x231: {  	v7 =	vmul.f32 $3.200000000e+01, v7;
	v5 =	vadd.f32 v5, v3  }
0x232: {  	v6 =	vadd.f32 v6, v3;
	[tilespmem:s23+$0x14400] =	vst v4  }
0x233: {  	v60 =	vld [tilespmem:s23+$0x480];
	v3 =	vadd.f32 v7, v3;
	[tilespmem:s23+$0x14200] =	vst v5  }
0x234: {  	v4 =	vld [tilespmem:s23+$0x2480];
	[tilespmem:s23+$0x12200] =	vst v6  }
0x235: {  	v5 =	vld [tilespmem:s23+$0x280];
	[tilespmem:s23+$0x12400] =	vst v3  }
0x236: {  	v3 =	vld [tilespmem:s13+$0x8280]  }
0x237: {  	v61 =	vld [tilespmem:s23+$0x2280];
	_ =	sdelay $0x1  }
0x238: {  	v6 =	vmul.f32 $3.200000000e+01, v60  }
0x239: {  	v5 =	vmul.f32 $3.200000000e+01, v5  }
0x23a: {  	v4 =	vmul.f32 $3.200000000e+01, v4;
	v6 =	vadd.f32 v6, v3  }
0x23b: {  	v7 =	vmul.f32 $3.200000000e+01, v61;
	v5 =	vadd.f32 v5, v3  }
0x23c: {  	v4 =	vadd.f32 v4, v3;
	[tilespmem:s23+$0x12480] =	vst v6  }
0x23d: {  	v62 =	vld [tilespmem:s23+$0x500];
	v3 =	vadd.f32 v7, v3;
	[tilespmem:s23+$0x12280] =	vst v5  }
0x23e: {  	v5 =	vld [tilespmem:s23+$0x2500];
	[tilespmem:s23+$0x14480] =	vst v4  }
0x23f: {  	v4 =	vld [tilespmem:s23+$0x300];
	[tilespmem:s23+$0x14280] =	vst v3  }
0x240: {  	v3 =	vld [tilespmem:s13+$0x8300]  }
0x241: {  	v63 =	vld [tilespmem:s23+$0x2300];
	_ =	sdelay $0x1  }
0x242: {  	v6 =	vmul.f32 $3.200000000e+01, v62  }
0x243: {  	v4 =	vmul.f32 $3.200000000e+01, v4  }
0x244: {  	v5 =	vmul.f32 $3.200000000e+01, v5;
	v6 =	vadd.f32 v6, v3  }
0x245: {  	v7 =	vmul.f32 $3.200000000e+01, v63;
	v4 =	vadd.f32 v4, v3  }
0x246: {  	v5 =	vadd.f32 v5, v3;
	[tilespmem:s23+$0x12500] =	vst v6  }
0x247: {  	v3 =	vadd.f32 v7, v3;
	[tilespmem:s23+$0x12300] =	vst v4  }
0x248: {  	[tilespmem:s23+$0x14500] =	vst v5;
	v4 =	vld [tilespmem:s23+$0x380]  }
0x249: {  	[tilespmem:s23+$0x14300] =	vst v3  }
0x24a: {  	v3 =	vld [tilespmem:s13+$0x8380];
	_ =	sdelay $0x2  }
0x24b: {  	v4 =	vmul.f32 $3.200000000e+01, v4;
	_ =	sdelay $0x1  }
0x24c: {  	v4 =	vadd.f32 v4, v3  }
0x24d: {  	s24 =	sadd.s32 $0x0, s19  }
0x24e: {  	s19 =	sor.u32 $0x380, s24;
	[tilespmem:s23+$0x12380] =	vst v4  }
0x24f: {  	v4 =	vld [tilespmem:s19+$0x200];
	_ =	sdelay $0x4  }
0x250: {  	v4 =	vmul.f32 $3.200000000e+01, v4;
	_ =	sdelay $0x1  }
0x251: {  	v4 =	vadd.f32 v4, v3;
	_ =	sdelay $0x1  }
0x252: {  	[tilespmem:s19+$0x12200] =	vst v4  }
0x253: {  	v4 =	vld [tilespmem:s23+$0x2380];
	_ =	sdelay $0x4  }
0x254: {  	v4 =	vmul.f32 $3.200000000e+01, v4;
	_ =	sdelay $0x1  }
0x255: {  	v4 =	vadd.f32 v4, v3;
	_ =	sdelay $0x1  }
0x256: {  	s13 =	sor.u32 $0x2380, s24;
	s19 =	simm.s32 $0x1;
	[tilespmem:s23+$0x14380] =	vst v4  }
.LBB2_7:
0x257: {  	p0 =	sne.s32 s19, $0x3F  }
0x258: {  	v4 =	vld [tilespmem:s13+$0x200];
	s22 =	sadd.s32 $0x10, s22;
	s20 =	smov.u32 s19;
	s19 =	sadd.s32 $0x1, s19  }
0x259: {  	_ =	sdelay $0x3  }
0x25a: {  	v4 =	vmul.f32 $3.200000000e+01, v4;
	_ =	sdelay $0x1  }
0x25b: {  	s21 =	sshll.u32 s20, $0x6;
	v3 =	vadd.f32 v4, v3  }
0x25c: {  	s20 =	sshll.u32 s20, $0x7;
	s24 =	sand.u32 $0x70, s22;
	s21 =	sand.u32 $0x3FFFFE00, s21  }
0x25d: {  	s20 =	sand.u32 $0xFFFFFC00, s20;
	s23 =	sor.u32 s24, s21;
	[tilespmem:s13+$0x12200] =	vst v3  }
0x25e: {  	s13 =	sadd.s32 s20, s22;
	s20 =	sor.u32 s24, s20;
	v3 =	vld [tilespmem:s23+$0x8200]  }
0x25f: {  	v4 =	vld [tilespmem:s20+$0x2400]  }
0x260: {  	v5 =	vld [tilespmem:s20+$0x2200]  }
0x261: {  	v6 =	vld [tilespmem:s20+$0x200]  }
0x262: {  	v7 =	vld [tilespmem:s20+$0x400];
	_ =	sdelay $0x1  }
0x263: {  	v4 =	vmul.f32 $3.200000000e+01, v4  }
0x264: {  	v5 =	vmul.f32 $3.200000000e+01, v5  }
0x265: {  	v6 =	vmul.f32 $3.200000000e+01, v6;
	v4 =	vadd.f32 v4, v3  }
0x266: {  	v7 =	vmul.f32 $3.200000000e+01, v7;
	v5 =	vadd.f32 v5, v3  }
0x267: {  	v6 =	vadd.f32 v6, v3;
	[tilespmem:s20+$0x14400] =	vst v4;
	v4 =	vld [tilespmem:s20+$0x2480]  }
0x268: {  	v3 =	vadd.f32 v7, v3;
	[tilespmem:s20+$0x14200] =	vst v5;
	v5 =	vld [tilespmem:s20+$0x480]  }
0x269: {  	[tilespmem:s20+$0x12200] =	vst v6;
	v6 =	vld [tilespmem:s20+$0x280]  }
0x26a: {  	[tilespmem:s20+$0x12400] =	vst v3;
	v3 =	vld [tilespmem:s20+$0x2280]  }
0x26b: {  	v7 =	vld [tilespmem:s23+$0x8280];
	_ =	sdelay $0x2  }
0x26c: {  	v5 =	vmul.f32 $3.200000000e+01, v5;
	v6 =	vmul.f32 $3.200000000e+01, v6  }
0x26d: {  	v4 =	vmul.f32 $3.200000000e+01, v4;
	v3 =	vmul.f32 $3.200000000e+01, v3  }
0x26e: {  	v6 =	vadd.f32 v6, v7;
	v5 =	vadd.f32 v5, v7  }
0x26f: {  	v4 =	vadd.f32 v4, v7;
	v3 =	vadd.f32 v3, v7  }
0x270: {  	[tilespmem:s20+$0x12280] =	vst v6;
	v6 =	vld [tilespmem:s20+$0x2500]  }
0x271: {  	[tilespmem:s20+$0x14480] =	vst v4;
	v4 =	vld [tilespmem:s20+$0x500]  }
0x272: {  	[tilespmem:s20+$0x12480] =	vst v5;
	v5 =	vld [tilespmem:s20+$0x300]  }
0x273: {  	[tilespmem:s20+$0x14280] =	vst v3;
	v3 =	vld [tilespmem:s20+$0x2300]  }
0x274: {  	v7 =	vld [tilespmem:s23+$0x8300];
	_ =	sdelay $0x2  }
0x275: {  	v4 =	vmul.f32 $3.200000000e+01, v4;
	v5 =	vmul.f32 $3.200000000e+01, v5  }
0x276: {  	v6 =	vmul.f32 $3.200000000e+01, v6;
	v3 =	vmul.f32 $3.200000000e+01, v3  }
0x277: {  	v5 =	vadd.f32 v5, v7;
	v4 =	vadd.f32 v4, v7  }
0x278: {  	v6 =	vadd.f32 v6, v7;
	v3 =	vadd.f32 v3, v7  }
0x279: {  	[tilespmem:s20+$0x12300] =	vst v5  }
0x27a: {  	[tilespmem:s20+$0x14500] =	vst v6;
	v5 =	vld [tilespmem:s20+$0x380]  }
0x27b: {  	[tilespmem:s20+$0x12500] =	vst v4  }
0x27c: {  	[tilespmem:s20+$0x14300] =	vst v3  }
0x27d: {  	v3 =	vld [tilespmem:s23+$0x8380];
	_ =	sdelay $0x1  }
0x27e: {  	v4 =	vmul.f32 $3.200000000e+01, v5;
	_ =	sdelay $0x2  }
0x27f: {  	v4 =	vadd.f32 v4, v3  }
0x280: {  	s21 =	sor.u32 $0x380, s13  }
0x281: {  	[tilespmem:s20+$0x12380] =	vst v4  }
0x282: {  	v4 =	vld [tilespmem:s21+$0x200];
	_ =	sdelay $0x4  }
0x283: {  	v4 =	vmul.f32 $3.200000000e+01, v4;
	_ =	sdelay $0x1  }
0x284: {  	v4 =	vadd.f32 v4, v3;
	_ =	sdelay $0x1  }
0x285: {  	[tilespmem:s21+$0x12200] =	vst v4  }
0x286: {  	v4 =	vld [tilespmem:s20+$0x2380];
	_ =	sdelay $0x4  }
.Ltmp4:
0x287: {  	v4 =	vmul.f32 $3.200000000e+01, v4;
	(pc) =	sbr.rel @p0 .LBB2_7-.Ltmp4, $4  }
0x288: {  	_ = 	snop  }
0x289: {  	v4 =	vadd.f32 v4, v3  }
0x28a: {  	s13 =	sor.u32 $0x2380, s13  }
0x28b: {  	[tilespmem:s20+$0x14380] =	vst v4  }
0x28c: {  	v4 =	vld [tilespmem:s13+$0x200];
	_ =	sdelay $0x4  }
0x28d: {  	v4 =	vmul.f32 $3.200000000e+01, v4;
	_ =	sdelay $0x1  }
0x28e: {  	v3 =	vadd.f32 v4, v3;
	_ =	sdelay $0x1  }
0x28f: {  	s6 =	simm.s32 $0x12200;
	[tilespmem:s13+$0x12200] =	vst v3;
	s13 =	sadd.s32 s4, s14  }
0x290: {  	[hbm4b:s13+s5] =	stream.linear.scatter [tilespmem:s6], [sflag:$0x7], $0x200, $0x38;
	[tilespmem:$0x1A200] =	vst v63  }
0x291: {  	s20 =	simm.s32 $0x12600;
	s14 =	sadd.s32 $0x80, s13  }
0x292: {  	[hbm4b:s14+s5] =	stream.linear.scatter [tilespmem:s20], [sflag:$0x7], $0x200, $0x38;
	[tilespmem:$0x1A200] =	vst v63  }
0x293: {  	s22 =	simm.s32 $0x12A00;
	s21 =	sadd.s32 $0x100, s13  }
0x294: {  	[hbm4b:s21+s5] =	stream.linear.scatter [tilespmem:s22], [sflag:$0x7], $0x200, $0x38;
	[tilespmem:$0x1A200] =	vst v63  }
0x295: {  	s24 =	simm.s32 $0x12E00;
	s23 =	sadd.s32 $0x180, s13  }
0x296: {  	[hbm4b:s23+s5] =	stream.linear.scatter [tilespmem:s24], [sflag:$0x7], $0x200, $0x38;
	[tilespmem:$0x1A200] =	vst v63  }
0x297: {  	s19 =	simm.s32 $0x13200;
	s6 =	sadd.s32 $0x200, s13  }
0x298: {  	[hbm4b:s6+s5] =	stream.linear.scatter [tilespmem:s19], [sflag:$0x7], $0x200, $0x38;
	[tilespmem:$0x1A200] =	vst v63  }
0x299: {  	s20 =	sadd.s32 $0x280, s13;
	s21 =	simm.s32 $0x13600  }
0x29a: {  	[hbm4b:s20+s5] =	stream.linear.scatter [tilespmem:s21], [sflag:$0x7], $0x200, $0x38;
	[tilespmem:$0x1A200] =	vst v63  }
0x29b: {  	s22 =	sadd.s32 $0x300, s13;
	s23 =	simm.s32 $0x13A00  }
0x29c: {  	[hbm4b:s22+s5] =	stream.linear.scatter [tilespmem:s23], [sflag:$0x7], $0x200, $0x38;
	[tilespmem:$0x1A200] =	vst v63  }
0x29d: {  	s13 =	sadd.s32 $0x380, s13;
	s24 =	simm.s32 $0x13E00;
	s6 =	sadd.s32 s15, s2  }
0x29e: {  	[hbm4b:s13+s5] =	stream.linear.scatter [tilespmem:s24], [sflag:$0x7], $0x200, $0x38;
	[tilespmem:$0x1A200] =	vst v63  }
0x29f: {  	s13 =	sshll.u32 s6, $0x7  }
0x2a0: {  	s13 =	sand.u32 $0x1FFFFC00, s13  }
0x2a1: {  	s14 =	simm.s32 $0x12400;
	s13 =	sadd.s32 s4, s13  }
0x2a2: {  	[hbm4b:s13+s5] =	stream.linear.scatter [tilespmem:s14], [sflag:$0x7], $0x200, $0x38;
	[tilespmem:$0x1A200] =	vst v63  }
0x2a3: {  	s20 =	simm.s32 $0x12800;
	s19 =	sadd.s32 $0x80, s13  }
0x2a4: {  	[hbm4b:s19+s5] =	stream.linear.scatter [tilespmem:s20], [sflag:$0x7], $0x200, $0x38;
	[tilespmem:$0x1A200] =	vst v63  }
0x2a5: {  	s22 =	simm.s32 $0x12C00;
	s21 =	sadd.s32 $0x100, s13  }
0x2a6: {  	[hbm4b:s21+s5] =	stream.linear.scatter [tilespmem:s22], [sflag:$0x7], $0x200, $0x38;
	[tilespmem:$0x1A200] =	vst v63  }
0x2a7: {  	s24 =	simm.s32 $0x13000;
	s23 =	sadd.s32 $0x180, s13  }
0x2a8: {  	[hbm4b:s23+s5] =	stream.linear.scatter [tilespmem:s24], [sflag:$0x7], $0x200, $0x38;
	[tilespmem:$0x1A200] =	vst v63  }
0x2a9: {  	s19 =	sadd.s32 $0x200, s13;
	s20 =	simm.s32 $0x13400  }
0x2aa: {  	[hbm4b:s19+s5] =	stream.linear.scatter [tilespmem:s20], [sflag:$0x7], $0x200, $0x38;
	[tilespmem:$0x1A200] =	vst v63  }
0x2ab: {  	s21 =	sadd.s32 $0x280, s13;
	s22 =	simm.s32 $0x13800  }
0x2ac: {  	[hbm4b:s21+s5] =	stream.linear.scatter [tilespmem:s22], [sflag:$0x7], $0x200, $0x38;
	[tilespmem:$0x1A200] =	vst v63  }
0x2ad: {  	s23 =	sadd.s32 $0x300, s13;
	s24 =	simm.s32 $0x13C00  }
0x2ae: {  	[hbm4b:s23+s5] =	stream.linear.scatter [tilespmem:s24], [sflag:$0x7], $0x200, $0x38;
	[tilespmem:$0x1A200] =	vst v63  }
0x2af: {  	s14 =	simm.s32 $0x14000;
	s13 =	sadd.s32 $0x380, s13;
	s19 =	sadd.s32 s16, s2  }
0x2b0: {  	[hbm4b:s13+s5] =	stream.linear.scatter [tilespmem:s14], [sflag:$0x7], $0x200, $0x38;
	[tilespmem:$0x1A200] =	vst v63  }
0x2b1: {  	s13 =	sshll.u32 s19, $0x7  }
0x2b2: {  	s13 =	sand.u32 $0x1FFFFC00, s13  }
0x2b3: {  	s20 =	simm.s32 $0x14200;
	s13 =	sadd.s32 s4, s13  }
0x2b4: {  	[hbm4b:s13+s5] =	stream.linear.scatter [tilespmem:s20], [sflag:$0x7], $0x200, $0x38;
	[tilespmem:$0x1A200] =	vst v63  }
0x2b5: {  	s22 =	simm.s32 $0x14600;
	s21 =	sadd.s32 $0x80, s13  }
0x2b6: {  	[hbm4b:s21+s5] =	stream.linear.scatter [tilespmem:s22], [sflag:$0x7], $0x200, $0x38;
	[tilespmem:$0x1A200] =	vst v63  }
0x2b7: {  	s24 =	simm.s32 $0x14A00;
	s23 =	sadd.s32 $0x100, s13  }
0x2b8: {  	[hbm4b:s23+s5] =	stream.linear.scatter [tilespmem:s24], [sflag:$0x7], $0x200, $0x38;
	[tilespmem:$0x1A200] =	vst v63  }
0x2b9: {  	s19 =	sadd.s32 $0x180, s13;
	s20 =	simm.s32 $0x14E00  }
0x2ba: {  	[hbm4b:s19+s5] =	stream.linear.scatter [tilespmem:s20], [sflag:$0x7], $0x200, $0x38;
	[tilespmem:$0x1A200] =	vst v63  }
0x2bb: {  	s21 =	sadd.s32 $0x200, s13;
	s22 =	simm.s32 $0x15200  }
0x2bc: {  	[hbm4b:s21+s5] =	stream.linear.scatter [tilespmem:s22], [sflag:$0x7], $0x200, $0x38;
	[tilespmem:$0x1A200] =	vst v63  }
0x2bd: {  	s23 =	sadd.s32 $0x280, s13;
	s24 =	simm.s32 $0x15600;
	s21 =	sadd.s32 s17, s2  }
0x2be: {  	[hbm4b:s23+s5] =	stream.linear.scatter [tilespmem:s24], [sflag:$0x7], $0x200, $0x38;
	[tilespmem:$0x1A200] =	vst v63  }
0x2bf: {  	s6 =	sadd.s32 $0x300, s13;
	s19 =	simm.s32 $0x15A00;
	s2 =	sshll.u32 s21, $0x7  }
0x2c0: {  	[hbm4b:s6+s5] =	stream.linear.scatter [tilespmem:s19], [sflag:$0x7], $0x200, $0x38;
	[tilespmem:$0x1A200] =	vst v63  }
0x2c1: {  	s13 =	sadd.s32 $0x380, s13;
	s20 =	simm.s32 $0x15E00;
	s2 =	sand.u32 $0x1FFFFC00, s2  }
0x2c2: {  	[hbm4b:s13+s5] =	stream.linear.scatter [tilespmem:s20], [sflag:$0x7], $0x200, $0x38;
	[tilespmem:$0x1A200] =	vst v63  }
0x2c3: {  	s22 =	simm.s32 $0x14400;
	s2 =	sadd.s32 s4, s2  }
0x2c4: {  	[hbm4b:s2+s5] =	stream.linear.scatter [tilespmem:s22], [sflag:$0x7], $0x200, $0x38;
	[tilespmem:$0x1A200] =	vst v63  }
0x2c5: {  	s24 =	simm.s32 $0x14800;
	s23 =	sadd.s32 $0x80, s2  }
0x2c6: {  	[hbm4b:s23+s5] =	stream.linear.scatter [tilespmem:s24], [sflag:$0x7], $0x200, $0x38;
	[tilespmem:$0x1A200] =	vst v63  }
0x2c7: {  	s14 =	simm.s32 $0x14C00;
	s6 =	sadd.s32 $0x100, s2  }
0x2c8: {  	[hbm4b:s6+s5] =	stream.linear.scatter [tilespmem:s14], [sflag:$0x7], $0x200, $0x38;
	[tilespmem:$0x1A200] =	vst v63  }
0x2c9: {  	s19 =	sadd.s32 $0x180, s2;
	s20 =	simm.s32 $0x15000  }
0x2ca: {  	[hbm4b:s19+s5] =	stream.linear.scatter [tilespmem:s20], [sflag:$0x7], $0x200, $0x38;
	[tilespmem:$0x1A200] =	vst v63  }
0x2cb: {  	s21 =	sadd.s32 $0x200, s2;
	s22 =	simm.s32 $0x15400  }
0x2cc: {  	[hbm4b:s21+s5] =	stream.linear.scatter [tilespmem:s22], [sflag:$0x7], $0x200, $0x38;
	[tilespmem:$0x1A200] =	vst v63  }
0x2cd: {  	s23 =	sadd.s32 $0x280, s2;
	s24 =	simm.s32 $0x15800  }
0x2ce: {  	[hbm4b:s23+s5] =	stream.linear.scatter [tilespmem:s24], [sflag:$0x7], $0x200, $0x38;
	[tilespmem:$0x1A200] =	vst v63  }
0x2cf: {  	s6 =	sadd.s32 $0x300, s2;
	s14 =	simm.s32 $0x15C00  }
0x2d0: {  	[hbm4b:s6+s5] =	stream.linear.scatter [tilespmem:s14], [sflag:$0x7], $0x200, $0x38;
	[tilespmem:$0x1A200] =	vst v63  }
0x2d1: {  	p0 =	seq.s32 s10, $0x7;
	s2 =	sadd.s32 $0x380, s2;
	s19 =	simm.s32 $0x16000  }
0x2d2: {  	[hbm4b:s2+s5] =	stream.linear.scatter [tilespmem:s19], [sflag:$0x7], $0x200, $0x38;
	[tilespmem:$0x1A200] =	vst v63  }
0x2d3: {  	s2 =	sadd.s32 @!p0 $0x4, s3  }
0x2d4: {  	s13 =	sshll.u32 @!p0 s2, $0x4  }
0x2d5: {  	s13 =	sand.u32 @!p0 $0x3FFFFFF0, s13  }
0x2d6: {  	v3 =	vld @!p0 [tilespmem:s13+$0x0];
	_ =	sdelay $0x4  }
0x2d7: {  	v4 =	vshll.u32 @!p0 v3, $0x3  }
0x2d8: {  	v5 =	vlaneseq.u32 @!p0;
	v3 =	vand.u32 @!p0 $0x7, v3;
	v4 =	vand.u32 @!p0 $0xFFFFFFC0, v4  }
0x2d9: {  	v6 =	vshrl.u32 @!p0 v5, $0x3;
	v3 =	vor.u32 @!p0 v3, v4;
	v4 =	vand.u32 @!p0 $0x7, v5  }
0x2da: {  	v6 =	vmul.u32 @!p0 $0x8, v6;
	v4 =	vperm.xlane @!p0 v3, v4;
	_ =	sdelay $0x1  }
0x2db: {  	v4 =	vadd.s32 @!p0 v6, v4;
	_ =	sdelay $0x3  }
0x2dc: {  	vm1 =	vmmov @!p0 $0xffff;
	s14 =	simm.s32 @!p0 $0x200;
	s13 =	simm.s32 @!p0 $0x0  }
0x2dd: {  	v5 =	vor.u32 @!p0 $0x8, v5;
	[tilespmem:s14], [sflag:$0x1] =	stream.indirect_vreg.gather @!p0 [hbm4b:s1+s13], $0x80, v4, vm1, $0xb8;
	[tilespmem:$0x1A200] =	vst v63  }
0x2de: {  	s19 =	simm.s32 @!p0 $0xA00;
	v3 =	vperm.xlane @!p0 v3, v5  }
0x2df: {  	[tilespmem:s19], [sflag:$0x1] =	stream.indirect_vreg.gather @!p0 [hbm4b:s8+s13], $0x80, v4, vm1, $0xb8;
	[tilespmem:$0x1A200] =	vst v63  }
0x2e0: {  	v3 =	vadd.s32 @!p0 v6, v3;
	s19 =	simm.s32 @!p0 $0x1200  }
0x2e1: {  	[tilespmem:s19], [sflag:$0x1] =	stream.indirect_vreg.gather @!p0 [hbm4b:s9+s13], $0x80, v4, vm1, $0xb8;
	[tilespmem:$0x1A200] =	vst v63  }
0x2e2: {  	s19 =	simm.s32 @!p0 $0x1A00  }
0x2e3: {  	[tilespmem:s19], [sflag:$0x1] =	stream.indirect_vreg.gather @!p0 [hbm4b:s12+s13], $0x80, v4, vm1, $0xb8;
	[tilespmem:$0x1A200] =	vst v63  }
0x2e4: {  	s19 =	simm.s32 @!p0 $0x2200  }
0x2e5: {  	[tilespmem:s19], [sflag:$0x1] =	stream.indirect_vreg.gather @!p0 [hbm4b:s1+s13], $0x80, v3, vm1, $0xb8;
	[tilespmem:$0x1A200] =	vst v63  }
0x2e6: {  	s19 =	simm.s32 @!p0 $0x2A00  }
0x2e7: {  	[tilespmem:s19], [sflag:$0x1] =	stream.indirect_vreg.gather @!p0 [hbm4b:s8+s13], $0x80, v3, vm1, $0xb8;
	[tilespmem:$0x1A200] =	vst v63  }
0x2e8: {  	s19 =	simm.s32 @!p0 $0x3200  }
0x2e9: {  	[tilespmem:s19], [sflag:$0x1] =	stream.indirect_vreg.gather @!p0 [hbm4b:s9+s13], $0x80, v3, vm1, $0xb8;
	[tilespmem:$0x1A200] =	vst v63  }
0x2ea: {  	s6 =	rddreg [dreg:$0x9];
	s2 =	sshll.u32 @!p0 s2, $0x9;
	s19 =	simm.s32 @!p0 $0x3A00  }
0x2eb: {  	[tilespmem:s19], [sflag:$0x1] =	stream.indirect_vreg.gather @!p0 [hbm4b:s12+s13], $0x80, v3, vm1, $0xb8;
	[tilespmem:$0x1A200] =	vst v63  }
0x2ec: {  	s2 =	sadd.s32 @!p0 s2, s6;
	s13 =	simm.s32 @!p0 $0x400;
	s19 =	simm.s32 @!p0 $0x8200  }
0x2ed: {  	[tilespmem:s19], [sflag:$0x3] =	stream.strided.gather @!p0 [hbm4b:s2+s14], $0x1000, s13, s14, $0x38;
	[tilespmem:$0x1A200] =	vst v63  }
0x2ee: {  	_ =	swait.ge [sflag:s11], $0x1000  }
0x2ef: {  	[sflag:s11] =	ssyncset.done $0x0  }
0x2f0: {  	[sflag:s11] =	ssyncadd.s32 $0xFFFFF000  }
0x2f1: {  	_ =	swait.ge [sflag:s11], $0x1000  }
0x2f2: {  	[sflag:s11] =	ssyncset.done $0x0  }
0x2f3: {  	[sflag:s11] =	ssyncadd.s32 $0xFFFFF000  }
0x2f4: {  	_ =	swait.ge [sflag:s11], $0x1000  }
0x2f5: {  	[sflag:s11] =	ssyncset.done $0x0  }
0x2f6: {  	[sflag:s11] =	ssyncadd.s32 $0xFFFFF000  }
0x2f7: {  	_ =	swait.ge [sflag:s11], $0x1000  }
0x2f8: {  	[sflag:s11] =	ssyncset.done $0x0  }
0x2f9: {  	[sflag:s11] =	ssyncadd.s32 $0xFFFFF000  }
0x2fa: {  	_ =	swait.ge [sflag:s28], $0x4000  }
0x2fb: {  	[sflag:s28] =	ssyncset.done $0x0  }
0x2fc: {  	s20 =	simm.s32 $0x0;
	[sflag:s28] =	ssyncadd.s32 $0xFFFFC000  }
0x2fd: {  	s21 =	simm.s32 $0x0;
	s2 =	simm.s32 $0x0;
	_ =	swait.ge [sflag:s29], $0x1000  }
0x2fe: {  	s13 =	sand.u32 $0x3FFFFE00, s20;
	s22 =	sand.u32 $0x70, s2;
	[sflag:s29] =	ssyncset.done $0x0  }
0x2ff: {  	s14 =	sand.u32 $0xFFFFFC00, s21;
	s20 =	sor.u32 s22, s13;
	[sflag:s29] =	ssyncadd.s32 $0xFFFFF000  }
0x300: {  	s23 =	sor.u32 s22, s14;
	v3 =	vld [tilespmem:s20+$0x9200]  }
0x301: {  	v4 =	vld [tilespmem:s23+$0x6400]  }
0x302: {  	v5 =	vld [tilespmem:s23+$0x6200]  }
0x303: {  	v59 =	vld [tilespmem:s23+$0x4200]  }
0x304: {  	v7 =	vld [tilespmem:s23+$0x4400];
	_ =	sdelay $0x1  }
0x305: {  	v4 =	vmul.f32 $3.200000000e+01, v4  }
0x306: {  	v5 =	vmul.f32 $3.200000000e+01, v5  }
0x307: {  	v6 =	vmul.f32 $3.200000000e+01, v59;
	v4 =	vadd.f32 v4, v3  }
0x308: {  	v7 =	vmul.f32 $3.200000000e+01, v7;
	v5 =	vadd.f32 v5, v3  }
0x309: {  	v6 =	vadd.f32 v6, v3;
	[tilespmem:s23+$0x18400] =	vst v4  }
0x30a: {  	v60 =	vld [tilespmem:s23+$0x4480];
	v3 =	vadd.f32 v7, v3;
	[tilespmem:s23+$0x18200] =	vst v5  }
0x30b: {  	v4 =	vld [tilespmem:s23+$0x6480];
	[tilespmem:s23+$0x16200] =	vst v6  }
0x30c: {  	v5 =	vld [tilespmem:s23+$0x4280];
	[tilespmem:s23+$0x16400] =	vst v3  }
0x30d: {  	v3 =	vld [tilespmem:s20+$0x9280]  }
0x30e: {  	v61 =	vld [tilespmem:s23+$0x6280];
	_ =	sdelay $0x1  }
0x30f: {  	v6 =	vmul.f32 $3.200000000e+01, v60  }
0x310: {  	v5 =	vmul.f32 $3.200000000e+01, v5  }
0x311: {  	v4 =	vmul.f32 $3.200000000e+01, v4;
	v6 =	vadd.f32 v6, v3  }
0x312: {  	v7 =	vmul.f32 $3.200000000e+01, v61;
	v5 =	vadd.f32 v5, v3  }
0x313: {  	v4 =	vadd.f32 v4, v3;
	[tilespmem:s23+$0x16480] =	vst v6  }
0x314: {  	v62 =	vld [tilespmem:s23+$0x4500];
	v3 =	vadd.f32 v7, v3;
	[tilespmem:s23+$0x16280] =	vst v5  }
0x315: {  	v5 =	vld [tilespmem:s23+$0x6500];
	[tilespmem:s23+$0x18480] =	vst v4  }
0x316: {  	v4 =	vld [tilespmem:s23+$0x4300];
	[tilespmem:s23+$0x18280] =	vst v3  }
0x317: {  	v3 =	vld [tilespmem:s20+$0x9300]  }
0x318: {  	v63 =	vld [tilespmem:s23+$0x6300];
	_ =	sdelay $0x1  }
0x319: {  	v6 =	vmul.f32 $3.200000000e+01, v62  }
0x31a: {  	v4 =	vmul.f32 $3.200000000e+01, v4  }
0x31b: {  	v5 =	vmul.f32 $3.200000000e+01, v5;
	v6 =	vadd.f32 v6, v3  }
0x31c: {  	v7 =	vmul.f32 $3.200000000e+01, v63;
	v4 =	vadd.f32 v4, v3  }
0x31d: {  	v5 =	vadd.f32 v5, v3;
	[tilespmem:s23+$0x16500] =	vst v6  }
0x31e: {  	v3 =	vadd.f32 v7, v3;
	[tilespmem:s23+$0x16300] =	vst v4  }
0x31f: {  	[tilespmem:s23+$0x18500] =	vst v5;
	v4 =	vld [tilespmem:s23+$0x4380]  }
0x320: {  	[tilespmem:s23+$0x18300] =	vst v3  }
0x321: {  	v3 =	vld [tilespmem:s20+$0x9380];
	_ =	sdelay $0x2  }
0x322: {  	v4 =	vmul.f32 $3.200000000e+01, v4;
	_ =	sdelay $0x1  }
0x323: {  	v4 =	vadd.f32 v4, v3  }
0x324: {  	s24 =	sadd.s32 $0x0, s14  }
0x325: {  	s14 =	sor.u32 $0x380, s24;
	[tilespmem:s23+$0x16380] =	vst v4  }
0x326: {  	v4 =	vld [tilespmem:s14+$0x4200];
	_ =	sdelay $0x4  }
0x327: {  	v4 =	vmul.f32 $3.200000000e+01, v4;
	_ =	sdelay $0x1  }
0x328: {  	v4 =	vadd.f32 v4, v3;
	_ =	sdelay $0x1  }
0x329: {  	[tilespmem:s14+$0x16200] =	vst v4  }
0x32a: {  	v4 =	vld [tilespmem:s23+$0x6380];
	_ =	sdelay $0x4  }
0x32b: {  	v4 =	vmul.f32 $3.200000000e+01, v4;
	_ =	sdelay $0x1  }
0x32c: {  	v4 =	vadd.f32 v4, v3;
	_ =	sdelay $0x1  }
0x32d: {  	s13 =	sor.u32 $0x2380, s24;
	s14 =	simm.s32 $0x1;
	[tilespmem:s23+$0x18380] =	vst v4  }
.LBB2_9:
0x32e: {  	p1 =	sne.s32 s14, $0x3F  }
0x32f: {  	v4 =	vld [tilespmem:s13+$0x4200];
	s2 =	sadd.s32 $0x10, s2;
	s19 =	smov.u32 s14;
	s14 =	sadd.s32 $0x1, s14  }
0x330: {  	_ =	sdelay $0x3  }
0x331: {  	v4 =	vmul.f32 $3.200000000e+01, v4;
	_ =	sdelay $0x1  }
0x332: {  	s20 =	sshll.u32 s19, $0x6;
	v3 =	vadd.f32 v4, v3  }
0x333: {  	s19 =	sshll.u32 s19, $0x7;
	s21 =	sand.u32 $0x70, s2;
	s20 =	sand.u32 $0x3FFFFE00, s20  }
0x334: {  	s19 =	sand.u32 $0xFFFFFC00, s19;
	s20 =	sor.u32 s21, s20;
	[tilespmem:s13+$0x16200] =	vst v3  }
0x335: {  	s13 =	sadd.s32 s19, s2;
	s19 =	sor.u32 s21, s19;
	v3 =	vld [tilespmem:s20+$0x9200]  }
0x336: {  	v4 =	vld [tilespmem:s19+$0x6400]  }
0x337: {  	v5 =	vld [tilespmem:s19+$0x6200]  }
0x338: {  	v6 =	vld [tilespmem:s19+$0x4200]  }
0x339: {  	v7 =	vld [tilespmem:s19+$0x4400];
	_ =	sdelay $0x1  }
0x33a: {  	v4 =	vmul.f32 $3.200000000e+01, v4  }
0x33b: {  	v5 =	vmul.f32 $3.200000000e+01, v5  }
0x33c: {  	v6 =	vmul.f32 $3.200000000e+01, v6;
	v4 =	vadd.f32 v4, v3  }
0x33d: {  	v7 =	vmul.f32 $3.200000000e+01, v7;
	v5 =	vadd.f32 v5, v3  }
0x33e: {  	v6 =	vadd.f32 v6, v3;
	[tilespmem:s19+$0x18400] =	vst v4;
	v4 =	vld [tilespmem:s19+$0x6480]  }
0x33f: {  	v3 =	vadd.f32 v7, v3;
	[tilespmem:s19+$0x18200] =	vst v5;
	v5 =	vld [tilespmem:s19+$0x4480]  }
0x340: {  	[tilespmem:s19+$0x16200] =	vst v6;
	v6 =	vld [tilespmem:s19+$0x4280]  }
0x341: {  	[tilespmem:s19+$0x16400] =	vst v3;
	v3 =	vld [tilespmem:s19+$0x6280]  }
0x342: {  	v7 =	vld [tilespmem:s20+$0x9280];
	_ =	sdelay $0x2  }
0x343: {  	v5 =	vmul.f32 $3.200000000e+01, v5;
	v6 =	vmul.f32 $3.200000000e+01, v6  }
0x344: {  	v4 =	vmul.f32 $3.200000000e+01, v4;
	v3 =	vmul.f32 $3.200000000e+01, v3  }
0x345: {  	v6 =	vadd.f32 v6, v7;
	v5 =	vadd.f32 v5, v7  }
0x346: {  	v4 =	vadd.f32 v4, v7;
	v3 =	vadd.f32 v3, v7  }
0x347: {  	[tilespmem:s19+$0x16280] =	vst v6;
	v6 =	vld [tilespmem:s19+$0x6500]  }
0x348: {  	[tilespmem:s19+$0x18480] =	vst v4;
	v4 =	vld [tilespmem:s19+$0x4500]  }
0x349: {  	[tilespmem:s19+$0x16480] =	vst v5;
	v5 =	vld [tilespmem:s19+$0x4300]  }
0x34a: {  	[tilespmem:s19+$0x18280] =	vst v3;
	v3 =	vld [tilespmem:s19+$0x6300]  }
0x34b: {  	v7 =	vld [tilespmem:s20+$0x9300];
	_ =	sdelay $0x2  }
0x34c: {  	v4 =	vmul.f32 $3.200000000e+01, v4;
	v5 =	vmul.f32 $3.200000000e+01, v5  }
0x34d: {  	v6 =	vmul.f32 $3.200000000e+01, v6;
	v3 =	vmul.f32 $3.200000000e+01, v3  }
0x34e: {  	v5 =	vadd.f32 v5, v7;
	v4 =	vadd.f32 v4, v7  }
0x34f: {  	v6 =	vadd.f32 v6, v7;
	v3 =	vadd.f32 v3, v7  }
0x350: {  	[tilespmem:s19+$0x16300] =	vst v5  }
0x351: {  	[tilespmem:s19+$0x18500] =	vst v6;
	v5 =	vld [tilespmem:s19+$0x4380]  }
0x352: {  	[tilespmem:s19+$0x16500] =	vst v4  }
0x353: {  	[tilespmem:s19+$0x18300] =	vst v3  }
0x354: {  	v3 =	vld [tilespmem:s20+$0x9380];
	_ =	sdelay $0x1  }
0x355: {  	v4 =	vmul.f32 $3.200000000e+01, v5;
	_ =	sdelay $0x2  }
0x356: {  	v4 =	vadd.f32 v4, v3  }
0x357: {  	s20 =	sor.u32 $0x380, s13  }
0x358: {  	[tilespmem:s19+$0x16380] =	vst v4  }
0x359: {  	v4 =	vld [tilespmem:s20+$0x4200];
	_ =	sdelay $0x4  }
0x35a: {  	v4 =	vmul.f32 $3.200000000e+01, v4;
	_ =	sdelay $0x1  }
0x35b: {  	v4 =	vadd.f32 v4, v3;
	_ =	sdelay $0x1  }
0x35c: {  	[tilespmem:s20+$0x16200] =	vst v4  }
0x35d: {  	v4 =	vld [tilespmem:s19+$0x6380];
	_ =	sdelay $0x4  }
.Ltmp5:
0x35e: {  	v4 =	vmul.f32 $3.200000000e+01, v4;
	(pc) =	sbr.rel @p1 .LBB2_9-.Ltmp5, $4  }
0x35f: {  	_ = 	snop  }
0x360: {  	v4 =	vadd.f32 v4, v3  }
0x361: {  	s13 =	sor.u32 $0x2380, s13  }
0x362: {  	[tilespmem:s19+$0x18380] =	vst v4  }
0x363: {  	v4 =	vld [tilespmem:s13+$0x4200];
	_ =	sdelay $0x4  }
0x364: {  	v4 =	vmul.f32 $3.200000000e+01, v4;
	_ =	sdelay $0x1  }
0x365: {  	v3 =	vadd.f32 v4, v3;
	_ =	sdelay $0x1  }
0x366: {  	s2 =	sadd.s32 s4, s7;
	s6 =	simm.s32 $0x16200;
	[tilespmem:s13+$0x16200] =	vst v3  }
0x367: {  	[hbm4b:s2+s5] =	stream.linear.scatter [tilespmem:s6], [sflag:$0x8], $0x200, $0x38;
	[tilespmem:$0x1A200] =	vst v63  }
0x368: {  	s22 =	simm.s32 $0x16600;
	s7 =	sadd.s32 $0x80, s2  }
0x369: {  	[hbm4b:s7+s5] =	stream.linear.scatter [tilespmem:s22], [sflag:$0x8], $0x200, $0x38;
	[tilespmem:$0x1A200] =	vst v63  }
0x36a: {  	s24 =	simm.s32 $0x16A00;
	s23 =	sadd.s32 $0x100, s2  }
0x36b: {  	[hbm4b:s23+s5] =	stream.linear.scatter [tilespmem:s24], [sflag:$0x8], $0x200, $0x38;
	[tilespmem:$0x1A200] =	vst v63  }
0x36c: {  	s13 =	simm.s32 $0x16E00;
	s6 =	sadd.s32 $0x180, s2  }
0x36d: {  	[hbm4b:s6+s5] =	stream.linear.scatter [tilespmem:s13], [sflag:$0x8], $0x200, $0x38;
	[tilespmem:$0x1A200] =	vst v63  }
0x36e: {  	s19 =	simm.s32 $0x17200;
	s14 =	sadd.s32 $0x200, s2  }
0x36f: {  	[hbm4b:s14+s5] =	stream.linear.scatter [tilespmem:s19], [sflag:$0x8], $0x200, $0x38;
	[tilespmem:$0x1A200] =	vst v63  }
0x370: {  	s21 =	simm.s32 $0x17600;
	s20 =	sadd.s32 $0x280, s2  }
0x371: {  	[hbm4b:s20+s5] =	stream.linear.scatter [tilespmem:s21], [sflag:$0x8], $0x200, $0x38;
	[tilespmem:$0x1A200] =	vst v63  }
0x372: {  	s22 =	sadd.s32 $0x300, s2;
	s23 =	simm.s32 $0x17A00  }
0x373: {  	[hbm4b:s22+s5] =	stream.linear.scatter [tilespmem:s23], [sflag:$0x8], $0x200, $0x38;
	[tilespmem:$0x1A200] =	vst v63  }
0x374: {  	s2 =	sadd.s32 $0x380, s2;
	s24 =	simm.s32 $0x17E00;
	s6 =	sadd.s32 s15, s0  }
0x375: {  	[hbm4b:s2+s5] =	stream.linear.scatter [tilespmem:s24], [sflag:$0x8], $0x200, $0x38;
	[tilespmem:$0x1A200] =	vst v63  }
0x376: {  	s2 =	sshll.u32 s6, $0x7  }
0x377: {  	s2 =	sand.u32 $0x1FFFFC00, s2  }
0x378: {  	s7 =	simm.s32 $0x16400;
	s2 =	sadd.s32 s2, s18  }
0x379: {  	[hbm4b:s2+s5] =	stream.linear.scatter [tilespmem:s7], [sflag:$0x8], $0x200, $0x38;
	[tilespmem:$0x1A200] =	vst v63  }
0x37a: {  	s14 =	simm.s32 $0x16800;
	s13 =	sadd.s32 $0x80, s2  }
0x37b: {  	[hbm4b:s13+s5] =	stream.linear.scatter [tilespmem:s14], [sflag:$0x8], $0x200, $0x38;
	[tilespmem:$0x1A200] =	vst v63  }
0x37c: {  	s20 =	simm.s32 $0x16C00;
	s19 =	sadd.s32 $0x100, s2  }
0x37d: {  	[hbm4b:s19+s5] =	stream.linear.scatter [tilespmem:s20], [sflag:$0x8], $0x200, $0x38;
	[tilespmem:$0x1A200] =	vst v63  }
0x37e: {  	s22 =	simm.s32 $0x17000;
	s21 =	sadd.s32 $0x180, s2  }
0x37f: {  	[hbm4b:s21+s5] =	stream.linear.scatter [tilespmem:s22], [sflag:$0x8], $0x200, $0x38;
	[tilespmem:$0x1A200] =	vst v63  }
0x380: {  	s24 =	simm.s32 $0x17400;
	s23 =	sadd.s32 $0x200, s2  }
0x381: {  	[hbm4b:s23+s5] =	stream.linear.scatter [tilespmem:s24], [sflag:$0x8], $0x200, $0x38;
	[tilespmem:$0x1A200] =	vst v63  }
0x382: {  	s6 =	sadd.s32 $0x280, s2;
	s13 =	simm.s32 $0x17800  }
0x383: {  	[hbm4b:s6+s5] =	stream.linear.scatter [tilespmem:s13], [sflag:$0x8], $0x200, $0x38;
	[tilespmem:$0x1A200] =	vst v63  }
0x384: {  	s14 =	sadd.s32 $0x300, s2;
	s19 =	simm.s32 $0x17C00  }
0x385: {  	[hbm4b:s14+s5] =	stream.linear.scatter [tilespmem:s19], [sflag:$0x8], $0x200, $0x38;
	[tilespmem:$0x1A200] =	vst v63  }
0x386: {  	s2 =	sadd.s32 $0x380, s2;
	s20 =	simm.s32 $0x18000;
	s21 =	sadd.s32 s16, s0  }
0x387: {  	[hbm4b:s2+s5] =	stream.linear.scatter [tilespmem:s20], [sflag:$0x8], $0x200, $0x38;
	[tilespmem:$0x1A200] =	vst v63  }
0x388: {  	s2 =	sshll.u32 s21, $0x7  }
0x389: {  	s2 =	sand.u32 $0x1FFFFC00, s2  }
0x38a: {  	s22 =	simm.s32 $0x18200;
	s2 =	sadd.s32 s2, s18  }
0x38b: {  	[hbm4b:s2+s5] =	stream.linear.scatter [tilespmem:s22], [sflag:$0x8], $0x200, $0x38;
	[tilespmem:$0x1A200] =	vst v63  }
0x38c: {  	s24 =	simm.s32 $0x18600;
	s23 =	sadd.s32 $0x80, s2  }
0x38d: {  	[hbm4b:s23+s5] =	stream.linear.scatter [tilespmem:s24], [sflag:$0x8], $0x200, $0x38;
	[tilespmem:$0x1A200] =	vst v63  }
0x38e: {  	s14 =	simm.s32 $0x18A00;
	s13 =	sadd.s32 $0x100, s2  }
0x38f: {  	[hbm4b:s13+s5] =	stream.linear.scatter [tilespmem:s14], [sflag:$0x8], $0x200, $0x38;
	[tilespmem:$0x1A200] =	vst v63  }
0x390: {  	s20 =	simm.s32 $0x18E00;
	s19 =	sadd.s32 $0x180, s2  }
0x391: {  	[hbm4b:s19+s5] =	stream.linear.scatter [tilespmem:s20], [sflag:$0x8], $0x200, $0x38;
	[tilespmem:$0x1A200] =	vst v63  }
0x392: {  	s21 =	sadd.s32 $0x200, s2;
	s22 =	simm.s32 $0x19200  }
0x393: {  	[hbm4b:s21+s5] =	stream.linear.scatter [tilespmem:s22], [sflag:$0x8], $0x200, $0x38;
	[tilespmem:$0x1A200] =	vst v63  }
0x394: {  	s23 =	sadd.s32 $0x280, s2;
	s24 =	simm.s32 $0x19600;
	s19 =	sadd.s32 s17, s0  }
0x395: {  	[hbm4b:s23+s5] =	stream.linear.scatter [tilespmem:s24], [sflag:$0x8], $0x200, $0x38;
	[tilespmem:$0x1A200] =	vst v63  }
0x396: {  	s6 =	sadd.s32 $0x300, s2;
	s13 =	simm.s32 $0x19A00;
	s0 =	sshll.u32 s19, $0x7  }
0x397: {  	[hbm4b:s6+s5] =	stream.linear.scatter [tilespmem:s13], [sflag:$0x8], $0x200, $0x38;
	[tilespmem:$0x1A200] =	vst v63  }
0x398: {  	s2 =	sadd.s32 $0x380, s2;
	s14 =	simm.s32 $0x19E00;
	s0 =	sand.u32 $0x1FFFFC00, s0  }
0x399: {  	[hbm4b:s2+s5] =	stream.linear.scatter [tilespmem:s14], [sflag:$0x8], $0x200, $0x38;
	[tilespmem:$0x1A200] =	vst v63  }
0x39a: {  	s20 =	simm.s32 $0x18400;
	s0 =	sadd.s32 s0, s18  }
0x39b: {  	[hbm4b:s0+s5] =	stream.linear.scatter [tilespmem:s20], [sflag:$0x8], $0x200, $0x38;
	[tilespmem:$0x1A200] =	vst v63  }
0x39c: {  	s22 =	simm.s32 $0x18800;
	s21 =	sadd.s32 $0x80, s0  }
0x39d: {  	[hbm4b:s21+s5] =	stream.linear.scatter [tilespmem:s22], [sflag:$0x8], $0x200, $0x38;
	[tilespmem:$0x1A200] =	vst v63  }
0x39e: {  	s23 =	sadd.s32 $0x100, s0;
	s24 =	simm.s32 $0x18C00  }
0x39f: {  	[hbm4b:s23+s5] =	stream.linear.scatter [tilespmem:s24], [sflag:$0x8], $0x200, $0x38;
	[tilespmem:$0x1A200] =	vst v63  }
0x3a0: {  	s7 =	sadd.s32 $0x180, s0;
	s13 =	simm.s32 $0x19000  }
0x3a1: {  	[hbm4b:s7+s5] =	stream.linear.scatter [tilespmem:s13], [sflag:$0x8], $0x200, $0x38;
	[tilespmem:$0x1A200] =	vst v63  }
0x3a2: {  	s19 =	simm.s32 $0x19400;
	s14 =	sadd.s32 $0x200, s0  }
0x3a3: {  	[hbm4b:s14+s5] =	stream.linear.scatter [tilespmem:s19], [sflag:$0x8], $0x200, $0x38;
	[tilespmem:$0x1A200] =	vst v63  }
0x3a4: {  	s20 =	sadd.s32 $0x280, s0;
	s21 =	simm.s32 $0x19800  }
0x3a5: {  	[hbm4b:s20+s5] =	stream.linear.scatter [tilespmem:s21], [sflag:$0x8], $0x200, $0x38;
	[tilespmem:$0x1A200] =	vst v63  }
.Ltmp6:
0x3a6: {  	_ = 	snop;
	(pc) =	sbr.rel @p0 .LBB2_12-.Ltmp6, $4  }
0x3a7: {  	s22 =	sadd.s32 $0x300, s0;
	s23 =	simm.s32 $0x19C00  }
0x3a8: {  	[hbm4b:s22+s5] =	stream.linear.scatter [tilespmem:s23], [sflag:$0x8], $0x200, $0x38;
	[tilespmem:$0x1A200] =	vst v63  }
0x3a9: {  	s0 =	sadd.s32 $0x380, s0;
	s24 =	simm.s32 $0x1A000  }
0x3aa: {  	[hbm4b:s0+s5] =	stream.linear.scatter [tilespmem:s24], [sflag:$0x8], $0x200, $0x38;
	[tilespmem:$0x1A200] =	vst v63  }
0x3ab: {  	s0 =	sadd.s32 $0x5, s3  }
0x3ac: {  	s2 =	sshll.u32 s0, $0x4  }
0x3ad: {  	s2 =	sand.u32 $0x3FFFFFF0, s2  }
0x3ae: {  	v3 =	vld [tilespmem:s2+$0x0];
	_ =	sdelay $0x4  }
0x3af: {  	v4 =	vshll.u32 v3, $0x3  }
0x3b0: {  	v3 =	vand.u32 $0x7, v3;
	v4 =	vand.u32 $0xFFFFFFC0, v4  }
0x3b1: {  	v3 =	vor.u32 v3, v4  }
0x3b2: {  	v4 =	vperm.xlane v3, v0;
	_ =	sdelay $0x1  }
0x3b3: {  	v4 =	vadd.s32 v1, v4;
	_ =	sdelay $0x3  }
0x3b4: {  	s24 =	simm.s32 $0x4200  }
0x3b5: {  	[tilespmem:s24], [sflag:$0x2] =	stream.indirect_vreg.gather [hbm4b:s1+s5], $0x80, v4, vm0, $0xb8;
	[tilespmem:$0x1A200] =	vst v63  }
0x3b6: {  	s3 =	simm.s32 $0x4A00;
	v3 =	vperm.xlane v3, v2  }
0x3b7: {  	[tilespmem:s3], [sflag:$0x2] =	stream.indirect_vreg.gather [hbm4b:s8+s5], $0x80, v4, vm0, $0xb8;
	[tilespmem:$0x1A200] =	vst v63  }
0x3b8: {  	s6 =	simm.s32 $0x5200;
	v3 =	vadd.s32 v1, v3  }
0x3b9: {  	[tilespmem:s6], [sflag:$0x2] =	stream.indirect_vreg.gather [hbm4b:s9+s5], $0x80, v4, vm0, $0xb8;
	[tilespmem:$0x1A200] =	vst v63  }
0x3ba: {  	s7 =	simm.s32 $0x5A00  }
0x3bb: {  	[tilespmem:s7], [sflag:$0x2] =	stream.indirect_vreg.gather [hbm4b:s12+s5], $0x80, v4, vm0, $0xb8;
	[tilespmem:$0x1A200] =	vst v63  }
0x3bc: {  	s13 =	simm.s32 $0x6200  }
0x3bd: {  	[tilespmem:s13], [sflag:$0x2] =	stream.indirect_vreg.gather [hbm4b:s1+s5], $0x80, v3, vm0, $0xb8;
	[tilespmem:$0x1A200] =	vst v63  }
0x3be: {  	s14 =	simm.s32 $0x6A00;
	s19 =	simm.s32 $0x7200  }
0x3bf: {  	[tilespmem:s14], [sflag:$0x2] =	stream.indirect_vreg.gather [hbm4b:s8+s5], $0x80, v3, vm0, $0xb8;
	[tilespmem:$0x1A200] =	vst v63  }
0x3c0: {  	s20 =	simm.s32 $0x7A00;
	s21 =	rddreg [dreg:$0x7];
	s0 =	sshll.u32 s0, $0x9  }
0x3c1: {  	[tilespmem:s19], [sflag:$0x2] =	stream.indirect_vreg.gather [hbm4b:s9+s5], $0x80, v3, vm0, $0xb8;
	[tilespmem:$0x1A200] =	vst v63  }
.Ltmp7:
0x3c2: {  	s22 =	rddreg [dreg:$0x8];
	s0 =	sadd.s32 s21, s0;
	(pc) =	sbr.rel .LBB2_2-.Ltmp7, $4  }
0x3c3: {  	s23 =	simm.s32 $0x200;
	s10 =	sadd.s32 $0x1, s10;
	s0 =	sand.u32 $0xFF800, s0  }
0x3c4: {  	[tilespmem:s20], [sflag:$0x2] =	stream.indirect_vreg.gather [hbm4b:s12+s5], $0x80, v3, vm0, $0xb8;
	[tilespmem:$0x1A200] =	vst v63  }
0x3c5: {  	s0 =	sadd.s32 s0, s22;
	s24 =	simm.s32 $0x400;
	s6 =	simm.s32 $0x9200  }
0x3c6: {  	[tilespmem:s6], [sflag:$0x4] =	stream.strided.gather [hbm4b:s0+s23], $0x1000, s24, s23, $0x38;
	[tilespmem:$0x1A200] =	vst v63  }
.LBB2_13:
0x3c7: {  	_ =	sfence.sel $0x180000  }
0x3c8: {  	[bflag:$0x0] =	sbarrier.arrive $0xFFFF  }
0x3c9: {  	_ =	strace $0x90000047  }
0x3ca: {  	s0 =	stileid.u32;
	[bflag:$0x2] =	sbarrier.arrive $0xFFFF  }
0x3cb: {  	p0 =	sne.s32 s0, $0x0;
	s0 =	rddreg [dreg:$0x4]  }
0x3cc: {  	s0 =	sadd.s32 @!p0 $0x100000, s0  }
0x3cd: {  	[sflag:s0] =	ssyncadd.tile.s32 @!p0 $0x1;
	_ =	shalt  }
.Lfunc_end2:
_tile_overlayer_lowered:
.L_overlay_start_2:
0x3ce: {  	(tag) =	ssettag $0x2  }
0x3cf: {  	s0 =	rddreg [dreg:$0x0];
	s2 =	stileid.u32  }
0x3d0: {  	s1 =	rddreg [dreg:$0x1];
	p0 =	sne.s32 s2, $0x0  }
0x3d1: {  	s3 =	rddreg [dreg:$0x2];
	[bflag:$0x3] =	sbarrier.arrive $0xFFFF;
	s2 =	simm.s32 @!p0 $0x1C09  }
0x3d2: {  	[timem:s3], [sflag:s2] =	dma.local @!p0 [hbm:s0], s1  }
0x3d3: {  	s0 =	simm.s32 @!p0 $0x9  }
0x3d4: {  	_ =	swait.ge @!p0 [sflag:s0], s1  }
0x3d5: {  	s1 =	ssub.s32 @!p0 $0x0, s1;
	[sflag:s0] =	ssyncset.done @!p0 $0x0  }
0x3d6: {  	[sflag:s0] =	ssyncadd.s32 @!p0 s1  }
0x3d7: {  	[bflag:$0x3] =	sbarrier.arrive $0xFFFF  }
0x3d8: {  	_ =	shalt  }

</sc_bundles>
